<compile_context>
chip_gen: v7x
topology: tpu7x:2x2x1
jax: 0.10.2.dev20260603
libtpu: 0.0.44.dev20260713+nightly
codegen_flags: <defaults>
</compile_context>

<pallas_src>
import functools

import jax
import jax.numpy as jnp
from jax import lax
from jax.experimental import pallas as pl
from jax.experimental.pallas import tpu as pltpu
from jax.experimental.pallas import tpu_sc as plsc

N_NODES = 10000
N_HEDGES = 5000
NNZ = 320000
D = 128
NCLS = 16

NH_PAD = 5120
NN_PAD = 10240

_C = 80
_N_TILES = 32
_NNZ_PER_TILE = NNZ // _N_TILES
_N_CHUNKS = _NNZ_PER_TILE // _C


def _static_chunks(n, c=128):
    out = []
    o = 0
    while o < n:
        out.append((o, min(c, n - o)))
        o += c
    return out


def _make_spmm(n_src, n_dst, width):
    rows_per_tile = n_dst // 16
    mesh = plsc.VectorSubcoreMesh(core_axis_name="c", subcore_axis_name="s")

    @functools.partial(
        pl.kernel,
        out_type=jax.ShapeDtypeStruct((2, n_dst, width), jnp.float32),
        mesh=mesh,
        scratch_types=[
            pltpu.VMEM((_C,), jnp.int32),
            pltpu.VMEM((_C,), jnp.int32),
            pltpu.VMEM((_C, width), jnp.float32),
            pltpu.VMEM((128, width), jnp.float32),
            pltpu.VMEM_SHARED((n_dst, width), jnp.float32),
            pltpu.SemaphoreType.DMA,
        ],
    )
    def spmm(src_hbm, sidx_hbm, didx_hbm, out_hbm,
             sidx_v, didx_v, rows_v, zero_v, acc_sh, sem):
        c = lax.axis_index("c")
        s = lax.axis_index("s")
        tile = c * 16 + s

        z16 = jnp.zeros((16,), jnp.float32)

        def zrow(i, _):
            for j in range(width // 16):
                zero_v[i, pl.ds(j * 16, 16)] = z16
            return 0

        lax.fori_loop(0, 128, zrow, 0)
        row0 = s * rows_per_tile
        for off, n in _static_chunks(rows_per_tile):
            pltpu.sync_copy(zero_v.at[pl.ds(0, n)],
                            acc_sh.at[pl.ds(row0 + off, n)])
        plsc.subcore_barrier()

        base0 = tile * _NNZ_PER_TILE

        def chunk(i, _):
            base = base0 + i * _C
            pltpu.sync_copy(sidx_hbm.at[pl.ds(base, _C)], sidx_v)
            pltpu.sync_copy(didx_hbm.at[pl.ds(base, _C)], didx_v)
            pltpu.async_copy(src_hbm.at[sidx_v], rows_v, sem).wait()
            pltpu.sync_copy(rows_v, acc_sh.at[didx_v], add=True)
            return 0

        lax.fori_loop(0, _N_CHUNKS, chunk, 0)
        plsc.subcore_barrier()

        for off, n in _static_chunks(rows_per_tile):
            pltpu.sync_copy(acc_sh.at[pl.ds(row0 + off, n)],
                            out_hbm.at[c, pl.ds(row0 + off, n)])

    return spmm


_spmm_n2h = _make_spmm(N_NODES, NH_PAD, D)
_spmm_h2n = _make_spmm(NH_PAD, NN_PAD, D)
_spmm_n2h_b = _spmm_n2h


def _tc_call(body, out_shapes, *args):
    return pl.pallas_call(
        body,
        out_shape=out_shapes,
    )(*args)


def _comb_mm(p_ref, w_ref, o_ref):
    x = p_ref[0] + p_ref[1]
    o_ref[...] = jnp.dot(x, w_ref[...], preferred_element_type=jnp.float32)


def _comb_add(p_ref, o_ref):
    o_ref[...] = p_ref[0] + p_ref[1]


def _heads(p_ref, w2_ref, a1_ref, c1_ref, he_ref, m2_ref):
    x1b = p_ref[0] + p_ref[1]
    he_ref[...] = (jnp.dot(x1b, a1_ref[...], preferred_element_type=jnp.float32)
                   + c1_ref[...])
    m2_ref[...] = jnp.dot(x1b, w2_ref[...], preferred_element_type=jnp.float32)


def _final(p_ref, a0_ref, c0_ref, o_ref):
    o_ref[...] = (jnp.dot(p_ref[0] + p_ref[1], a0_ref[...],
                          preferred_element_type=jnp.float32) + c0_ref[...])


def kernel(x_0, node_idx, hedge_idx, W1, W2, A0, c0, A1, c1):
    ni = node_idx.astype(jnp.int32)
    hi = hedge_idx.astype(jnp.int32)

    p1 = _spmm_n2h(x_0, ni, hi)
    m1 = _tc_call(_comb_mm, jax.ShapeDtypeStruct((NH_PAD, D), jnp.float32),
                  p1, W1)
    p2 = _spmm_h2n(m1, hi, ni)
    x0b = _tc_call(_comb_add, jax.ShapeDtypeStruct((NN_PAD, D), jnp.float32),
                   p2)
    p3 = _spmm_n2h_b(x0b, ni, hi)
    out_he_pad, m2 = _tc_call(
        _heads,
        (jax.ShapeDtypeStruct((NH_PAD, NCLS), jnp.float32),
         jax.ShapeDtypeStruct((NH_PAD, D), jnp.float32)),
        p3, W2, A1, c1.reshape(1, NCLS))
    p4 = _spmm_h2n(m2, hi, ni)
    out_0 = _tc_call(_final,
                     jax.ShapeDtypeStruct((NN_PAD, NCLS), jnp.float32),
                     p4, A0, c0.reshape(1, NCLS))
    return (out_0[:N_NODES], out_he_pad[:N_HEDGES])

# --- scband reference (transcript-rebuilt; emitter-appended) ---
"""Pipeline reference for scband-uni-gcnmodel-43456479101327 (READ-ONLY COPY).

The authoritative reference and input builder live on the scoring server;
editing this copy changes nothing except your own understanding.
"""

import jax, jax.numpy as jnp
import numpy as np

N_NODES = 10000
N_HEDGES = 5000
NNZ = 320000
D_IN = 128
D_HID = 128
N_CLASSES = 16


def setup_inputs(seed: int = 0) -> dict:
    key = jax.random.key(seed)
    ks = jax.random.split(key, 12)
    x_0 = jax.random.normal(ks[0], (N_NODES, D_IN), dtype=jnp.float32)
    node_idx = jax.random.randint(ks[1], (NNZ,), 0, N_NODES)
    hedge_idx = jax.random.randint(ks[2], (NNZ,), 0, N_HEDGES)
    s1 = 1.0 / np.sqrt(D_HID)
    W1 = jax.random.uniform(ks[3], (D_IN, D_HID), minval=-s1, maxval=s1, dtype=jnp.float32)
    W2 = jax.random.uniform(ks[4], (D_HID, D_HID), minval=-s1, maxval=s1, dtype=jnp.float32)
    A0 = jax.random.uniform(ks[5], (D_HID, N_CLASSES), minval=-s1, maxval=s1, dtype=jnp.float32)
    c0 = jax.random.uniform(ks[6], (N_CLASSES,), minval=-s1, maxval=s1, dtype=jnp.float32)
    A1 = jax.random.uniform(ks[7], (D_HID, N_CLASSES), minval=-s1, maxval=s1, dtype=jnp.float32)
    c1 = jax.random.uniform(ks[8], (N_CLASSES,), minval=-s1, maxval=s1, dtype=jnp.float32)
    return {"x_0": x_0, "node_idx": node_idx, "hedge_idx": hedge_idx,
            "W1": W1, "W2": W2, "A0": A0, "c0": c0, "A1": A1, "c1": c1}


def reference(x_0, node_idx, hedge_idx, W1, W2, A0, c0, A1, c1):
    def unigcn_layer(x0, W):
        # level 1: node -> hyperedge aggregation, x_1 = B^T x_0 (no linear transform)
        x1 = jax.ops.segment_sum(x0[node_idx], hedge_idx, num_segments=N_HEDGES)
        # level 2: hyperedge -> node with linear transform, x_0' = B (x_1 W)
        m = x1 @ W
        x0n = jax.ops.segment_sum(m[hedge_idx], node_idx, num_segments=N_NODES)
        return x0n, x1

    x0, x1 = unigcn_layer(x_0, W1)
    x0, x1 = unigcn_layer(x0, W2)
    out_0 = x0 @ A0 + c0
    out_hyperedges = x1 @ A1 + c1
    return (out_0, out_hyperedges)

if __name__ == "__main__":
    import jax
    _d = setup_inputs()
    print(jax.jit(kernel)(*tuple(_d.values())))

</pallas_src>

<mosaic_0001>
#map = affine_map<(d0, d1) -> (0, 0)>
#map1 = affine_map<(d0, d1) -> (0)>
#map2 = affine_map<(d0, d1) -> (0, 0, 0)>
module attributes {stable_mosaic.version = 14 : i64} {
  func.func @spmm(%arg0: i32, %arg1: i32, %arg2: memref<5120x128xf32, #tpu.memory_space<hbm>>, %arg3: memref<320000xi32, #tpu.memory_space<hbm>>, %arg4: memref<320000xi32, #tpu.memory_space<hbm>>, %arg5: memref<2x10240x128xf32, #tpu.memory_space<hbm>>, %arg6: memref<80xi32, #tpu.memory_space<vmem>>, %arg7: memref<80xi32, #tpu.memory_space<vmem>>, %arg8: memref<80x128xf32, #tpu.memory_space<vmem>>, %arg9: memref<128x128xf32, #tpu.memory_space<vmem>>, %arg10: memref<10240x128xf32, #tpu.memory_space<vmem_shared>>, %arg11: memref<!tpu.dma_semaphore, #tpu.memory_space<semaphore_mem>>) attributes {dimension_semantics = [#tpu.dimension_semantics<core_parallel>, #tpu.dimension_semantics<subcore_parallel>], iteration_bounds = array<i64: 2, 16>, scalar_prefetch = 0 : i64, scratch_operands = 6 : i64, tpu.core_type = #tpu.core_type<sc_vector_subcore>, window_params = [{transform_indices = #map}, {transform_indices = #map1}, {transform_indices = #map1}, {transform_indices = #map2}]} {
    %mul3A = arith.constant 16 : i32
    %mul3A_0 = arith.muli %arg0, %mul3A : i32
    %add3A = arith.addi %mul3A_0, %arg1 : i32
    %broadcast_in_dim3A = arith.constant 0.000000e+00 : f32
    %broadcast_in_dim3A_1 = vector.broadcast %broadcast_in_dim3A : f32 to vector<16xf32>
    %scan3A = arith.constant 0 : i32
    %scan3A_2 = arith.constant 0 : i32
    %scan3A_3 = arith.constant 128 : i32
    %scan3A_4 = arith.addi %scan3A_2, %scan3A_3 : i32
    %scan3A_5 = arith.constant 1 : i32
    %scan3A_6 = scf.for %scan3A_50 = %scan3A_2 to %scan3A_4 step %scan3A_5 iter_args(%scan3A_51 = %scan3A) -> (i32)  : i32 {
      %swap3A = arith.index_cast %scan3A_50 : i32 to index
      %swap3A_52 = arith.constant 0 : index
      %swap3A_53 = tpu.vector_load %arg9[%swap3A, %swap3A_52] {strides = array<i32>} : memref<128x128xf32, #tpu.memory_space<vmem>>, vector<1x16xf32>,
      %swap3A_54 = vector.shape_cast %swap3A_53 : vector<1x16xf32> to vector<16xf32>
      %swap3A_55 = vector.shape_cast %broadcast_in_dim3A_1 : vector<16xf32> to vector<1x16xf32>
      tpu.vector_store %arg9[%swap3A, %swap3A_52], %swap3A_55 {strides = array<i32>} : memref<128x128xf32, #tpu.memory_space<vmem>>, vector<1x16xf32>,
      %swap3A_56 = arith.index_cast %scan3A_50 : i32 to index
      %swap3A_57 = arith.constant 16 : index
      %swap3A_58 = tpu.vector_load %arg9[%swap3A_56, %swap3A_57] {strides = array<i32>} : memref<128x128xf32, #tpu.memory_space<vmem>>, vector<1x16xf32>,
      %swap3A_59 = vector.shape_cast %swap3A_58 : vector<1x16xf32> to vector<16xf32>
      %swap3A_60 = vector.shape_cast %broadcast_in_dim3A_1 : vector<16xf32> to vector<1x16xf32>
      tpu.vector_store %arg9[%swap3A_56, %swap3A_57], %swap3A_60 {strides = array<i32>} : memref<128x128xf32, #tpu.memory_space<vmem>>, vector<1x16xf32>,
      %swap3A_61 = arith.index_cast %scan3A_50 : i32 to index
      %swap3A_62 = arith.constant 32 : index
      %swap3A_63 = tpu.vector_load %arg9[%swap3A_61, %swap3A_62] {strides = array<i32>} : memref<128x128xf32, #tpu.memory_space<vmem>>, vector<1x16xf32>,
      %swap3A_64 = vector.shape_cast %swap3A_63 : vector<1x16xf32> to vector<16xf32>
      %swap3A_65 = vector.shape_cast %broadcast_in_dim3A_1 : vector<16xf32> to vector<1x16xf32>
      tpu.vector_store %arg9[%swap3A_61, %swap3A_62], %swap3A_65 {strides = array<i32>} : memref<128x128xf32, #tpu.memory_space<vmem>>, vector<1x16xf32>,
      %swap3A_66 = arith.index_cast %scan3A_50 : i32 to index
      %swap3A_67 = arith.constant 48 : index
      %swap3A_68 = tpu.vector_load %arg9[%swap3A_66, %swap3A_67] {strides = array<i32>} : memref<128x128xf32, #tpu.memory_space<vmem>>, vector<1x16xf32>,
      %swap3A_69 = vector.shape_cast %swap3A_68 : vector<1x16xf32> to vector<16xf32>
      %swap3A_70 = vector.shape_cast %broadcast_in_dim3A_1 : vector<16xf32> to vector<1x16xf32>
      tpu.vector_store %arg9[%swap3A_66, %swap3A_67], %swap3A_70 {strides = array<i32>} : memref<128x128xf32, #tpu.memory_space<vmem>>, vector<1x16xf32>,
      %swap3A_71 = arith.index_cast %scan3A_50 : i32 to index
      %swap3A_72 = arith.constant 64 : index
      %swap3A_73 = tpu.vector_load %arg9[%swap3A_71, %swap3A_72] {strides = array<i32>} : memref<128x128xf32, #tpu.memory_space<vmem>>, vector<1x16xf32>,
      %swap3A_74 = vector.shape_cast %swap3A_73 : vector<1x16xf32> to vector<16xf32>
      %swap3A_75 = vector.shape_cast %broadcast_in_dim3A_1 : vector<16xf32> to vector<1x16xf32>
      tpu.vector_store %arg9[%swap3A_71, %swap3A_72], %swap3A_75 {strides = array<i32>} : memref<128x128xf32, #tpu.memory_space<vmem>>, vector<1x16xf32>,
      %swap3A_76 = arith.index_cast %scan3A_50 : i32 to index
      %swap3A_77 = arith.constant 80 : index
      %swap3A_78 = tpu.vector_load %arg9[%swap3A_76, %swap3A_77] {strides = array<i32>} : memref<128x128xf32, #tpu.memory_space<vmem>>, vector<1x16xf32>,
      %swap3A_79 = vector.shape_cast %swap3A_78 : vector<1x16xf32> to vector<16xf32>
      %swap3A_80 = vector.shape_cast %broadcast_in_dim3A_1 : vector<16xf32> to vector<1x16xf32>
      tpu.vector_store %arg9[%swap3A_76, %swap3A_77], %swap3A_80 {strides = array<i32>} : memref<128x128xf32, #tpu.memory_space<vmem>>, vector<1x16xf32>,
      %swap3A_81 = arith.index_cast %scan3A_50 : i32 to index
      %swap3A_82 = arith.constant 96 : index
      %swap3A_83 = tpu.vector_load %arg9[%swap3A_81, %swap3A_82] {strides = array<i32>} : memref<128x128xf32, #tpu.memory_space<vmem>>, vector<1x16xf32>,
      %swap3A_84 = vector.shape_cast %swap3A_83 : vector<1x16xf32> to vector<16xf32>
      %swap3A_85 = vector.shape_cast %broadcast_in_dim3A_1 : vector<16xf32> to vector<1x16xf32>
      tpu.vector_store %arg9[%swap3A_81, %swap3A_82], %swap3A_85 {strides = array<i32>} : memref<128x128xf32, #tpu.memory_space<vmem>>, vector<1x16xf32>,
      %swap3A_86 = arith.index_cast %scan3A_50 : i32 to index
      %swap3A_87 = arith.constant 112 : index
      %swap3A_88 = tpu.vector_load %arg9[%swap3A_86, %swap3A_87] {strides = array<i32>} : memref<128x128xf32, #tpu.memory_space<vmem>>, vector<1x16xf32>,
      %swap3A_89 = vector.shape_cast %swap3A_88 : vector<1x16xf32> to vector<16xf32>
      %swap3A_90 = vector.shape_cast %broadcast_in_dim3A_1 : vector<16xf32> to vector<1x16xf32>
      tpu.vector_store %arg9[%swap3A_86, %swap3A_87], %swap3A_90 {strides = array<i32>} : memref<128x128xf32, #tpu.memory_space<vmem>>, vector<1x16xf32>,
      %scan3A_91 = arith.constant 0 : i32
      scf.yield %scan3A_91 : i32
    }
    %scan3A_7 = arith.constant 128 : i32
    %mul3A_8 = arith.constant 640 : i32
    %mul3A_9 = arith.muli %arg1, %mul3A_8 : i32
    %add3A_10 = arith.constant 0 : i32
    %add3A_11 = arith.addi %mul3A_9, %add3A_10 : i32
    "tpu.region"() ({
      %run_scoped3A = tpu.sem_alloc : memref<!tpu.dma_semaphore, #tpu.memory_space<semaphore_mem>>
      %dma_start3A = arith.constant 0 : i32
      %dma_start3A_50 = arith.constant 0 : i32
      %dma_start3A_51 = tpu.memref_slice %arg9[%dma_start3A, %dma_start3A_50] : memref<128x128xf32, #tpu.memory_space<vmem>> -> memref<128x128xf32, #tpu.memory_space<vmem>>
      %dma_start3A_52 = arith.constant 0 : i32
      %dma_start3A_53 = tpu.memref_slice %arg10[%add3A_11, %dma_start3A_52] : memref<10240x128xf32, #tpu.memory_space<vmem_shared>> -> memref<128x128xf32, #tpu.memory_space<vmem_shared>>
      %dma_start3A_54 = arith.constant 0 : i32
      %dma_start3A_55 = tpu.memref_slice %arg10[%add3A_11, %dma_start3A_54] : memref<10240x128xf32, #tpu.memory_space<vmem_shared>> -> memref<128x128xf32, #tpu.memory_space<vmem_shared>>
      %dma_start3A_56 = arith.constant 0 : i32
      %dma_start3A_57 = arith.constant 0 : i32
      %dma_start3A_58 = tpu.memref_slice %arg9[%dma_start3A_56, %dma_start3A_57] : memref<128x128xf32, #tpu.memory_space<vmem>> -> memref<128x128xf32, #tpu.memory_space<vmem>>
      tpu.enqueue_dma source(%dma_start3A_58 : memref<128x128xf32, #tpu.memory_space<vmem>>) target(%dma_start3A_55 : memref<128x128xf32, #tpu.memory_space<vmem_shared>>) target_semaphore(%run_scoped3A : memref<!tpu.dma_semaphore, #tpu.memory_space<semaphore_mem>>)
      %dma_wait3A = arith.constant 0 : i32
      %dma_wait3A_59 = arith.constant 0 : i32
      %dma_wait3A_60 = tpu.memref_slice %arg9[%dma_wait3A, %dma_wait3A_59] : memref<128x128xf32, #tpu.memory_space<vmem>> -> memref<128x128xf32, #tpu.memory_space<vmem>>
      %dma_wait3A_61 = arith.constant 0 : i32
      %dma_wait3A_62 = tpu.memref_slice %arg10[%add3A_11, %dma_wait3A_61] : memref<10240x128xf32, #tpu.memory_space<vmem_shared>> -> memref<128x128xf32, #tpu.memory_space<vmem_shared>>
      %dma_wait3A_63 = arith.constant 0 : i32
      %dma_wait3A_64 = tpu.memref_slice %arg10[%add3A_11, %dma_wait3A_63] : memref<10240x128xf32, #tpu.memory_space<vmem_shared>> -> memref<128x128xf32, #tpu.memory_space<vmem_shared>>
      %dma_wait3A_65 = arith.constant 0 : i32
      %dma_wait3A_66 = arith.constant 0 : i32
      %dma_wait3A_67 = tpu.memref_slice %arg9[%dma_wait3A_65, %dma_wait3A_66] : memref<128x128xf32, #tpu.memory_space<vmem>> -> memref<128x128xf32, #tpu.memory_space<vmem>>
      tpu.wait_dma2 semaphore(%run_scoped3A : memref<!tpu.dma_semaphore, #tpu.memory_space<semaphore_mem>>) src(%dma_wait3A_67 : memref<128x128xf32, #tpu.memory_space<vmem>>) dst(%dma_wait3A_64 : memref<128x128xf32, #tpu.memory_space<vmem_shared>>)
      tpu.yield
    }) : () -> ()
    %add3A_12 = arith.constant 128 : i32
    %add3A_13 = arith.addi %mul3A_9, %add3A_12 : i32
    "tpu.region"() ({
      %run_scoped3A = tpu.sem_alloc : memref<!tpu.dma_semaphore, #tpu.memory_space<semaphore_mem>>
      %dma_start3A = arith.constant 0 : i32
      %dma_start3A_50 = arith.constant 0 : i32
      %dma_start3A_51 = tpu.memref_slice %arg9[%dma_start3A, %dma_start3A_50] : memref<128x128xf32, #tpu.memory_space<vmem>> -> memref<128x128xf32, #tpu.memory_space<vmem>>
      %dma_start3A_52 = arith.constant 0 : i32
      %dma_start3A_53 = tpu.memref_slice %arg10[%add3A_13, %dma_start3A_52] : memref<10240x128xf32, #tpu.memory_space<vmem_shared>> -> memref<128x128xf32, #tpu.memory_space<vmem_shared>>
      %dma_start3A_54 = arith.constant 0 : i32
      %dma_start3A_55 = tpu.memref_slice %arg10[%add3A_13, %dma_start3A_54] : memref<10240x128xf32, #tpu.memory_space<vmem_shared>> -> memref<128x128xf32, #tpu.memory_space<vmem_shared>>
      %dma_start3A_56 = arith.constant 0 : i32
      %dma_start3A_57 = arith.constant 0 : i32
      %dma_start3A_58 = tpu.memref_slice %arg9[%dma_start3A_56, %dma_start3A_57] : memref<128x128xf32, #tpu.memory_space<vmem>> -> memref<128x128xf32, #tpu.memory_space<vmem>>
      tpu.enqueue_dma source(%dma_start3A_58 : memref<128x128xf32, #tpu.memory_space<vmem>>) target(%dma_start3A_55 : memref<128x128xf32, #tpu.memory_space<vmem_shared>>) target_semaphore(%run_scoped3A : memref<!tpu.dma_semaphore, #tpu.memory_space<semaphore_mem>>)
      %dma_wait3A = arith.constant 0 : i32
      %dma_wait3A_59 = arith.constant 0 : i32
      %dma_wait3A_60 = tpu.memref_slice %arg9[%dma_wait3A, %dma_wait3A_59] : memref<128x128xf32, #tpu.memory_space<vmem>> -> memref<128x128xf32, #tpu.memory_space<vmem>>
      %dma_wait3A_61 = arith.constant 0 : i32
      %dma_wait3A_62 = tpu.memref_slice %arg10[%add3A_13, %dma_wait3A_61] : memref<10240x128xf32, #tpu.memory_space<vmem_shared>> -> memref<128x128xf32, #tpu.memory_space<vmem_shared>>
      %dma_wait3A_63 = arith.constant 0 : i32
      %dma_wait3A_64 = tpu.memref_slice %arg10[%add3A_13, %dma_wait3A_63] : memref<10240x128xf32, #tpu.memory_space<vmem_shared>> -> memref<128x128xf32, #tpu.memory_space<vmem_shared>>
      %dma_wait3A_65 = arith.constant 0 : i32
      %dma_wait3A_66 = arith.constant 0 : i32
      %dma_wait3A_67 = tpu.memref_slice %arg9[%dma_wait3A_65, %dma_wait3A_66] : memref<128x128xf32, #tpu.memory_space<vmem>> -> memref<128x128xf32, #tpu.memory_space<vmem>>
      tpu.wait_dma2 semaphore(%run_scoped3A : memref<!tpu.dma_semaphore, #tpu.memory_space<semaphore_mem>>) src(%dma_wait3A_67 : memref<128x128xf32, #tpu.memory_space<vmem>>) dst(%dma_wait3A_64 : memref<128x128xf32, #tpu.memory_space<vmem_shared>>)
      tpu.yield
    }) : () -> ()
    %add3A_14 = arith.constant 256 : i32
    %add3A_15 = arith.addi %mul3A_9, %add3A_14 : i32
    "tpu.region"() ({
      %run_scoped3A = tpu.sem_alloc : memref<!tpu.dma_semaphore, #tpu.memory_space<semaphore_mem>>
      %dma_start3A = arith.constant 0 : i32
      %dma_start3A_50 = arith.constant 0 : i32
      %dma_start3A_51 = tpu.memref_slice %arg9[%dma_start3A, %dma_start3A_50] : memref<128x128xf32, #tpu.memory_space<vmem>> -> memref<128x128xf32, #tpu.memory_space<vmem>>
      %dma_start3A_52 = arith.constant 0 : i32
      %dma_start3A_53 = tpu.memref_slice %arg10[%add3A_15, %dma_start3A_52] : memref<10240x128xf32, #tpu.memory_space<vmem_shared>> -> memref<128x128xf32, #tpu.memory_space<vmem_shared>>
      %dma_start3A_54 = arith.constant 0 : i32
      %dma_start3A_55 = tpu.memref_slice %arg10[%add3A_15, %dma_start3A_54] : memref<10240x128xf32, #tpu.memory_space<vmem_shared>> -> memref<128x128xf32, #tpu.memory_space<vmem_shared>>
      %dma_start3A_56 = arith.constant 0 : i32
      %dma_start3A_57 = arith.constant 0 : i32
      %dma_start3A_58 = tpu.memref_slice %arg9[%dma_start3A_56, %dma_start3A_57] : memref<128x128xf32, #tpu.memory_space<vmem>> -> memref<128x128xf32, #tpu.memory_space<vmem>>
      tpu.enqueue_dma source(%dma_start3A_58 : memref<128x128xf32, #tpu.memory_space<vmem>>) target(%dma_start3A_55 : memref<128x128xf32, #tpu.memory_space<vmem_shared>>) target_semaphore(%run_scoped3A : memref<!tpu.dma_semaphore, #tpu.memory_space<semaphore_mem>>)
      %dma_wait3A = arith.constant 0 : i32
      %dma_wait3A_59 = arith.constant 0 : i32
      %dma_wait3A_60 = tpu.memref_slice %arg9[%dma_wait3A, %dma_wait3A_59] : memref<128x128xf32, #tpu.memory_space<vmem>> -> memref<128x128xf32, #tpu.memory_space<vmem>>
      %dma_wait3A_61 = arith.constant 0 : i32
      %dma_wait3A_62 = tpu.memref_slice %arg10[%add3A_15, %dma_wait3A_61] : memref<10240x128xf32, #tpu.memory_space<vmem_shared>> -> memref<128x128xf32, #tpu.memory_space<vmem_shared>>
      %dma_wait3A_63 = arith.constant 0 : i32
      %dma_wait3A_64 = tpu.memref_slice %arg10[%add3A_15, %dma_wait3A_63] : memref<10240x128xf32, #tpu.memory_space<vmem_shared>> -> memref<128x128xf32, #tpu.memory_space<vmem_shared>>
      %dma_wait3A_65 = arith.constant 0 : i32
      %dma_wait3A_66 = arith.constant 0 : i32
      %dma_wait3A_67 = tpu.memref_slice %arg9[%dma_wait3A_65, %dma_wait3A_66] : memref<128x128xf32, #tpu.memory_space<vmem>> -> memref<128x128xf32, #tpu.memory_space<vmem>>
      tpu.wait_dma2 semaphore(%run_scoped3A : memref<!tpu.dma_semaphore, #tpu.memory_space<semaphore_mem>>) src(%dma_wait3A_67 : memref<128x128xf32, #tpu.memory_space<vmem>>) dst(%dma_wait3A_64 : memref<128x128xf32, #tpu.memory_space<vmem_shared>>)
      tpu.yield
    }) : () -> ()
    %add3A_16 = arith.constant 384 : i32
    %add3A_17 = arith.addi %mul3A_9, %add3A_16 : i32
    "tpu.region"() ({
      %run_scoped3A = tpu.sem_alloc : memref<!tpu.dma_semaphore, #tpu.memory_space<semaphore_mem>>
      %dma_start3A = arith.constant 0 : i32
      %dma_start3A_50 = arith.constant 0 : i32
      %dma_start3A_51 = tpu.memref_slice %arg9[%dma_start3A, %dma_start3A_50] : memref<128x128xf32, #tpu.memory_space<vmem>> -> memref<128x128xf32, #tpu.memory_space<vmem>>
      %dma_start3A_52 = arith.constant 0 : i32
      %dma_start3A_53 = tpu.memref_slice %arg10[%add3A_17, %dma_start3A_52] : memref<10240x128xf32, #tpu.memory_space<vmem_shared>> -> memref<128x128xf32, #tpu.memory_space<vmem_shared>>
      %dma_start3A_54 = arith.constant 0 : i32
      %dma_start3A_55 = tpu.memref_slice %arg10[%add3A_17, %dma_start3A_54] : memref<10240x128xf32, #tpu.memory_space<vmem_shared>> -> memref<128x128xf32, #tpu.memory_space<vmem_shared>>
      %dma_start3A_56 = arith.constant 0 : i32
      %dma_start3A_57 = arith.constant 0 : i32
      %dma_start3A_58 = tpu.memref_slice %arg9[%dma_start3A_56, %dma_start3A_57] : memref<128x128xf32, #tpu.memory_space<vmem>> -> memref<128x128xf32, #tpu.memory_space<vmem>>
      tpu.enqueue_dma source(%dma_start3A_58 : memref<128x128xf32, #tpu.memory_space<vmem>>) target(%dma_start3A_55 : memref<128x128xf32, #tpu.memory_space<vmem_shared>>) target_semaphore(%run_scoped3A : memref<!tpu.dma_semaphore, #tpu.memory_space<semaphore_mem>>)
      %dma_wait3A = arith.constant 0 : i32
      %dma_wait3A_59 = arith.constant 0 : i32
      %dma_wait3A_60 = tpu.memref_slice %arg9[%dma_wait3A, %dma_wait3A_59] : memref<128x128xf32, #tpu.memory_space<vmem>> -> memref<128x128xf32, #tpu.memory_space<vmem>>
      %dma_wait3A_61 = arith.constant 0 : i32
      %dma_wait3A_62 = tpu.memref_slice %arg10[%add3A_17, %dma_wait3A_61] : memref<10240x128xf32, #tpu.memory_space<vmem_shared>> -> memref<128x128xf32, #tpu.memory_space<vmem_shared>>
      %dma_wait3A_63 = arith.constant 0 : i32
      %dma_wait3A_64 = tpu.memref_slice %arg10[%add3A_17, %dma_wait3A_63] : memref<10240x128xf32, #tpu.memory_space<vmem_shared>> -> memref<128x128xf32, #tpu.memory_space<vmem_shared>>
      %dma_wait3A_65 = arith.constant 0 : i32
      %dma_wait3A_66 = arith.constant 0 : i32
      %dma_wait3A_67 = tpu.memref_slice %arg9[%dma_wait3A_65, %dma_wait3A_66] : memref<128x128xf32, #tpu.memory_space<vmem>> -> memref<128x128xf32, #tpu.memory_space<vmem>>
      tpu.wait_dma2 semaphore(%run_scoped3A : memref<!tpu.dma_semaphore, #tpu.memory_space<semaphore_mem>>) src(%dma_wait3A_67 : memref<128x128xf32, #tpu.memory_space<vmem>>) dst(%dma_wait3A_64 : memref<128x128xf32, #tpu.memory_space<vmem_shared>>)
      tpu.yield
    }) : () -> ()
    %add3A_18 = arith.constant 512 : i32
    %add3A_19 = arith.addi %mul3A_9, %add3A_18 : i32
    "tpu.region"() ({
      %run_scoped3A = tpu.sem_alloc : memref<!tpu.dma_semaphore, #tpu.memory_space<semaphore_mem>>
      %dma_start3A = arith.constant 0 : i32
      %dma_start3A_50 = arith.constant 0 : i32
      %dma_start3A_51 = tpu.memref_slice %arg9[%dma_start3A, %dma_start3A_50] : memref<128x128xf32, #tpu.memory_space<vmem>> -> memref<128x128xf32, #tpu.memory_space<vmem>>
      %dma_start3A_52 = arith.constant 0 : i32
      %dma_start3A_53 = tpu.memref_slice %arg10[%add3A_19, %dma_start3A_52] : memref<10240x128xf32, #tpu.memory_space<vmem_shared>> -> memref<128x128xf32, #tpu.memory_space<vmem_shared>>
      %dma_start3A_54 = arith.constant 0 : i32
      %dma_start3A_55 = tpu.memref_slice %arg10[%add3A_19, %dma_start3A_54] : memref<10240x128xf32, #tpu.memory_space<vmem_shared>> -> memref<128x128xf32, #tpu.memory_space<vmem_shared>>
      %dma_start3A_56 = arith.constant 0 : i32
      %dma_start3A_57 = arith.constant 0 : i32
      %dma_start3A_58 = tpu.memref_slice %arg9[%dma_start3A_56, %dma_start3A_57] : memref<128x128xf32, #tpu.memory_space<vmem>> -> memref<128x128xf32, #tpu.memory_space<vmem>>
      tpu.enqueue_dma source(%dma_start3A_58 : memref<128x128xf32, #tpu.memory_space<vmem>>) target(%dma_start3A_55 : memref<128x128xf32, #tpu.memory_space<vmem_shared>>) target_semaphore(%run_scoped3A : memref<!tpu.dma_semaphore, #tpu.memory_space<semaphore_mem>>)
      %dma_wait3A = arith.constant 0 : i32
      %dma_wait3A_59 = arith.constant 0 : i32
      %dma_wait3A_60 = tpu.memref_slice %arg9[%dma_wait3A, %dma_wait3A_59] : memref<128x128xf32, #tpu.memory_space<vmem>> -> memref<128x128xf32, #tpu.memory_space<vmem>>
      %dma_wait3A_61 = arith.constant 0 : i32
      %dma_wait3A_62 = tpu.memref_slice %arg10[%add3A_19, %dma_wait3A_61] : memref<10240x128xf32, #tpu.memory_space<vmem_shared>> -> memref<128x128xf32, #tpu.memory_space<vmem_shared>>
      %dma_wait3A_63 = arith.constant 0 : i32
      %dma_wait3A_64 = tpu.memref_slice %arg10[%add3A_19, %dma_wait3A_63] : memref<10240x128xf32, #tpu.memory_space<vmem_shared>> -> memref<128x128xf32, #tpu.memory_space<vmem_shared>>
      %dma_wait3A_65 = arith.constant 0 : i32
      %dma_wait3A_66 = arith.constant 0 : i32
      %dma_wait3A_67 = tpu.memref_slice %arg9[%dma_wait3A_65, %dma_wait3A_66] : memref<128x128xf32, #tpu.memory_space<vmem>> -> memref<128x128xf32, #tpu.memory_space<vmem>>
      tpu.wait_dma2 semaphore(%run_scoped3A : memref<!tpu.dma_semaphore, #tpu.memory_space<semaphore_mem>>) src(%dma_wait3A_67 : memref<128x128xf32, #tpu.memory_space<vmem>>) dst(%dma_wait3A_64 : memref<128x128xf32, #tpu.memory_space<vmem_shared>>)
      tpu.yield
    }) : () -> ()
    %barrier3A = arith.constant 0 : index
    tpu.barrier barrier_id(%barrier3A)
    %mul3A_20 = arith.constant 10000 : i32
    %mul3A_21 = arith.muli %add3A, %mul3A_20 : i32
    %scan3A_22 = arith.constant 0 : i32
    %scan3A_23 = arith.constant 0 : i32
    %scan3A_24 = arith.constant 125 : i32
    %scan3A_25 = arith.addi %scan3A_23, %scan3A_24 : i32
    %scan3A_26 = arith.constant 1 : i32
    %scan3A_27 = scf.for %scan3A_50 = %scan3A_23 to %scan3A_25 step %scan3A_26 iter_args(%scan3A_51 = %scan3A_22) -> (i32)  : i32 {
      %mul3A_52 = arith.constant 80 : i32
      %mul3A_53 = arith.muli %scan3A_50, %mul3A_52 : i32
      %add3A_54 = arith.addi %mul3A_21, %mul3A_53 : i32
      "tpu.region"() ({
        %run_scoped3A = tpu.sem_alloc : memref<!tpu.dma_semaphore, #tpu.memory_space<semaphore_mem>>
        %dma_start3A_60 = tpu.memref_slice %arg3[%add3A_54] : memref<320000xi32, #tpu.memory_space<hbm>> -> memref<80xi32, #tpu.memory_space<hbm>>
        %dma_start3A_61 = tpu.memref_slice %arg3[%add3A_54] : memref<320000xi32, #tpu.memory_space<hbm>> -> memref<80xi32, #tpu.memory_space<hbm>>
        tpu.enqueue_dma source(%dma_start3A_61 : memref<80xi32, #tpu.memory_space<hbm>>) target(%arg6 : memref<80xi32, #tpu.memory_space<vmem>>) target_semaphore(%run_scoped3A : memref<!tpu.dma_semaphore, #tpu.memory_space<semaphore_mem>>)
        %dma_wait3A_62 = tpu.memref_slice %arg3[%add3A_54] : memref<320000xi32, #tpu.memory_space<hbm>> -> memref<80xi32, #tpu.memory_space<hbm>>
        %dma_wait3A_63 = tpu.memref_slice %arg3[%add3A_54] : memref<320000xi32, #tpu.memory_space<hbm>> -> memref<80xi32, #tpu.memory_space<hbm>>
        tpu.wait_dma2 semaphore(%run_scoped3A : memref<!tpu.dma_semaphore, #tpu.memory_space<semaphore_mem>>) src(%dma_wait3A_63 : memref<80xi32, #tpu.memory_space<hbm>>) dst(%arg6 : memref<80xi32, #tpu.memory_space<vmem>>)
        tpu.yield
      }) : () -> ()
      "tpu.region"() ({
        %run_scoped3A = tpu.sem_alloc : memref<!tpu.dma_semaphore, #tpu.memory_space<semaphore_mem>>
        %dma_start3A_60 = tpu.memref_slice %arg4[%add3A_54] : memref<320000xi32, #tpu.memory_space<hbm>> -> memref<80xi32, #tpu.memory_space<hbm>>
        %dma_start3A_61 = tpu.memref_slice %arg4[%add3A_54] : memref<320000xi32, #tpu.memory_space<hbm>> -> memref<80xi32, #tpu.memory_space<hbm>>
        tpu.enqueue_dma source(%dma_start3A_61 : memref<80xi32, #tpu.memory_space<hbm>>) target(%arg7 : memref<80xi32, #tpu.memory_space<vmem>>) target_semaphore(%run_scoped3A : memref<!tpu.dma_semaphore, #tpu.memory_space<semaphore_mem>>)
        %dma_wait3A_62 = tpu.memref_slice %arg4[%add3A_54] : memref<320000xi32, #tpu.memory_space<hbm>> -> memref<80xi32, #tpu.memory_space<hbm>>
        %dma_wait3A_63 = tpu.memref_slice %arg4[%add3A_54] : memref<320000xi32, #tpu.memory_space<hbm>> -> memref<80xi32, #tpu.memory_space<hbm>>
        tpu.wait_dma2 semaphore(%run_scoped3A : memref<!tpu.dma_semaphore, #tpu.memory_space<semaphore_mem>>) src(%dma_wait3A_63 : memref<80xi32, #tpu.memory_space<hbm>>) dst(%arg7 : memref<80xi32, #tpu.memory_space<vmem>>)
        tpu.yield
      }) : () -> ()
      %dma_start3A = arith.constant 0 : i32
      %dma_start3A_55 = arith.constant 0 : i32
      %dma_start3A_56 = tpu.memref_slice %arg2[%dma_start3A, %dma_start3A_55] : memref<5120x128xf32, #tpu.memory_space<hbm>> -> memref<5120x128xf32, #tpu.memory_space<hbm>>
      tpu.enqueue_indirect_dma source(%dma_start3A_56 : memref<5120x128xf32, #tpu.memory_space<hbm>>) target(%arg8 : memref<80x128xf32, #tpu.memory_space<vmem>>) offsets(%arg6 : memref<80xi32, #tpu.memory_space<vmem>>) semaphore(%arg11 : memref<!tpu.dma_semaphore, #tpu.memory_space<semaphore_mem>>)
      %dma_wait3A = arith.constant 0 : i32
      %dma_wait3A_57 = arith.constant 0 : i32
      %dma_wait3A_58 = tpu.memref_slice %arg2[%dma_wait3A, %dma_wait3A_57] : memref<5120x128xf32, #tpu.memory_space<hbm>> -> memref<5120x128xf32, #tpu.memory_space<hbm>>
      tpu.wait_indirect_dma semaphore(%arg11 : memref<!tpu.dma_semaphore, #tpu.memory_space<semaphore_mem>>) src(%dma_wait3A_58 : memref<5120x128xf32, #tpu.memory_space<hbm>>) dst(%arg8 : memref<80x128xf32, #tpu.memory_space<vmem>>)
      "tpu.region"() ({
        %run_scoped3A = tpu.sem_alloc : memref<!tpu.dma_semaphore, #tpu.memory_space<semaphore_mem>>
        %dma_start3A_60 = arith.constant 0 : i32
        %dma_start3A_61 = arith.constant 0 : i32
        %dma_start3A_62 = tpu.memref_slice %arg10[%dma_start3A_60, %dma_start3A_61] : memref<10240x128xf32, #tpu.memory_space<vmem_shared>> -> memref<10240x128xf32, #tpu.memory_space<vmem_shared>>
        tpu.enqueue_indirect_dma source(%arg8 : memref<80x128xf32, #tpu.memory_space<vmem>>) target(%dma_start3A_62 : memref<10240x128xf32, #tpu.memory_space<vmem_shared>>) offsets(%arg7 : memref<80xi32, #tpu.memory_space<vmem>>) semaphore(%run_scoped3A : memref<!tpu.dma_semaphore, #tpu.memory_space<semaphore_mem>>) {add = true}
        %dma_wait3A_63 = arith.constant 0 : i32
        %dma_wait3A_64 = arith.constant 0 : i32
        %dma_wait3A_65 = tpu.memref_slice %arg10[%dma_wait3A_63, %dma_wait3A_64] : memref<10240x128xf32, #tpu.memory_space<vmem_shared>> -> memref<10240x128xf32, #tpu.memory_space<vmem_shared>>
        tpu.wait_indirect_dma semaphore(%run_scoped3A : memref<!tpu.dma_semaphore, #tpu.memory_space<semaphore_mem>>) src(%arg8 : memref<80x128xf32, #tpu.memory_space<vmem>>) dst(%dma_wait3A_65 : memref<10240x128xf32, #tpu.memory_space<vmem_shared>>)
        tpu.yield
      }) : () -> ()
      %scan3A_59 = arith.constant 0 : i32
      scf.yield %scan3A_59 : i32
    }
    %scan3A_28 = arith.constant 125 : i32
    %barrier3A_29 = arith.constant 0 : index
    tpu.barrier barrier_id(%barrier3A_29)
    %add3A_30 = arith.constant 0 : i32
    %add3A_31 = arith.addi %mul3A_9, %add3A_30 : i32
    %add3A_32 = arith.constant 0 : i32
    %add3A_33 = arith.addi %mul3A_9, %add3A_32 : i32
    "tpu.region"() ({
      %run_scoped3A = tpu.sem_alloc : memref<!tpu.dma_semaphore, #tpu.memory_space<semaphore_mem>>
      %dma_start3A = arith.constant 0 : i32
      %dma_start3A_50 = tpu.memref_slice %arg5[%arg0, %add3A_33, %dma_start3A] : memref<2x10240x128xf32, #tpu.memory_space<hbm>> -> memref<1x128x128xf32, #tpu.memory_space<hbm>>
      %dma_start3A_51 = tpu.memref_squeeze %dma_start3A_50 : memref<1x128x128xf32, #tpu.memory_space<hbm>> -> memref<128x128xf32, #tpu.memory_space<hbm>>
      %dma_start3A_52 = arith.constant 0 : i32
      %dma_start3A_53 = tpu.memref_slice %arg10[%add3A_31, %dma_start3A_52] : memref<10240x128xf32, #tpu.memory_space<vmem_shared>> -> memref<128x128xf32, #tpu.memory_space<vmem_shared>>
      tpu.enqueue_dma source(%dma_start3A_53 : memref<128x128xf32, #tpu.memory_space<vmem_shared>>) target(%dma_start3A_51 : memref<128x128xf32, #tpu.memory_space<hbm>>) target_semaphore(%run_scoped3A : memref<!tpu.dma_semaphore, #tpu.memory_space<semaphore_mem>>)
      %dma_wait3A = arith.constant 0 : i32
      %dma_wait3A_54 = tpu.memref_slice %arg5[%arg0, %add3A_33, %dma_wait3A] : memref<2x10240x128xf32, #tpu.memory_space<hbm>> -> memref<1x128x128xf32, #tpu.memory_space<hbm>>
      %dma_wait3A_55 = tpu.memref_squeeze %dma_wait3A_54 : memref<1x128x128xf32, #tpu.memory_space<hbm>> -> memref<128x128xf32, #tpu.memory_space<hbm>>
      %dma_wait3A_56 = arith.constant 0 : i32
      %dma_wait3A_57 = tpu.memref_slice %arg10[%add3A_31, %dma_wait3A_56] : memref<10240x128xf32, #tpu.memory_space<vmem_shared>> -> memref<128x128xf32, #tpu.memory_space<vmem_shared>>
      tpu.wait_dma2 semaphore(%run_scoped3A : memref<!tpu.dma_semaphore, #tpu.memory_space<semaphore_mem>>) src(%dma_wait3A_57 : memref<128x128xf32, #tpu.memory_space<vmem_shared>>) dst(%dma_wait3A_55 : memref<128x128xf32, #tpu.memory_space<hbm>>)
      tpu.yield
    }) : () -> ()
    %add3A_34 = arith.constant 128 : i32
    %add3A_35 = arith.addi %mul3A_9, %add3A_34 : i32
    %add3A_36 = arith.constant 128 : i32
    %add3A_37 = arith.addi %mul3A_9, %add3A_36 : i32
    "tpu.region"() ({
      %run_scoped3A = tpu.sem_alloc : memref<!tpu.dma_semaphore, #tpu.memory_space<semaphore_mem>>
      %dma_start3A = arith.constant 0 : i32
      %dma_start3A_50 = tpu.memref_slice %arg5[%arg0, %add3A_37, %dma_start3A] : memref<2x10240x128xf32, #tpu.memory_space<hbm>> -> memref<1x128x128xf32, #tpu.memory_space<hbm>>
      %dma_start3A_51 = tpu.memref_squeeze %dma_start3A_50 : memref<1x128x128xf32, #tpu.memory_space<hbm>> -> memref<128x128xf32, #tpu.memory_space<hbm>>
      %dma_start3A_52 = arith.constant 0 : i32
      %dma_start3A_53 = tpu.memref_slice %arg10[%add3A_35, %dma_start3A_52] : memref<10240x128xf32, #tpu.memory_space<vmem_shared>> -> memref<128x128xf32, #tpu.memory_space<vmem_shared>>
      tpu.enqueue_dma source(%dma_start3A_53 : memref<128x128xf32, #tpu.memory_space<vmem_shared>>) target(%dma_start3A_51 : memref<128x128xf32, #tpu.memory_space<hbm>>) target_semaphore(%run_scoped3A : memref<!tpu.dma_semaphore, #tpu.memory_space<semaphore_mem>>)
      %dma_wait3A = arith.constant 0 : i32
      %dma_wait3A_54 = tpu.memref_slice %arg5[%arg0, %add3A_37, %dma_wait3A] : memref<2x10240x128xf32, #tpu.memory_space<hbm>> -> memref<1x128x128xf32, #tpu.memory_space<hbm>>
      %dma_wait3A_55 = tpu.memref_squeeze %dma_wait3A_54 : memref<1x128x128xf32, #tpu.memory_space<hbm>> -> memref<128x128xf32, #tpu.memory_space<hbm>>
      %dma_wait3A_56 = arith.constant 0 : i32
      %dma_wait3A_57 = tpu.memref_slice %arg10[%add3A_35, %dma_wait3A_56] : memref<10240x128xf32, #tpu.memory_space<vmem_shared>> -> memref<128x128xf32, #tpu.memory_space<vmem_shared>>
      tpu.wait_dma2 semaphore(%run_scoped3A : memref<!tpu.dma_semaphore, #tpu.memory_space<semaphore_mem>>) src(%dma_wait3A_57 : memref<128x128xf32, #tpu.memory_space<vmem_shared>>) dst(%dma_wait3A_55 : memref<128x128xf32, #tpu.memory_space<hbm>>)
      tpu.yield
    }) : () -> ()
    %add3A_38 = arith.constant 256 : i32
    %add3A_39 = arith.addi %mul3A_9, %add3A_38 : i32
    %add3A_40 = arith.constant 256 : i32
    %add3A_41 = arith.addi %mul3A_9, %add3A_40 : i32
    "tpu.region"() ({
      %run_scoped3A = tpu.sem_alloc : memref<!tpu.dma_semaphore, #tpu.memory_space<semaphore_mem>>
      %dma_start3A = arith.constant 0 : i32
      %dma_start3A_50 = tpu.memref_slice %arg5[%arg0, %add3A_41, %dma_start3A] : memref<2x10240x128xf32, #tpu.memory_space<hbm>> -> memref<1x128x128xf32, #tpu.memory_space<hbm>>
      %dma_start3A_51 = tpu.memref_squeeze %dma_start3A_50 : memref<1x128x128xf32, #tpu.memory_space<hbm>> -> memref<128x128xf32, #tpu.memory_space<hbm>>
      %dma_start3A_52 = arith.constant 0 : i32
      %dma_start3A_53 = tpu.memref_slice %arg10[%add3A_39, %dma_start3A_52] : memref<10240x128xf32, #tpu.memory_space<vmem_shared>> -> memref<128x128xf32, #tpu.memory_space<vmem_shared>>
      tpu.enqueue_dma source(%dma_start3A_53 : memref<128x128xf32, #tpu.memory_space<vmem_shared>>) target(%dma_start3A_51 : memref<128x128xf32, #tpu.memory_space<hbm>>) target_semaphore(%run_scoped3A : memref<!tpu.dma_semaphore, #tpu.memory_space<semaphore_mem>>)
      %dma_wait3A = arith.constant 0 : i32
      %dma_wait3A_54 = tpu.memref_slice %arg5[%arg0, %add3A_41, %dma_wait3A] : memref<2x10240x128xf32, #tpu.memory_space<hbm>> -> memref<1x128x128xf32, #tpu.memory_space<hbm>>
      %dma_wait3A_55 = tpu.memref_squeeze %dma_wait3A_54 : memref<1x128x128xf32, #tpu.memory_space<hbm>> -> memref<128x128xf32, #tpu.memory_space<hbm>>
      %dma_wait3A_56 = arith.constant 0 : i32
      %dma_wait3A_57 = tpu.memref_slice %arg10[%add3A_39, %dma_wait3A_56] : memref<10240x128xf32, #tpu.memory_space<vmem_shared>> -> memref<128x128xf32, #tpu.memory_space<vmem_shared>>
      tpu.wait_dma2 semaphore(%run_scoped3A : memref<!tpu.dma_semaphore, #tpu.memory_space<semaphore_mem>>) src(%dma_wait3A_57 : memref<128x128xf32, #tpu.memory_space<vmem_shared>>) dst(%dma_wait3A_55 : memref<128x128xf32, #tpu.memory_space<hbm>>)
      tpu.yield
    }) : () -> ()
    %add3A_42 = arith.constant 384 : i32
    %add3A_43 = arith.addi %mul3A_9, %add3A_42 : i32
    %add3A_44 = arith.constant 384 : i32
    %add3A_45 = arith.addi %mul3A_9, %add3A_44 : i32
    "tpu.region"() ({
      %run_scoped3A = tpu.sem_alloc : memref<!tpu.dma_semaphore, #tpu.memory_space<semaphore_mem>>
      %dma_start3A = arith.constant 0 : i32
      %dma_start3A_50 = tpu.memref_slice %arg5[%arg0, %add3A_45, %dma_start3A] : memref<2x10240x128xf32, #tpu.memory_space<hbm>> -> memref<1x128x128xf32, #tpu.memory_space<hbm>>
      %dma_start3A_51 = tpu.memref_squeeze %dma_start3A_50 : memref<1x128x128xf32, #tpu.memory_space<hbm>> -> memref<128x128xf32, #tpu.memory_space<hbm>>
      %dma_start3A_52 = arith.constant 0 : i32
      %dma_start3A_53 = tpu.memref_slice %arg10[%add3A_43, %dma_start3A_52] : memref<10240x128xf32, #tpu.memory_space<vmem_shared>> -> memref<128x128xf32, #tpu.memory_space<vmem_shared>>
      tpu.enqueue_dma source(%dma_start3A_53 : memref<128x128xf32, #tpu.memory_space<vmem_shared>>) target(%dma_start3A_51 : memref<128x128xf32, #tpu.memory_space<hbm>>) target_semaphore(%run_scoped3A : memref<!tpu.dma_semaphore, #tpu.memory_space<semaphore_mem>>)
      %dma_wait3A = arith.constant 0 : i32
      %dma_wait3A_54 = tpu.memref_slice %arg5[%arg0, %add3A_45, %dma_wait3A] : memref<2x10240x128xf32, #tpu.memory_space<hbm>> -> memref<1x128x128xf32, #tpu.memory_space<hbm>>
      %dma_wait3A_55 = tpu.memref_squeeze %dma_wait3A_54 : memref<1x128x128xf32, #tpu.memory_space<hbm>> -> memref<128x128xf32, #tpu.memory_space<hbm>>
      %dma_wait3A_56 = arith.constant 0 : i32
      %dma_wait3A_57 = tpu.memref_slice %arg10[%add3A_43, %dma_wait3A_56] : memref<10240x128xf32, #tpu.memory_space<vmem_shared>> -> memref<128x128xf32, #tpu.memory_space<vmem_shared>>
      tpu.wait_dma2 semaphore(%run_scoped3A : memref<!tpu.dma_semaphore, #tpu.memory_space<semaphore_mem>>) src(%dma_wait3A_57 : memref<128x128xf32, #tpu.memory_space<vmem_shared>>) dst(%dma_wait3A_55 : memref<128x128xf32, #tpu.memory_space<hbm>>)
      tpu.yield
    }) : () -> ()
    %add3A_46 = arith.constant 512 : i32
    %add3A_47 = arith.addi %mul3A_9, %add3A_46 : i32
    %add3A_48 = arith.constant 512 : i32
    %add3A_49 = arith.addi %mul3A_9, %add3A_48 : i32
    "tpu.region"() ({
      %run_scoped3A = tpu.sem_alloc : memref<!tpu.dma_semaphore, #tpu.memory_space<semaphore_mem>>
      %dma_start3A = arith.constant 0 : i32
      %dma_start3A_50 = tpu.memref_slice %arg5[%arg0, %add3A_49, %dma_start3A] : memref<2x10240x128xf32, #tpu.memory_space<hbm>> -> memref<1x128x128xf32, #tpu.memory_space<hbm>>
      %dma_start3A_51 = tpu.memref_squeeze %dma_start3A_50 : memref<1x128x128xf32, #tpu.memory_space<hbm>> -> memref<128x128xf32, #tpu.memory_space<hbm>>
      %dma_start3A_52 = arith.constant 0 : i32
      %dma_start3A_53 = tpu.memref_slice %arg10[%add3A_47, %dma_start3A_52] : memref<10240x128xf32, #tpu.memory_space<vmem_shared>> -> memref<128x128xf32, #tpu.memory_space<vmem_shared>>
      tpu.enqueue_dma source(%dma_start3A_53 : memref<128x128xf32, #tpu.memory_space<vmem_shared>>) target(%dma_start3A_51 : memref<128x128xf32, #tpu.memory_space<hbm>>) target_semaphore(%run_scoped3A : memref<!tpu.dma_semaphore, #tpu.memory_space<semaphore_mem>>)
      %dma_wait3A = arith.constant 0 : i32
      %dma_wait3A_54 = tpu.memref_slice %arg5[%arg0, %add3A_49, %dma_wait3A] : memref<2x10240x128xf32, #tpu.memory_space<hbm>> -> memref<1x128x128xf32, #tpu.memory_space<hbm>>
      %dma_wait3A_55 = tpu.memref_squeeze %dma_wait3A_54 : memref<1x128x128xf32, #tpu.memory_space<hbm>> -> memref<128x128xf32, #tpu.memory_space<hbm>>
      %dma_wait3A_56 = arith.constant 0 : i32
      %dma_wait3A_57 = tpu.memref_slice %arg10[%add3A_47, %dma_wait3A_56] : memref<10240x128xf32, #tpu.memory_space<vmem_shared>> -> memref<128x128xf32, #tpu.memory_space<vmem_shared>>
      tpu.wait_dma2 semaphore(%run_scoped3A : memref<!tpu.dma_semaphore, #tpu.memory_space<semaphore_mem>>) src(%dma_wait3A_57 : memref<128x128xf32, #tpu.memory_space<vmem_shared>>) dst(%dma_wait3A_55 : memref<128x128xf32, #tpu.memory_space<hbm>>)
      tpu.yield
    }) : () -> ()
    return
  }
}

#map = affine_map<(d0, d1) -> (0, 0)>
#map1 = affine_map<(d0, d1) -> (0)>
#map2 = affine_map<(d0, d1) -> (0, 0, 0)>
module attributes {stable_mosaic.version = 14 : i64} {
  func.func @spmm(%arg0: i32, %arg1: i32, %arg2: memref<10240x128xf32, #tpu.memory_space<hbm>>, %arg3: memref<320000xi32, #tpu.memory_space<hbm>>, %arg4: memref<320000xi32, #tpu.memory_space<hbm>>, %arg5: memref<2x5120x128xf32, #tpu.memory_space<hbm>>, %arg6: memref<80xi32, #tpu.memory_space<vmem>>, %arg7: memref<80xi32, #tpu.memory_space<vmem>>, %arg8: memref<80x128xf32, #tpu.memory_space<vmem>>, %arg9: memref<128x128xf32, #tpu.memory_space<vmem>>, %arg10: memref<5120x128xf32, #tpu.memory_space<vmem_shared>>, %arg11: memref<!tpu.dma_semaphore, #tpu.memory_space<semaphore_mem>>) attributes {dimension_semantics = [#tpu.dimension_semantics<core_parallel>, #tpu.dimension_semantics<subcore_parallel>], iteration_bounds = array<i64: 2, 16>, scalar_prefetch = 0 : i64, scratch_operands = 6 : i64, tpu.core_type = #tpu.core_type<sc_vector_subcore>, window_params = [{transform_indices = #map}, {transform_indices = #map1}, {transform_indices = #map1}, {transform_indices = #map2}]} {
    %mul3A = arith.constant 16 : i32
    %mul3A_0 = arith.muli %arg0, %mul3A : i32
    %add3A = arith.addi %mul3A_0, %arg1 : i32
    %broadcast_in_dim3A = arith.constant 0.000000e+00 : f32
    %broadcast_in_dim3A_1 = vector.broadcast %broadcast_in_dim3A : f32 to vector<16xf32>
    %scan3A = arith.constant 0 : i32
    %scan3A_2 = arith.constant 0 : i32
    %scan3A_3 = arith.constant 128 : i32
    %scan3A_4 = arith.addi %scan3A_2, %scan3A_3 : i32
    %scan3A_5 = arith.constant 1 : i32
    %scan3A_6 = scf.for %scan3A_38 = %scan3A_2 to %scan3A_4 step %scan3A_5 iter_args(%scan3A_39 = %scan3A) -> (i32)  : i32 {
      %swap3A = arith.index_cast %scan3A_38 : i32 to index
      %swap3A_40 = arith.constant 0 : index
      %swap3A_41 = tpu.vector_load %arg9[%swap3A, %swap3A_40] {strides = array<i32>} : memref<128x128xf32, #tpu.memory_space<vmem>>, vector<1x16xf32>,
      %swap3A_42 = vector.shape_cast %swap3A_41 : vector<1x16xf32> to vector<16xf32>
      %swap3A_43 = vector.shape_cast %broadcast_in_dim3A_1 : vector<16xf32> to vector<1x16xf32>
      tpu.vector_store %arg9[%swap3A, %swap3A_40], %swap3A_43 {strides = array<i32>} : memref<128x128xf32, #tpu.memory_space<vmem>>, vector<1x16xf32>,
      %swap3A_44 = arith.index_cast %scan3A_38 : i32 to index
      %swap3A_45 = arith.constant 16 : index
      %swap3A_46 = tpu.vector_load %arg9[%swap3A_44, %swap3A_45] {strides = array<i32>} : memref<128x128xf32, #tpu.memory_space<vmem>>, vector<1x16xf32>,
      %swap3A_47 = vector.shape_cast %swap3A_46 : vector<1x16xf32> to vector<16xf32>
      %swap3A_48 = vector.shape_cast %broadcast_in_dim3A_1 : vector<16xf32> to vector<1x16xf32>
      tpu.vector_store %arg9[%swap3A_44, %swap3A_45], %swap3A_48 {strides = array<i32>} : memref<128x128xf32, #tpu.memory_space<vmem>>, vector<1x16xf32>,
      %swap3A_49 = arith.index_cast %scan3A_38 : i32 to index
      %swap3A_50 = arith.constant 32 : index
      %swap3A_51 = tpu.vector_load %arg9[%swap3A_49, %swap3A_50] {strides = array<i32>} : memref<128x128xf32, #tpu.memory_space<vmem>>, vector<1x16xf32>,
      %swap3A_52 = vector.shape_cast %swap3A_51 : vector<1x16xf32> to vector<16xf32>
      %swap3A_53 = vector.shape_cast %broadcast_in_dim3A_1 : vector<16xf32> to vector<1x16xf32>
      tpu.vector_store %arg9[%swap3A_49, %swap3A_50], %swap3A_53 {strides = array<i32>} : memref<128x128xf32, #tpu.memory_space<vmem>>, vector<1x16xf32>,
      %swap3A_54 = arith.index_cast %scan3A_38 : i32 to index
      %swap3A_55 = arith.constant 48 : index
      %swap3A_56 = tpu.vector_load %arg9[%swap3A_54, %swap3A_55] {strides = array<i32>} : memref<128x128xf32, #tpu.memory_space<vmem>>, vector<1x16xf32>,
      %swap3A_57 = vector.shape_cast %swap3A_56 : vector<1x16xf32> to vector<16xf32>
      %swap3A_58 = vector.shape_cast %broadcast_in_dim3A_1 : vector<16xf32> to vector<1x16xf32>
      tpu.vector_store %arg9[%swap3A_54, %swap3A_55], %swap3A_58 {strides = array<i32>} : memref<128x128xf32, #tpu.memory_space<vmem>>, vector<1x16xf32>,
      %swap3A_59 = arith.index_cast %scan3A_38 : i32 to index
      %swap3A_60 = arith.constant 64 : index
      %swap3A_61 = tpu.vector_load %arg9[%swap3A_59, %swap3A_60] {strides = array<i32>} : memref<128x128xf32, #tpu.memory_space<vmem>>, vector<1x16xf32>,
      %swap3A_62 = vector.shape_cast %swap3A_61 : vector<1x16xf32> to vector<16xf32>
      %swap3A_63 = vector.shape_cast %broadcast_in_dim3A_1 : vector<16xf32> to vector<1x16xf32>
      tpu.vector_store %arg9[%swap3A_59, %swap3A_60], %swap3A_63 {strides = array<i32>} : memref<128x128xf32, #tpu.memory_space<vmem>>, vector<1x16xf32>,
      %swap3A_64 = arith.index_cast %scan3A_38 : i32 to index
      %swap3A_65 = arith.constant 80 : index
      %swap3A_66 = tpu.vector_load %arg9[%swap3A_64, %swap3A_65] {strides = array<i32>} : memref<128x128xf32, #tpu.memory_space<vmem>>, vector<1x16xf32>,
      %swap3A_67 = vector.shape_cast %swap3A_66 : vector<1x16xf32> to vector<16xf32>
      %swap3A_68 = vector.shape_cast %broadcast_in_dim3A_1 : vector<16xf32> to vector<1x16xf32>
      tpu.vector_store %arg9[%swap3A_64, %swap3A_65], %swap3A_68 {strides = array<i32>} : memref<128x128xf32, #tpu.memory_space<vmem>>, vector<1x16xf32>,
      %swap3A_69 = arith.index_cast %scan3A_38 : i32 to index
      %swap3A_70 = arith.constant 96 : index
      %swap3A_71 = tpu.vector_load %arg9[%swap3A_69, %swap3A_70] {strides = array<i32>} : memref<128x128xf32, #tpu.memory_space<vmem>>, vector<1x16xf32>,
      %swap3A_72 = vector.shape_cast %swap3A_71 : vector<1x16xf32> to vector<16xf32>
      %swap3A_73 = vector.shape_cast %broadcast_in_dim3A_1 : vector<16xf32> to vector<1x16xf32>
      tpu.vector_store %arg9[%swap3A_69, %swap3A_70], %swap3A_73 {strides = array<i32>} : memref<128x128xf32, #tpu.memory_space<vmem>>, vector<1x16xf32>,
      %swap3A_74 = arith.index_cast %scan3A_38 : i32 to index
      %swap3A_75 = arith.constant 112 : index
      %swap3A_76 = tpu.vector_load %arg9[%swap3A_74, %swap3A_75] {strides = array<i32>} : memref<128x128xf32, #tpu.memory_space<vmem>>, vector<1x16xf32>,
      %swap3A_77 = vector.shape_cast %swap3A_76 : vector<1x16xf32> to vector<16xf32>
      %swap3A_78 = vector.shape_cast %broadcast_in_dim3A_1 : vector<16xf32> to vector<1x16xf32>
      tpu.vector_store %arg9[%swap3A_74, %swap3A_75], %swap3A_78 {strides = array<i32>} : memref<128x128xf32, #tpu.memory_space<vmem>>, vector<1x16xf32>,
      %scan3A_79 = arith.constant 0 : i32
      scf.yield %scan3A_79 : i32
    }
    %scan3A_7 = arith.constant 128 : i32
    %mul3A_8 = arith.constant 320 : i32
    %mul3A_9 = arith.muli %arg1, %mul3A_8 : i32
    %add3A_10 = arith.constant 0 : i32
    %add3A_11 = arith.addi %mul3A_9, %add3A_10 : i32
    "tpu.region"() ({
      %run_scoped3A = tpu.sem_alloc : memref<!tpu.dma_semaphore, #tpu.memory_space<semaphore_mem>>
      %dma_start3A = arith.constant 0 : i32
      %dma_start3A_38 = arith.constant 0 : i32
      %dma_start3A_39 = tpu.memref_slice %arg9[%dma_start3A, %dma_start3A_38] : memref<128x128xf32, #tpu.memory_space<vmem>> -> memref<128x128xf32, #tpu.memory_space<vmem>>
      %dma_start3A_40 = arith.constant 0 : i32
      %dma_start3A_41 = tpu.memref_slice %arg10[%add3A_11, %dma_start3A_40] : memref<5120x128xf32, #tpu.memory_space<vmem_shared>> -> memref<128x128xf32, #tpu.memory_space<vmem_shared>>
      %dma_start3A_42 = arith.constant 0 : i32
      %dma_start3A_43 = tpu.memref_slice %arg10[%add3A_11, %dma_start3A_42] : memref<5120x128xf32, #tpu.memory_space<vmem_shared>> -> memref<128x128xf32, #tpu.memory_space<vmem_shared>>
      %dma_start3A_44 = arith.constant 0 : i32
      %dma_start3A_45 = arith.constant 0 : i32
      %dma_start3A_46 = tpu.memref_slice %arg9[%dma_start3A_44, %dma_start3A_45] : memref<128x128xf32, #tpu.memory_space<vmem>> -> memref<128x128xf32, #tpu.memory_space<vmem>>
      tpu.enqueue_dma source(%dma_start3A_46 : memref<128x128xf32, #tpu.memory_space<vmem>>) target(%dma_start3A_43 : memref<128x128xf32, #tpu.memory_space<vmem_shared>>) target_semaphore(%run_scoped3A : memref<!tpu.dma_semaphore, #tpu.memory_space<semaphore_mem>>)
      %dma_wait3A = arith.constant 0 : i32
      %dma_wait3A_47 = arith.constant 0 : i32
      %dma_wait3A_48 = tpu.memref_slice %arg9[%dma_wait3A, %dma_wait3A_47] : memref<128x128xf32, #tpu.memory_space<vmem>> -> memref<128x128xf32, #tpu.memory_space<vmem>>
      %dma_wait3A_49 = arith.constant 0 : i32
      %dma_wait3A_50 = tpu.memref_slice %arg10[%add3A_11, %dma_wait3A_49] : memref<5120x128xf32, #tpu.memory_space<vmem_shared>> -> memref<128x128xf32, #tpu.memory_space<vmem_shared>>
      %dma_wait3A_51 = arith.constant 0 : i32
      %dma_wait3A_52 = tpu.memref_slice %arg10[%add3A_11, %dma_wait3A_51] : memref<5120x128xf32, #tpu.memory_space<vmem_shared>> -> memref<128x128xf32, #tpu.memory_space<vmem_shared>>
      %dma_wait3A_53 = arith.constant 0 : i32
      %dma_wait3A_54 = arith.constant 0 : i32
      %dma_wait3A_55 = tpu.memref_slice %arg9[%dma_wait3A_53, %dma_wait3A_54] : memref<128x128xf32, #tpu.memory_space<vmem>> -> memref<128x128xf32, #tpu.memory_space<vmem>>
      tpu.wait_dma2 semaphore(%run_scoped3A : memref<!tpu.dma_semaphore, #tpu.memory_space<semaphore_mem>>) src(%dma_wait3A_55 : memref<128x128xf32, #tpu.memory_space<vmem>>) dst(%dma_wait3A_52 : memref<128x128xf32, #tpu.memory_space<vmem_shared>>)
      tpu.yield
    }) : () -> ()
    %add3A_12 = arith.constant 128 : i32
    %add3A_13 = arith.addi %mul3A_9, %add3A_12 : i32
    "tpu.region"() ({
      %run_scoped3A = tpu.sem_alloc : memref<!tpu.dma_semaphore, #tpu.memory_space<semaphore_mem>>
      %dma_start3A = arith.constant 0 : i32
      %dma_start3A_38 = arith.constant 0 : i32
      %dma_start3A_39 = tpu.memref_slice %arg9[%dma_start3A, %dma_start3A_38] : memref<128x128xf32, #tpu.memory_space<vmem>> -> memref<128x128xf32, #tpu.memory_space<vmem>>
      %dma_start3A_40 = arith.constant 0 : i32
      %dma_start3A_41 = tpu.memref_slice %arg10[%add3A_13, %dma_start3A_40] : memref<5120x128xf32, #tpu.memory_space<vmem_shared>> -> memref<128x128xf32, #tpu.memory_space<vmem_shared>>
      %dma_start3A_42 = arith.constant 0 : i32
      %dma_start3A_43 = tpu.memref_slice %arg10[%add3A_13, %dma_start3A_42] : memref<5120x128xf32, #tpu.memory_space<vmem_shared>> -> memref<128x128xf32, #tpu.memory_space<vmem_shared>>
      %dma_start3A_44 = arith.constant 0 : i32
      %dma_start3A_45 = arith.constant 0 : i32
      %dma_start3A_46 = tpu.memref_slice %arg9[%dma_start3A_44, %dma_start3A_45] : memref<128x128xf32, #tpu.memory_space<vmem>> -> memref<128x128xf32, #tpu.memory_space<vmem>>
      tpu.enqueue_dma source(%dma_start3A_46 : memref<128x128xf32, #tpu.memory_space<vmem>>) target(%dma_start3A_43 : memref<128x128xf32, #tpu.memory_space<vmem_shared>>) target_semaphore(%run_scoped3A : memref<!tpu.dma_semaphore, #tpu.memory_space<semaphore_mem>>)
      %dma_wait3A = arith.constant 0 : i32
      %dma_wait3A_47 = arith.constant 0 : i32
      %dma_wait3A_48 = tpu.memref_slice %arg9[%dma_wait3A, %dma_wait3A_47] : memref<128x128xf32, #tpu.memory_space<vmem>> -> memref<128x128xf32, #tpu.memory_space<vmem>>
      %dma_wait3A_49 = arith.constant 0 : i32
      %dma_wait3A_50 = tpu.memref_slice %arg10[%add3A_13, %dma_wait3A_49] : memref<5120x128xf32, #tpu.memory_space<vmem_shared>> -> memref<128x128xf32, #tpu.memory_space<vmem_shared>>
      %dma_wait3A_51 = arith.constant 0 : i32
      %dma_wait3A_52 = tpu.memref_slice %arg10[%add3A_13, %dma_wait3A_51] : memref<5120x128xf32, #tpu.memory_space<vmem_shared>> -> memref<128x128xf32, #tpu.memory_space<vmem_shared>>
      %dma_wait3A_53 = arith.constant 0 : i32
      %dma_wait3A_54 = arith.constant 0 : i32
      %dma_wait3A_55 = tpu.memref_slice %arg9[%dma_wait3A_53, %dma_wait3A_54] : memref<128x128xf32, #tpu.memory_space<vmem>> -> memref<128x128xf32, #tpu.memory_space<vmem>>
      tpu.wait_dma2 semaphore(%run_scoped3A : memref<!tpu.dma_semaphore, #tpu.memory_space<semaphore_mem>>) src(%dma_wait3A_55 : memref<128x128xf32, #tpu.memory_space<vmem>>) dst(%dma_wait3A_52 : memref<128x128xf32, #tpu.memory_space<vmem_shared>>)
      tpu.yield
    }) : () -> ()
    %add3A_14 = arith.constant 256 : i32
    %add3A_15 = arith.addi %mul3A_9, %add3A_14 : i32
    "tpu.region"() ({
      %run_scoped3A = tpu.sem_alloc : memref<!tpu.dma_semaphore, #tpu.memory_space<semaphore_mem>>
      %dma_start3A = arith.constant 0 : i32
      %dma_start3A_38 = arith.constant 0 : i32
      %dma_start3A_39 = tpu.memref_slice %arg9[%dma_start3A, %dma_start3A_38] : memref<128x128xf32, #tpu.memory_space<vmem>> -> memref<64x128xf32, #tpu.memory_space<vmem>>
      %dma_start3A_40 = arith.constant 0 : i32
      %dma_start3A_41 = tpu.memref_slice %arg10[%add3A_15, %dma_start3A_40] : memref<5120x128xf32, #tpu.memory_space<vmem_shared>> -> memref<64x128xf32, #tpu.memory_space<vmem_shared>>
      %dma_start3A_42 = arith.constant 0 : i32
      %dma_start3A_43 = tpu.memref_slice %arg10[%add3A_15, %dma_start3A_42] : memref<5120x128xf32, #tpu.memory_space<vmem_shared>> -> memref<64x128xf32, #tpu.memory_space<vmem_shared>>
      %dma_start3A_44 = arith.constant 0 : i32
      %dma_start3A_45 = arith.constant 0 : i32
      %dma_start3A_46 = tpu.memref_slice %arg9[%dma_start3A_44, %dma_start3A_45] : memref<128x128xf32, #tpu.memory_space<vmem>> -> memref<64x128xf32, #tpu.memory_space<vmem>>
      tpu.enqueue_dma source(%dma_start3A_46 : memref<64x128xf32, #tpu.memory_space<vmem>>) target(%dma_start3A_43 : memref<64x128xf32, #tpu.memory_space<vmem_shared>>) target_semaphore(%run_scoped3A : memref<!tpu.dma_semaphore, #tpu.memory_space<semaphore_mem>>)
      %dma_wait3A = arith.constant 0 : i32
      %dma_wait3A_47 = arith.constant 0 : i32
      %dma_wait3A_48 = tpu.memref_slice %arg9[%dma_wait3A, %dma_wait3A_47] : memref<128x128xf32, #tpu.memory_space<vmem>> -> memref<64x128xf32, #tpu.memory_space<vmem>>
      %dma_wait3A_49 = arith.constant 0 : i32
      %dma_wait3A_50 = tpu.memref_slice %arg10[%add3A_15, %dma_wait3A_49] : memref<5120x128xf32, #tpu.memory_space<vmem_shared>> -> memref<64x128xf32, #tpu.memory_space<vmem_shared>>
      %dma_wait3A_51 = arith.constant 0 : i32
      %dma_wait3A_52 = tpu.memref_slice %arg10[%add3A_15, %dma_wait3A_51] : memref<5120x128xf32, #tpu.memory_space<vmem_shared>> -> memref<64x128xf32, #tpu.memory_space<vmem_shared>>
      %dma_wait3A_53 = arith.constant 0 : i32
      %dma_wait3A_54 = arith.constant 0 : i32
      %dma_wait3A_55 = tpu.memref_slice %arg9[%dma_wait3A_53, %dma_wait3A_54] : memref<128x128xf32, #tpu.memory_space<vmem>> -> memref<64x128xf32, #tpu.memory_space<vmem>>
      tpu.wait_dma2 semaphore(%run_scoped3A : memref<!tpu.dma_semaphore, #tpu.memory_space<semaphore_mem>>) src(%dma_wait3A_55 : memref<64x128xf32, #tpu.memory_space<vmem>>) dst(%dma_wait3A_52 : memref<64x128xf32, #tpu.memory_space<vmem_shared>>)
      tpu.yield
    }) : () -> ()
    %barrier3A = arith.constant 0 : index
    tpu.barrier barrier_id(%barrier3A)
    %mul3A_16 = arith.constant 10000 : i32
    %mul3A_17 = arith.muli %add3A, %mul3A_16 : i32
    %scan3A_18 = arith.constant 0 : i32
    %scan3A_19 = arith.constant 0 : i32
    %scan3A_20 = arith.constant 125 : i32
    %scan3A_21 = arith.addi %scan3A_19, %scan3A_20 : i32
    %scan3A_22 = arith.constant 1 : i32
    %scan3A_23 = scf.for %scan3A_38 = %scan3A_19 to %scan3A_21 step %scan3A_22 iter_args(%scan3A_39 = %scan3A_18) -> (i32)  : i32 {
      %mul3A_40 = arith.constant 80 : i32
      %mul3A_41 = arith.muli %scan3A_38, %mul3A_40 : i32
      %add3A_42 = arith.addi %mul3A_17, %mul3A_41 : i32
      "tpu.region"() ({
        %run_scoped3A = tpu.sem_alloc : memref<!tpu.dma_semaphore, #tpu.memory_space<semaphore_mem>>
        %dma_start3A_48 = tpu.memref_slice %arg3[%add3A_42] : memref<320000xi32, #tpu.memory_space<hbm>> -> memref<80xi32, #tpu.memory_space<hbm>>
        %dma_start3A_49 = tpu.memref_slice %arg3[%add3A_42] : memref<320000xi32, #tpu.memory_space<hbm>> -> memref<80xi32, #tpu.memory_space<hbm>>
        tpu.enqueue_dma source(%dma_start3A_49 : memref<80xi32, #tpu.memory_space<hbm>>) target(%arg6 : memref<80xi32, #tpu.memory_space<vmem>>) target_semaphore(%run_scoped3A : memref<!tpu.dma_semaphore, #tpu.memory_space<semaphore_mem>>)
        %dma_wait3A_50 = tpu.memref_slice %arg3[%add3A_42] : memref<320000xi32, #tpu.memory_space<hbm>> -> memref<80xi32, #tpu.memory_space<hbm>>
        %dma_wait3A_51 = tpu.memref_slice %arg3[%add3A_42] : memref<320000xi32, #tpu.memory_space<hbm>> -> memref<80xi32, #tpu.memory_space<hbm>>
        tpu.wait_dma2 semaphore(%run_scoped3A : memref<!tpu.dma_semaphore, #tpu.memory_space<semaphore_mem>>) src(%dma_wait3A_51 : memref<80xi32, #tpu.memory_space<hbm>>) dst(%arg6 : memref<80xi32, #tpu.memory_space<vmem>>)
        tpu.yield
      }) : () -> ()
      "tpu.region"() ({
        %run_scoped3A = tpu.sem_alloc : memref<!tpu.dma_semaphore, #tpu.memory_space<semaphore_mem>>
        %dma_start3A_48 = tpu.memref_slice %arg4[%add3A_42] : memref<320000xi32, #tpu.memory_space<hbm>> -> memref<80xi32, #tpu.memory_space<hbm>>
        %dma_start3A_49 = tpu.memref_slice %arg4[%add3A_42] : memref<320000xi32, #tpu.memory_space<hbm>> -> memref<80xi32, #tpu.memory_space<hbm>>
        tpu.enqueue_dma source(%dma_start3A_49 : memref<80xi32, #tpu.memory_space<hbm>>) target(%arg7 : memref<80xi32, #tpu.memory_space<vmem>>) target_semaphore(%run_scoped3A : memref<!tpu.dma_semaphore, #tpu.memory_space<semaphore_mem>>)
        %dma_wait3A_50 = tpu.memref_slice %arg4[%add3A_42] : memref<320000xi32, #tpu.memory_space<hbm>> -> memref<80xi32, #tpu.memory_space<hbm>>
        %dma_wait3A_51 = tpu.memref_slice %arg4[%add3A_42] : memref<320000xi32, #tpu.memory_space<hbm>> -> memref<80xi32, #tpu.memory_space<hbm>>
        tpu.wait_dma2 semaphore(%run_scoped3A : memref<!tpu.dma_semaphore, #tpu.memory_space<semaphore_mem>>) src(%dma_wait3A_51 : memref<80xi32, #tpu.memory_space<hbm>>) dst(%arg7 : memref<80xi32, #tpu.memory_space<vmem>>)
        tpu.yield
      }) : () -> ()
      %dma_start3A = arith.constant 0 : i32
      %dma_start3A_43 = arith.constant 0 : i32
      %dma_start3A_44 = tpu.memref_slice %arg2[%dma_start3A, %dma_start3A_43] : memref<10240x128xf32, #tpu.memory_space<hbm>> -> memref<10240x128xf32, #tpu.memory_space<hbm>>
      tpu.enqueue_indirect_dma source(%dma_start3A_44 : memref<10240x128xf32, #tpu.memory_space<hbm>>) target(%arg8 : memref<80x128xf32, #tpu.memory_space<vmem>>) offsets(%arg6 : memref<80xi32, #tpu.memory_space<vmem>>) semaphore(%arg11 : memref<!tpu.dma_semaphore, #tpu.memory_space<semaphore_mem>>)
      %dma_wait3A = arith.constant 0 : i32
      %dma_wait3A_45 = arith.constant 0 : i32
      %dma_wait3A_46 = tpu.memref_slice %arg2[%dma_wait3A, %dma_wait3A_45] : memref<10240x128xf32, #tpu.memory_space<hbm>> -> memref<10240x128xf32, #tpu.memory_space<hbm>>
      tpu.wait_indirect_dma semaphore(%arg11 : memref<!tpu.dma_semaphore, #tpu.memory_space<semaphore_mem>>) src(%dma_wait3A_46 : memref<10240x128xf32, #tpu.memory_space<hbm>>) dst(%arg8 : memref<80x128xf32, #tpu.memory_space<vmem>>)
      "tpu.region"() ({
        %run_scoped3A = tpu.sem_alloc : memref<!tpu.dma_semaphore, #tpu.memory_space<semaphore_mem>>
        %dma_start3A_48 = arith.constant 0 : i32
        %dma_start3A_49 = arith.constant 0 : i32
        %dma_start3A_50 = tpu.memref_slice %arg10[%dma_start3A_48, %dma_start3A_49] : memref<5120x128xf32, #tpu.memory_space<vmem_shared>> -> memref<5120x128xf32, #tpu.memory_space<vmem_shared>>
        tpu.enqueue_indirect_dma source(%arg8 : memref<80x128xf32, #tpu.memory_space<vmem>>) target(%dma_start3A_50 : memref<5120x128xf32, #tpu.memory_space<vmem_shared>>) offsets(%arg7 : memref<80xi32, #tpu.memory_space<vmem>>) semaphore(%run_scoped3A : memref<!tpu.dma_semaphore, #tpu.memory_space<semaphore_mem>>) {add = true}
        %dma_wait3A_51 = arith.constant 0 : i32
        %dma_wait3A_52 = arith.constant 0 : i32
        %dma_wait3A_53 = tpu.memref_slice %arg10[%dma_wait3A_51, %dma_wait3A_52] : memref<5120x128xf32, #tpu.memory_space<vmem_shared>> -> memref<5120x128xf32, #tpu.memory_space<vmem_shared>>
        tpu.wait_indirect_dma semaphore(%run_scoped3A : memref<!tpu.dma_semaphore, #tpu.memory_space<semaphore_mem>>) src(%arg8 : memref<80x128xf32, #tpu.memory_space<vmem>>) dst(%dma_wait3A_53 : memref<5120x128xf32, #tpu.memory_space<vmem_shared>>)
        tpu.yield
      }) : () -> ()
      %scan3A_47 = arith.constant 0 : i32
      scf.yield %scan3A_47 : i32
    }
    %scan3A_24 = arith.constant 125 : i32
    %barrier3A_25 = arith.constant 0 : index
    tpu.barrier barrier_id(%barrier3A_25)
    %add3A_26 = arith.constant 0 : i32
    %add3A_27 = arith.addi %mul3A_9, %add3A_26 : i32
    %add3A_28 = arith.constant 0 : i32
    %add3A_29 = arith.addi %mul3A_9, %add3A_28 : i32
    "tpu.region"() ({
      %run_scoped3A = tpu.sem_alloc : memref<!tpu.dma_semaphore, #tpu.memory_space<semaphore_mem>>
      %dma_start3A = arith.constant 0 : i32
      %dma_start3A_38 = tpu.memref_slice %arg5[%arg0, %add3A_29, %dma_start3A] : memref<2x5120x128xf32, #tpu.memory_space<hbm>> -> memref<1x128x128xf32, #tpu.memory_space<hbm>>
      %dma_start3A_39 = tpu.memref_squeeze %dma_start3A_38 : memref<1x128x128xf32, #tpu.memory_space<hbm>> -> memref<128x128xf32, #tpu.memory_space<hbm>>
      %dma_start3A_40 = arith.constant 0 : i32
      %dma_start3A_41 = tpu.memref_slice %arg10[%add3A_27, %dma_start3A_40] : memref<5120x128xf32, #tpu.memory_space<vmem_shared>> -> memref<128x128xf32, #tpu.memory_space<vmem_shared>>
      tpu.enqueue_dma source(%dma_start3A_41 : memref<128x128xf32, #tpu.memory_space<vmem_shared>>) target(%dma_start3A_39 : memref<128x128xf32, #tpu.memory_space<hbm>>) target_semaphore(%run_scoped3A : memref<!tpu.dma_semaphore, #tpu.memory_space<semaphore_mem>>)
      %dma_wait3A = arith.constant 0 : i32
      %dma_wait3A_42 = tpu.memref_slice %arg5[%arg0, %add3A_29, %dma_wait3A] : memref<2x5120x128xf32, #tpu.memory_space<hbm>> -> memref<1x128x128xf32, #tpu.memory_space<hbm>>
      %dma_wait3A_43 = tpu.memref_squeeze %dma_wait3A_42 : memref<1x128x128xf32, #tpu.memory_space<hbm>> -> memref<128x128xf32, #tpu.memory_space<hbm>>
      %dma_wait3A_44 = arith.constant 0 : i32
      %dma_wait3A_45 = tpu.memref_slice %arg10[%add3A_27, %dma_wait3A_44] : memref<5120x128xf32, #tpu.memory_space<vmem_shared>> -> memref<128x128xf32, #tpu.memory_space<vmem_shared>>
      tpu.wait_dma2 semaphore(%run_scoped3A : memref<!tpu.dma_semaphore, #tpu.memory_space<semaphore_mem>>) src(%dma_wait3A_45 : memref<128x128xf32, #tpu.memory_space<vmem_shared>>) dst(%dma_wait3A_43 : memref<128x128xf32, #tpu.memory_space<hbm>>)
      tpu.yield
    }) : () -> ()
    %add3A_30 = arith.constant 128 : i32
    %add3A_31 = arith.addi %mul3A_9, %add3A_30 : i32
    %add3A_32 = arith.constant 128 : i32
    %add3A_33 = arith.addi %mul3A_9, %add3A_32 : i32
    "tpu.region"() ({
      %run_scoped3A = tpu.sem_alloc : memref<!tpu.dma_semaphore, #tpu.memory_space<semaphore_mem>>
      %dma_start3A = arith.constant 0 : i32
      %dma_start3A_38 = tpu.memref_slice %arg5[%arg0, %add3A_33, %dma_start3A] : memref<2x5120x128xf32, #tpu.memory_space<hbm>> -> memref<1x128x128xf32, #tpu.memory_space<hbm>>
      %dma_start3A_39 = tpu.memref_squeeze %dma_start3A_38 : memref<1x128x128xf32, #tpu.memory_space<hbm>> -> memref<128x128xf32, #tpu.memory_space<hbm>>
      %dma_start3A_40 = arith.constant 0 : i32
      %dma_start3A_41 = tpu.memref_slice %arg10[%add3A_31, %dma_start3A_40] : memref<5120x128xf32, #tpu.memory_space<vmem_shared>> -> memref<128x128xf32, #tpu.memory_space<vmem_shared>>
      tpu.enqueue_dma source(%dma_start3A_41 : memref<128x128xf32, #tpu.memory_space<vmem_shared>>) target(%dma_start3A_39 : memref<128x128xf32, #tpu.memory_space<hbm>>) target_semaphore(%run_scoped3A : memref<!tpu.dma_semaphore, #tpu.memory_space<semaphore_mem>>)
      %dma_wait3A = arith.constant 0 : i32
      %dma_wait3A_42 = tpu.memref_slice %arg5[%arg0, %add3A_33, %dma_wait3A] : memref<2x5120x128xf32, #tpu.memory_space<hbm>> -> memref<1x128x128xf32, #tpu.memory_space<hbm>>
      %dma_wait3A_43 = tpu.memref_squeeze %dma_wait3A_42 : memref<1x128x128xf32, #tpu.memory_space<hbm>> -> memref<128x128xf32, #tpu.memory_space<hbm>>
      %dma_wait3A_44 = arith.constant 0 : i32
      %dma_wait3A_45 = tpu.memref_slice %arg10[%add3A_31, %dma_wait3A_44] : memref<5120x128xf32, #tpu.memory_space<vmem_shared>> -> memref<128x128xf32, #tpu.memory_space<vmem_shared>>
      tpu.wait_dma2 semaphore(%run_scoped3A : memref<!tpu.dma_semaphore, #tpu.memory_space<semaphore_mem>>) src(%dma_wait3A_45 : memref<128x128xf32, #tpu.memory_space<vmem_shared>>) dst(%dma_wait3A_43 : memref<128x128xf32, #tpu.memory_space<hbm>>)
      tpu.yield
    }) : () -> ()
    %add3A_34 = arith.constant 256 : i32
    %add3A_35 = arith.addi %mul3A_9, %add3A_34 : i32
    %add3A_36 = arith.constant 256 : i32
    %add3A_37 = arith.addi %mul3A_9, %add3A_36 : i32
    "tpu.region"() ({
      %run_scoped3A = tpu.sem_alloc : memref<!tpu.dma_semaphore, #tpu.memory_space<semaphore_mem>>
      %dma_start3A = arith.constant 0 : i32
      %dma_start3A_38 = tpu.memref_slice %arg5[%arg0, %add3A_37, %dma_start3A] : memref<2x5120x128xf32, #tpu.memory_space<hbm>> -> memref<1x64x128xf32, #tpu.memory_space<hbm>>
      %dma_start3A_39 = tpu.memref_squeeze %dma_start3A_38 : memref<1x64x128xf32, #tpu.memory_space<hbm>> -> memref<64x128xf32, #tpu.memory_space<hbm>>
      %dma_start3A_40 = arith.constant 0 : i32
      %dma_start3A_41 = tpu.memref_slice %arg10[%add3A_35, %dma_start3A_40] : memref<5120x128xf32, #tpu.memory_space<vmem_shared>> -> memref<64x128xf32, #tpu.memory_space<vmem_shared>>
      tpu.enqueue_dma source(%dma_start3A_41 : memref<64x128xf32, #tpu.memory_space<vmem_shared>>) target(%dma_start3A_39 : memref<64x128xf32, #tpu.memory_space<hbm>>) target_semaphore(%run_scoped3A : memref<!tpu.dma_semaphore, #tpu.memory_space<semaphore_mem>>)
      %dma_wait3A = arith.constant 0 : i32
      %dma_wait3A_42 = tpu.memref_slice %arg5[%arg0, %add3A_37, %dma_wait3A] : memref<2x5120x128xf32, #tpu.memory_space<hbm>> -> memref<1x64x128xf32, #tpu.memory_space<hbm>>
      %dma_wait3A_43 = tpu.memref_squeeze %dma_wait3A_42 : memref<1x64x128xf32, #tpu.memory_space<hbm>> -> memref<64x128xf32, #tpu.memory_space<hbm>>
      %dma_wait3A_44 = arith.constant 0 : i32
      %dma_wait3A_45 = tpu.memref_slice %arg10[%add3A_35, %dma_wait3A_44] : memref<5120x128xf32, #tpu.memory_space<vmem_shared>> -> memref<64x128xf32, #tpu.memory_space<vmem_shared>>
      tpu.wait_dma2 semaphore(%run_scoped3A : memref<!tpu.dma_semaphore, #tpu.memory_space<semaphore_mem>>) src(%dma_wait3A_45 : memref<64x128xf32, #tpu.memory_space<vmem_shared>>) dst(%dma_wait3A_43 : memref<64x128xf32, #tpu.memory_space<hbm>>)
      tpu.yield
    }) : () -> ()
    return
  }
}

#map = affine_map<(d0, d1) -> (0, 0)>
#map1 = affine_map<(d0, d1) -> (0)>
#map2 = affine_map<(d0, d1) -> (0, 0, 0)>
module attributes {stable_mosaic.version = 14 : i64} {
  func.func @spmm(%arg0: i32, %arg1: i32, %arg2: memref<10000x128xf32, #tpu.memory_space<hbm>>, %arg3: memref<320000xi32, #tpu.memory_space<hbm>>, %arg4: memref<320000xi32, #tpu.memory_space<hbm>>, %arg5: memref<2x5120x128xf32, #tpu.memory_space<hbm>>, %arg6: memref<80xi32, #tpu.memory_space<vmem>>, %arg7: memref<80xi32, #tpu.memory_space<vmem>>, %arg8: memref<80x128xf32, #tpu.memory_space<vmem>>, %arg9: memref<128x128xf32, #tpu.memory_space<vmem>>, %arg10: memref<5120x128xf32, #tpu.memory_space<vmem_shared>>, %arg11: memref<!tpu.dma_semaphore, #tpu.memory_space<semaphore_mem>>) attributes {dimension_semantics = [#tpu.dimension_semantics<core_parallel>, #tpu.dimension_semantics<subcore_parallel>], iteration_bounds = array<i64: 2, 16>, scalar_prefetch = 0 : i64, scratch_operands = 6 : i64, tpu.core_type = #tpu.core_type<sc_vector_subcore>, window_params = [{transform_indices = #map}, {transform_indices = #map1}, {transform_indices = #map1}, {transform_indices = #map2}]} {
    %mul3A = arith.constant 16 : i32
    %mul3A_0 = arith.muli %arg0, %mul3A : i32
    %add3A = arith.addi %mul3A_0, %arg1 : i32
    %broadcast_in_dim3A = arith.constant 0.000000e+00 : f32
    %broadcast_in_dim3A_1 = vector.broadcast %broadcast_in_dim3A : f32 to vector<16xf32>
    %scan3A = arith.constant 0 : i32
    %scan3A_2 = arith.constant 0 : i32
    %scan3A_3 = arith.constant 128 : i32
    %scan3A_4 = arith.addi %scan3A_2, %scan3A_3 : i32
    %scan3A_5 = arith.constant 1 : i32
    %scan3A_6 = scf.for %scan3A_38 = %scan3A_2 to %scan3A_4 step %scan3A_5 iter_args(%scan3A_39 = %scan3A) -> (i32)  : i32 {
      %swap3A = arith.index_cast %scan3A_38 : i32 to index
      %swap3A_40 = arith.constant 0 : index
      %swap3A_41 = tpu.vector_load %arg9[%swap3A, %swap3A_40] {strides = array<i32>} : memref<128x128xf32, #tpu.memory_space<vmem>>, vector<1x16xf32>,
      %swap3A_42 = vector.shape_cast %swap3A_41 : vector<1x16xf32> to vector<16xf32>
      %swap3A_43 = vector.shape_cast %broadcast_in_dim3A_1 : vector<16xf32> to vector<1x16xf32>
      tpu.vector_store %arg9[%swap3A, %swap3A_40], %swap3A_43 {strides = array<i32>} : memref<128x128xf32, #tpu.memory_space<vmem>>, vector<1x16xf32>,
      %swap3A_44 = arith.index_cast %scan3A_38 : i32 to index
      %swap3A_45 = arith.constant 16 : index
      %swap3A_46 = tpu.vector_load %arg9[%swap3A_44, %swap3A_45] {strides = array<i32>} : memref<128x128xf32, #tpu.memory_space<vmem>>, vector<1x16xf32>,
      %swap3A_47 = vector.shape_cast %swap3A_46 : vector<1x16xf32> to vector<16xf32>
      %swap3A_48 = vector.shape_cast %broadcast_in_dim3A_1 : vector<16xf32> to vector<1x16xf32>
      tpu.vector_store %arg9[%swap3A_44, %swap3A_45], %swap3A_48 {strides = array<i32>} : memref<128x128xf32, #tpu.memory_space<vmem>>, vector<1x16xf32>,
      %swap3A_49 = arith.index_cast %scan3A_38 : i32 to index
      %swap3A_50 = arith.constant 32 : index
      %swap3A_51 = tpu.vector_load %arg9[%swap3A_49, %swap3A_50] {strides = array<i32>} : memref<128x128xf32, #tpu.memory_space<vmem>>, vector<1x16xf32>,
      %swap3A_52 = vector.shape_cast %swap3A_51 : vector<1x16xf32> to vector<16xf32>
      %swap3A_53 = vector.shape_cast %broadcast_in_dim3A_1 : vector<16xf32> to vector<1x16xf32>
      tpu.vector_store %arg9[%swap3A_49, %swap3A_50], %swap3A_53 {strides = array<i32>} : memref<128x128xf32, #tpu.memory_space<vmem>>, vector<1x16xf32>,
      %swap3A_54 = arith.index_cast %scan3A_38 : i32 to index
      %swap3A_55 = arith.constant 48 : index
      %swap3A_56 = tpu.vector_load %arg9[%swap3A_54, %swap3A_55] {strides = array<i32>} : memref<128x128xf32, #tpu.memory_space<vmem>>, vector<1x16xf32>,
      %swap3A_57 = vector.shape_cast %swap3A_56 : vector<1x16xf32> to vector<16xf32>
      %swap3A_58 = vector.shape_cast %broadcast_in_dim3A_1 : vector<16xf32> to vector<1x16xf32>
      tpu.vector_store %arg9[%swap3A_54, %swap3A_55], %swap3A_58 {strides = array<i32>} : memref<128x128xf32, #tpu.memory_space<vmem>>, vector<1x16xf32>,
      %swap3A_59 = arith.index_cast %scan3A_38 : i32 to index
      %swap3A_60 = arith.constant 64 : index
      %swap3A_61 = tpu.vector_load %arg9[%swap3A_59, %swap3A_60] {strides = array<i32>} : memref<128x128xf32, #tpu.memory_space<vmem>>, vector<1x16xf32>,
      %swap3A_62 = vector.shape_cast %swap3A_61 : vector<1x16xf32> to vector<16xf32>
      %swap3A_63 = vector.shape_cast %broadcast_in_dim3A_1 : vector<16xf32> to vector<1x16xf32>
      tpu.vector_store %arg9[%swap3A_59, %swap3A_60], %swap3A_63 {strides = array<i32>} : memref<128x128xf32, #tpu.memory_space<vmem>>, vector<1x16xf32>,
      %swap3A_64 = arith.index_cast %scan3A_38 : i32 to index
      %swap3A_65 = arith.constant 80 : index
      %swap3A_66 = tpu.vector_load %arg9[%swap3A_64, %swap3A_65] {strides = array<i32>} : memref<128x128xf32, #tpu.memory_space<vmem>>, vector<1x16xf32>,
      %swap3A_67 = vector.shape_cast %swap3A_66 : vector<1x16xf32> to vector<16xf32>
      %swap3A_68 = vector.shape_cast %broadcast_in_dim3A_1 : vector<16xf32> to vector<1x16xf32>
      tpu.vector_store %arg9[%swap3A_64, %swap3A_65], %swap3A_68 {strides = array<i32>} : memref<128x128xf32, #tpu.memory_space<vmem>>, vector<1x16xf32>,
      %swap3A_69 = arith.index_cast %scan3A_38 : i32 to index
      %swap3A_70 = arith.constant 96 : index
      %swap3A_71 = tpu.vector_load %arg9[%swap3A_69, %swap3A_70] {strides = array<i32>} : memref<128x128xf32, #tpu.memory_space<vmem>>, vector<1x16xf32>,
      %swap3A_72 = vector.shape_cast %swap3A_71 : vector<1x16xf32> to vector<16xf32>
      %swap3A_73 = vector.shape_cast %broadcast_in_dim3A_1 : vector<16xf32> to vector<1x16xf32>
      tpu.vector_store %arg9[%swap3A_69, %swap3A_70], %swap3A_73 {strides = array<i32>} : memref<128x128xf32, #tpu.memory_space<vmem>>, vector<1x16xf32>,
      %swap3A_74 = arith.index_cast %scan3A_38 : i32 to index
      %swap3A_75 = arith.constant 112 : index
      %swap3A_76 = tpu.vector_load %arg9[%swap3A_74, %swap3A_75] {strides = array<i32>} : memref<128x128xf32, #tpu.memory_space<vmem>>, vector<1x16xf32>,
      %swap3A_77 = vector.shape_cast %swap3A_76 : vector<1x16xf32> to vector<16xf32>
      %swap3A_78 = vector.shape_cast %broadcast_in_dim3A_1 : vector<16xf32> to vector<1x16xf32>
      tpu.vector_store %arg9[%swap3A_74, %swap3A_75], %swap3A_78 {strides = array<i32>} : memref<128x128xf32, #tpu.memory_space<vmem>>, vector<1x16xf32>,
      %scan3A_79 = arith.constant 0 : i32
      scf.yield %scan3A_79 : i32
    }
    %scan3A_7 = arith.constant 128 : i32
    %mul3A_8 = arith.constant 320 : i32
    %mul3A_9 = arith.muli %arg1, %mul3A_8 : i32
    %add3A_10 = arith.constant 0 : i32
    %add3A_11 = arith.addi %mul3A_9, %add3A_10 : i32
    "tpu.region"() ({
      %run_scoped3A = tpu.sem_alloc : memref<!tpu.dma_semaphore, #tpu.memory_space<semaphore_mem>>
      %dma_start3A = arith.constant 0 : i32
      %dma_start3A_38 = arith.constant 0 : i32
      %dma_start3A_39 = tpu.memref_slice %arg9[%dma_start3A, %dma_start3A_38] : memref<128x128xf32, #tpu.memory_space<vmem>> -> memref<128x128xf32, #tpu.memory_space<vmem>>
      %dma_start3A_40 = arith.constant 0 : i32
      %dma_start3A_41 = tpu.memref_slice %arg10[%add3A_11, %dma_start3A_40] : memref<5120x128xf32, #tpu.memory_space<vmem_shared>> -> memref<128x128xf32, #tpu.memory_space<vmem_shared>>
      %dma_start3A_42 = arith.constant 0 : i32
      %dma_start3A_43 = tpu.memref_slice %arg10[%add3A_11, %dma_start3A_42] : memref<5120x128xf32, #tpu.memory_space<vmem_shared>> -> memref<128x128xf32, #tpu.memory_space<vmem_shared>>
      %dma_start3A_44 = arith.constant 0 : i32
      %dma_start3A_45 = arith.constant 0 : i32
      %dma_start3A_46 = tpu.memref_slice %arg9[%dma_start3A_44, %dma_start3A_45] : memref<128x128xf32, #tpu.memory_space<vmem>> -> memref<128x128xf32, #tpu.memory_space<vmem>>
      tpu.enqueue_dma source(%dma_start3A_46 : memref<128x128xf32, #tpu.memory_space<vmem>>) target(%dma_start3A_43 : memref<128x128xf32, #tpu.memory_space<vmem_shared>>) target_semaphore(%run_scoped3A : memref<!tpu.dma_semaphore, #tpu.memory_space<semaphore_mem>>)
      %dma_wait3A = arith.constant 0 : i32
      %dma_wait3A_47 = arith.constant 0 : i32
      %dma_wait3A_48 = tpu.memref_slice %arg9[%dma_wait3A, %dma_wait3A_47] : memref<128x128xf32, #tpu.memory_space<vmem>> -> memref<128x128xf32, #tpu.memory_space<vmem>>
      %dma_wait3A_49 = arith.constant 0 : i32
      %dma_wait3A_50 = tpu.memref_slice %arg10[%add3A_11, %dma_wait3A_49] : memref<5120x128xf32, #tpu.memory_space<vmem_shared>> -> memref<128x128xf32, #tpu.memory_space<vmem_shared>>
      %dma_wait3A_51 = arith.constant 0 : i32
      %dma_wait3A_52 = tpu.memref_slice %arg10[%add3A_11, %dma_wait3A_51] : memref<5120x128xf32, #tpu.memory_space<vmem_shared>> -> memref<128x128xf32, #tpu.memory_space<vmem_shared>>
      %dma_wait3A_53 = arith.constant 0 : i32
      %dma_wait3A_54 = arith.constant 0 : i32
      %dma_wait3A_55 = tpu.memref_slice %arg9[%dma_wait3A_53, %dma_wait3A_54] : memref<128x128xf32, #tpu.memory_space<vmem>> -> memref<128x128xf32, #tpu.memory_space<vmem>>
      tpu.wait_dma2 semaphore(%run_scoped3A : memref<!tpu.dma_semaphore, #tpu.memory_space<semaphore_mem>>) src(%dma_wait3A_55 : memref<128x128xf32, #tpu.memory_space<vmem>>) dst(%dma_wait3A_52 : memref<128x128xf32, #tpu.memory_space<vmem_shared>>)
      tpu.yield
    }) : () -> ()
    %add3A_12 = arith.constant 128 : i32
    %add3A_13 = arith.addi %mul3A_9, %add3A_12 : i32
    "tpu.region"() ({
      %run_scoped3A = tpu.sem_alloc : memref<!tpu.dma_semaphore, #tpu.memory_space<semaphore_mem>>
      %dma_start3A = arith.constant 0 : i32
      %dma_start3A_38 = arith.constant 0 : i32
      %dma_start3A_39 = tpu.memref_slice %arg9[%dma_start3A, %dma_start3A_38] : memref<128x128xf32, #tpu.memory_space<vmem>> -> memref<128x128xf32, #tpu.memory_space<vmem>>
      %dma_start3A_40 = arith.constant 0 : i32
      %dma_start3A_41 = tpu.memref_slice %arg10[%add3A_13, %dma_start3A_40] : memref<5120x128xf32, #tpu.memory_space<vmem_shared>> -> memref<128x128xf32, #tpu.memory_space<vmem_shared>>
      %dma_start3A_42 = arith.constant 0 : i32
      %dma_start3A_43 = tpu.memref_slice %arg10[%add3A_13, %dma_start3A_42] : memref<5120x128xf32, #tpu.memory_space<vmem_shared>> -> memref<128x128xf32, #tpu.memory_space<vmem_shared>>
      %dma_start3A_44 = arith.constant 0 : i32
      %dma_start3A_45 = arith.constant 0 : i32
      %dma_start3A_46 = tpu.memref_slice %arg9[%dma_start3A_44, %dma_start3A_45] : memref<128x128xf32, #tpu.memory_space<vmem>> -> memref<128x128xf32, #tpu.memory_space<vmem>>
      tpu.enqueue_dma source(%dma_start3A_46 : memref<128x128xf32, #tpu.memory_space<vmem>>) target(%dma_start3A_43 : memref<128x128xf32, #tpu.memory_space<vmem_shared>>) target_semaphore(%run_scoped3A : memref<!tpu.dma_semaphore, #tpu.memory_space<semaphore_mem>>)
      %dma_wait3A = arith.constant 0 : i32
      %dma_wait3A_47 = arith.constant 0 : i32
      %dma_wait3A_48 = tpu.memref_slice %arg9[%dma_wait3A, %dma_wait3A_47] : memref<128x128xf32, #tpu.memory_space<vmem>> -> memref<128x128xf32, #tpu.memory_space<vmem>>
      %dma_wait3A_49 = arith.constant 0 : i32
      %dma_wait3A_50 = tpu.memref_slice %arg10[%add3A_13, %dma_wait3A_49] : memref<5120x128xf32, #tpu.memory_space<vmem_shared>> -> memref<128x128xf32, #tpu.memory_space<vmem_shared>>
      %dma_wait3A_51 = arith.constant 0 : i32
      %dma_wait3A_52 = tpu.memref_slice %arg10[%add3A_13, %dma_wait3A_51] : memref<5120x128xf32, #tpu.memory_space<vmem_shared>> -> memref<128x128xf32, #tpu.memory_space<vmem_shared>>
      %dma_wait3A_53 = arith.constant 0 : i32
      %dma_wait3A_54 = arith.constant 0 : i32
      %dma_wait3A_55 = tpu.memref_slice %arg9[%dma_wait3A_53, %dma_wait3A_54] : memref<128x128xf32, #tpu.memory_space<vmem>> -> memref<128x128xf32, #tpu.memory_space<vmem>>
      tpu.wait_dma2 semaphore(%run_scoped3A : memref<!tpu.dma_semaphore, #tpu.memory_space<semaphore_mem>>) src(%dma_wait3A_55 : memref<128x128xf32, #tpu.memory_space<vmem>>) dst(%dma_wait3A_52 : memref<128x128xf32, #tpu.memory_space<vmem_shared>>)
      tpu.yield
    }) : () -> ()
    %add3A_14 = arith.constant 256 : i32
    %add3A_15 = arith.addi %mul3A_9, %add3A_14 : i32
    "tpu.region"() ({
      %run_scoped3A = tpu.sem_alloc : memref<!tpu.dma_semaphore, #tpu.memory_space<semaphore_mem>>
      %dma_start3A = arith.constant 0 : i32
      %dma_start3A_38 = arith.constant 0 : i32
      %dma_start3A_39 = tpu.memref_slice %arg9[%dma_start3A, %dma_start3A_38] : memref<128x128xf32, #tpu.memory_space<vmem>> -> memref<64x128xf32, #tpu.memory_space<vmem>>
      %dma_start3A_40 = arith.constant 0 : i32
      %dma_start3A_41 = tpu.memref_slice %arg10[%add3A_15, %dma_start3A_40] : memref<5120x128xf32, #tpu.memory_space<vmem_shared>> -> memref<64x128xf32, #tpu.memory_space<vmem_shared>>
      %dma_start3A_42 = arith.constant 0 : i32
      %dma_start3A_43 = tpu.memref_slice %arg10[%add3A_15, %dma_start3A_42] : memref<5120x128xf32, #tpu.memory_space<vmem_shared>> -> memref<64x128xf32, #tpu.memory_space<vmem_shared>>
      %dma_start3A_44 = arith.constant 0 : i32
      %dma_start3A_45 = arith.constant 0 : i32
      %dma_start3A_46 = tpu.memref_slice %arg9[%dma_start3A_44, %dma_start3A_45] : memref<128x128xf32, #tpu.memory_space<vmem>> -> memref<64x128xf32, #tpu.memory_space<vmem>>
      tpu.enqueue_dma source(%dma_start3A_46 : memref<64x128xf32, #tpu.memory_space<vmem>>) target(%dma_start3A_43 : memref<64x128xf32, #tpu.memory_space<vmem_shared>>) target_semaphore(%run_scoped3A : memref<!tpu.dma_semaphore, #tpu.memory_space<semaphore_mem>>)
      %dma_wait3A = arith.constant 0 : i32
      %dma_wait3A_47 = arith.constant 0 : i32
      %dma_wait3A_48 = tpu.memref_slice %arg9[%dma_wait3A, %dma_wait3A_47] : memref<128x128xf32, #tpu.memory_space<vmem>> -> memref<64x128xf32, #tpu.memory_space<vmem>>
      %dma_wait3A_49 = arith.constant 0 : i32
      %dma_wait3A_50 = tpu.memref_slice %arg10[%add3A_15, %dma_wait3A_49] : memref<5120x128xf32, #tpu.memory_space<vmem_shared>> -> memref<64x128xf32, #tpu.memory_space<vmem_shared>>
      %dma_wait3A_51 = arith.constant 0 : i32
      %dma_wait3A_52 = tpu.memref_slice %arg10[%add3A_15, %dma_wait3A_51] : memref<5120x128xf32, #tpu.memory_space<vmem_shared>> -> memref<64x128xf32, #tpu.memory_space<vmem_shared>>
      %dma_wait3A_53 = arith.constant 0 : i32
      %dma_wait3A_54 = arith.constant 0 : i32
      %dma_wait3A_55 = tpu.memref_slice %arg9[%dma_wait3A_53, %dma_wait3A_54] : memref<128x128xf32, #tpu.memory_space<vmem>> -> memref<64x128xf32, #tpu.memory_space<vmem>>
      tpu.wait_dma2 semaphore(%run_scoped3A : memref<!tpu.dma_semaphore, #tpu.memory_space<semaphore_mem>>) src(%dma_wait3A_55 : memref<64x128xf32, #tpu.memory_space<vmem>>) dst(%dma_wait3A_52 : memref<64x128xf32, #tpu.memory_space<vmem_shared>>)
      tpu.yield
    }) : () -> ()
    %barrier3A = arith.constant 0 : index
    tpu.barrier barrier_id(%barrier3A)
    %mul3A_16 = arith.constant 10000 : i32
    %mul3A_17 = arith.muli %add3A, %mul3A_16 : i32
    %scan3A_18 = arith.constant 0 : i32
    %scan3A_19 = arith.constant 0 : i32
    %scan3A_20 = arith.constant 125 : i32
    %scan3A_21 = arith.addi %scan3A_19, %scan3A_20 : i32
    %scan3A_22 = arith.constant 1 : i32
    %scan3A_23 = scf.for %scan3A_38 = %scan3A_19 to %scan3A_21 step %scan3A_22 iter_args(%scan3A_39 = %scan3A_18) -> (i32)  : i32 {
      %mul3A_40 = arith.constant 80 : i32
      %mul3A_41 = arith.muli %scan3A_38, %mul3A_40 : i32
      %add3A_42 = arith.addi %mul3A_17, %mul3A_41 : i32
      "tpu.region"() ({
        %run_scoped3A = tpu.sem_alloc : memref<!tpu.dma_semaphore, #tpu.memory_space<semaphore_mem>>
        %dma_start3A_48 = tpu.memref_slice %arg3[%add3A_42] : memref<320000xi32, #tpu.memory_space<hbm>> -> memref<80xi32, #tpu.memory_space<hbm>>
        %dma_start3A_49 = tpu.memref_slice %arg3[%add3A_42] : memref<320000xi32, #tpu.memory_space<hbm>> -> memref<80xi32, #tpu.memory_space<hbm>>
        tpu.enqueue_dma source(%dma_start3A_49 : memref<80xi32, #tpu.memory_space<hbm>>) target(%arg6 : memref<80xi32, #tpu.memory_space<vmem>>) target_semaphore(%run_scoped3A : memref<!tpu.dma_semaphore, #tpu.memory_space<semaphore_mem>>)
        %dma_wait3A_50 = tpu.memref_slice %arg3[%add3A_42] : memref<320000xi32, #tpu.memory_space<hbm>> -> memref<80xi32, #tpu.memory_space<hbm>>
        %dma_wait3A_51 = tpu.memref_slice %arg3[%add3A_42] : memref<320000xi32, #tpu.memory_space<hbm>> -> memref<80xi32, #tpu.memory_space<hbm>>
        tpu.wait_dma2 semaphore(%run_scoped3A : memref<!tpu.dma_semaphore, #tpu.memory_space<semaphore_mem>>) src(%dma_wait3A_51 : memref<80xi32, #tpu.memory_space<hbm>>) dst(%arg6 : memref<80xi32, #tpu.memory_space<vmem>>)
        tpu.yield
      }) : () -> ()
      "tpu.region"() ({
        %run_scoped3A = tpu.sem_alloc : memref<!tpu.dma_semaphore, #tpu.memory_space<semaphore_mem>>
        %dma_start3A_48 = tpu.memref_slice %arg4[%add3A_42] : memref<320000xi32, #tpu.memory_space<hbm>> -> memref<80xi32, #tpu.memory_space<hbm>>
        %dma_start3A_49 = tpu.memref_slice %arg4[%add3A_42] : memref<320000xi32, #tpu.memory_space<hbm>> -> memref<80xi32, #tpu.memory_space<hbm>>
        tpu.enqueue_dma source(%dma_start3A_49 : memref<80xi32, #tpu.memory_space<hbm>>) target(%arg7 : memref<80xi32, #tpu.memory_space<vmem>>) target_semaphore(%run_scoped3A : memref<!tpu.dma_semaphore, #tpu.memory_space<semaphore_mem>>)
        %dma_wait3A_50 = tpu.memref_slice %arg4[%add3A_42] : memref<320000xi32, #tpu.memory_space<hbm>> -> memref<80xi32, #tpu.memory_space<hbm>>
        %dma_wait3A_51 = tpu.memref_slice %arg4[%add3A_42] : memref<320000xi32, #tpu.memory_space<hbm>> -> memref<80xi32, #tpu.memory_space<hbm>>
        tpu.wait_dma2 semaphore(%run_scoped3A : memref<!tpu.dma_semaphore, #tpu.memory_space<semaphore_mem>>) src(%dma_wait3A_51 : memref<80xi32, #tpu.memory_space<hbm>>) dst(%arg7 : memref<80xi32, #tpu.memory_space<vmem>>)
        tpu.yield
      }) : () -> ()
      %dma_start3A = arith.constant 0 : i32
      %dma_start3A_43 = arith.constant 0 : i32
      %dma_start3A_44 = tpu.memref_slice %arg2[%dma_start3A, %dma_start3A_43] : memref<10000x128xf32, #tpu.memory_space<hbm>> -> memref<10000x128xf32, #tpu.memory_space<hbm>>
      tpu.enqueue_indirect_dma source(%dma_start3A_44 : memref<10000x128xf32, #tpu.memory_space<hbm>>) target(%arg8 : memref<80x128xf32, #tpu.memory_space<vmem>>) offsets(%arg6 : memref<80xi32, #tpu.memory_space<vmem>>) semaphore(%arg11 : memref<!tpu.dma_semaphore, #tpu.memory_space<semaphore_mem>>)
      %dma_wait3A = arith.constant 0 : i32
      %dma_wait3A_45 = arith.constant 0 : i32
      %dma_wait3A_46 = tpu.memref_slice %arg2[%dma_wait3A, %dma_wait3A_45] : memref<10000x128xf32, #tpu.memory_space<hbm>> -> memref<10000x128xf32, #tpu.memory_space<hbm>>
      tpu.wait_indirect_dma semaphore(%arg11 : memref<!tpu.dma_semaphore, #tpu.memory_space<semaphore_mem>>) src(%dma_wait3A_46 : memref<10000x128xf32, #tpu.memory_space<hbm>>) dst(%arg8 : memref<80x128xf32, #tpu.memory_space<vmem>>)
      "tpu.region"() ({
        %run_scoped3A = tpu.sem_alloc : memref<!tpu.dma_semaphore, #tpu.memory_space<semaphore_mem>>
        %dma_start3A_48 = arith.constant 0 : i32
        %dma_start3A_49 = arith.constant 0 : i32
        %dma_start3A_50 = tpu.memref_slice %arg10[%dma_start3A_48, %dma_start3A_49] : memref<5120x128xf32, #tpu.memory_space<vmem_shared>> -> memref<5120x128xf32, #tpu.memory_space<vmem_shared>>
        tpu.enqueue_indirect_dma source(%arg8 : memref<80x128xf32, #tpu.memory_space<vmem>>) target(%dma_start3A_50 : memref<5120x128xf32, #tpu.memory_space<vmem_shared>>) offsets(%arg7 : memref<80xi32, #tpu.memory_space<vmem>>) semaphore(%run_scoped3A : memref<!tpu.dma_semaphore, #tpu.memory_space<semaphore_mem>>) {add = true}
        %dma_wait3A_51 = arith.constant 0 : i32
        %dma_wait3A_52 = arith.constant 0 : i32
        %dma_wait3A_53 = tpu.memref_slice %arg10[%dma_wait3A_51, %dma_wait3A_52] : memref<5120x128xf32, #tpu.memory_space<vmem_shared>> -> memref<5120x128xf32, #tpu.memory_space<vmem_shared>>
        tpu.wait_indirect_dma semaphore(%run_scoped3A : memref<!tpu.dma_semaphore, #tpu.memory_space<semaphore_mem>>) src(%arg8 : memref<80x128xf32, #tpu.memory_space<vmem>>) dst(%dma_wait3A_53 : memref<5120x128xf32, #tpu.memory_space<vmem_shared>>)
        tpu.yield
      }) : () -> ()
      %scan3A_47 = arith.constant 0 : i32
      scf.yield %scan3A_47 : i32
    }
    %scan3A_24 = arith.constant 125 : i32
    %barrier3A_25 = arith.constant 0 : index
    tpu.barrier barrier_id(%barrier3A_25)
    %add3A_26 = arith.constant 0 : i32
    %add3A_27 = arith.addi %mul3A_9, %add3A_26 : i32
    %add3A_28 = arith.constant 0 : i32
    %add3A_29 = arith.addi %mul3A_9, %add3A_28 : i32
    "tpu.region"() ({
      %run_scoped3A = tpu.sem_alloc : memref<!tpu.dma_semaphore, #tpu.memory_space<semaphore_mem>>
      %dma_start3A = arith.constant 0 : i32
      %dma_start3A_38 = tpu.memref_slice %arg5[%arg0, %add3A_29, %dma_start3A] : memref<2x5120x128xf32, #tpu.memory_space<hbm>> -> memref<1x128x128xf32, #tpu.memory_space<hbm>>
      %dma_start3A_39 = tpu.memref_squeeze %dma_start3A_38 : memref<1x128x128xf32, #tpu.memory_space<hbm>> -> memref<128x128xf32, #tpu.memory_space<hbm>>
      %dma_start3A_40 = arith.constant 0 : i32
      %dma_start3A_41 = tpu.memref_slice %arg10[%add3A_27, %dma_start3A_40] : memref<5120x128xf32, #tpu.memory_space<vmem_shared>> -> memref<128x128xf32, #tpu.memory_space<vmem_shared>>
      tpu.enqueue_dma source(%dma_start3A_41 : memref<128x128xf32, #tpu.memory_space<vmem_shared>>) target(%dma_start3A_39 : memref<128x128xf32, #tpu.memory_space<hbm>>) target_semaphore(%run_scoped3A : memref<!tpu.dma_semaphore, #tpu.memory_space<semaphore_mem>>)
      %dma_wait3A = arith.constant 0 : i32
      %dma_wait3A_42 = tpu.memref_slice %arg5[%arg0, %add3A_29, %dma_wait3A] : memref<2x5120x128xf32, #tpu.memory_space<hbm>> -> memref<1x128x128xf32, #tpu.memory_space<hbm>>
      %dma_wait3A_43 = tpu.memref_squeeze %dma_wait3A_42 : memref<1x128x128xf32, #tpu.memory_space<hbm>> -> memref<128x128xf32, #tpu.memory_space<hbm>>
      %dma_wait3A_44 = arith.constant 0 : i32
      %dma_wait3A_45 = tpu.memref_slice %arg10[%add3A_27, %dma_wait3A_44] : memref<5120x128xf32, #tpu.memory_space<vmem_shared>> -> memref<128x128xf32, #tpu.memory_space<vmem_shared>>
      tpu.wait_dma2 semaphore(%run_scoped3A : memref<!tpu.dma_semaphore, #tpu.memory_space<semaphore_mem>>) src(%dma_wait3A_45 : memref<128x128xf32, #tpu.memory_space<vmem_shared>>) dst(%dma_wait3A_43 : memref<128x128xf32, #tpu.memory_space<hbm>>)
      tpu.yield
    }) : () -> ()
    %add3A_30 = arith.constant 128 : i32
    %add3A_31 = arith.addi %mul3A_9, %add3A_30 : i32
    %add3A_32 = arith.constant 128 : i32
    %add3A_33 = arith.addi %mul3A_9, %add3A_32 : i32
    "tpu.region"() ({
      %run_scoped3A = tpu.sem_alloc : memref<!tpu.dma_semaphore, #tpu.memory_space<semaphore_mem>>
      %dma_start3A = arith.constant 0 : i32
      %dma_start3A_38 = tpu.memref_slice %arg5[%arg0, %add3A_33, %dma_start3A] : memref<2x5120x128xf32, #tpu.memory_space<hbm>> -> memref<1x128x128xf32, #tpu.memory_space<hbm>>
      %dma_start3A_39 = tpu.memref_squeeze %dma_start3A_38 : memref<1x128x128xf32, #tpu.memory_space<hbm>> -> memref<128x128xf32, #tpu.memory_space<hbm>>
      %dma_start3A_40 = arith.constant 0 : i32
      %dma_start3A_41 = tpu.memref_slice %arg10[%add3A_31, %dma_start3A_40] : memref<5120x128xf32, #tpu.memory_space<vmem_shared>> -> memref<128x128xf32, #tpu.memory_space<vmem_shared>>
      tpu.enqueue_dma source(%dma_start3A_41 : memref<128x128xf32, #tpu.memory_space<vmem_shared>>) target(%dma_start3A_39 : memref<128x128xf32, #tpu.memory_space<hbm>>) target_semaphore(%run_scoped3A : memref<!tpu.dma_semaphore, #tpu.memory_space<semaphore_mem>>)
      %dma_wait3A = arith.constant 0 : i32
      %dma_wait3A_42 = tpu.memref_slice %arg5[%arg0, %add3A_33, %dma_wait3A] : memref<2x5120x128xf32, #tpu.memory_space<hbm>> -> memref<1x128x128xf32, #tpu.memory_space<hbm>>
      %dma_wait3A_43 = tpu.memref_squeeze %dma_wait3A_42 : memref<1x128x128xf32, #tpu.memory_space<hbm>> -> memref<128x128xf32, #tpu.memory_space<hbm>>
      %dma_wait3A_44 = arith.constant 0 : i32
      %dma_wait3A_45 = tpu.memref_slice %arg10[%add3A_31, %dma_wait3A_44] : memref<5120x128xf32, #tpu.memory_space<vmem_shared>> -> memref<128x128xf32, #tpu.memory_space<vmem_shared>>
      tpu.wait_dma2 semaphore(%run_scoped3A : memref<!tpu.dma_semaphore, #tpu.memory_space<semaphore_mem>>) src(%dma_wait3A_45 : memref<128x128xf32, #tpu.memory_space<vmem_shared>>) dst(%dma_wait3A_43 : memref<128x128xf32, #tpu.memory_space<hbm>>)
      tpu.yield
    }) : () -> ()
    %add3A_34 = arith.constant 256 : i32
    %add3A_35 = arith.addi %mul3A_9, %add3A_34 : i32
    %add3A_36 = arith.constant 256 : i32
    %add3A_37 = arith.addi %mul3A_9, %add3A_36 : i32
    "tpu.region"() ({
      %run_scoped3A = tpu.sem_alloc : memref<!tpu.dma_semaphore, #tpu.memory_space<semaphore_mem>>
      %dma_start3A = arith.constant 0 : i32
      %dma_start3A_38 = tpu.memref_slice %arg5[%arg0, %add3A_37, %dma_start3A] : memref<2x5120x128xf32, #tpu.memory_space<hbm>> -> memref<1x64x128xf32, #tpu.memory_space<hbm>>
      %dma_start3A_39 = tpu.memref_squeeze %dma_start3A_38 : memref<1x64x128xf32, #tpu.memory_space<hbm>> -> memref<64x128xf32, #tpu.memory_space<hbm>>
      %dma_start3A_40 = arith.constant 0 : i32
      %dma_start3A_41 = tpu.memref_slice %arg10[%add3A_35, %dma_start3A_40] : memref<5120x128xf32, #tpu.memory_space<vmem_shared>> -> memref<64x128xf32, #tpu.memory_space<vmem_shared>>
      tpu.enqueue_dma source(%dma_start3A_41 : memref<64x128xf32, #tpu.memory_space<vmem_shared>>) target(%dma_start3A_39 : memref<64x128xf32, #tpu.memory_space<hbm>>) target_semaphore(%run_scoped3A : memref<!tpu.dma_semaphore, #tpu.memory_space<semaphore_mem>>)
      %dma_wait3A = arith.constant 0 : i32
      %dma_wait3A_42 = tpu.memref_slice %arg5[%arg0, %add3A_37, %dma_wait3A] : memref<2x5120x128xf32, #tpu.memory_space<hbm>> -> memref<1x64x128xf32, #tpu.memory_space<hbm>>
      %dma_wait3A_43 = tpu.memref_squeeze %dma_wait3A_42 : memref<1x64x128xf32, #tpu.memory_space<hbm>> -> memref<64x128xf32, #tpu.memory_space<hbm>>
      %dma_wait3A_44 = arith.constant 0 : i32
      %dma_wait3A_45 = tpu.memref_slice %arg10[%add3A_35, %dma_wait3A_44] : memref<5120x128xf32, #tpu.memory_space<vmem_shared>> -> memref<64x128xf32, #tpu.memory_space<vmem_shared>>
      tpu.wait_dma2 semaphore(%run_scoped3A : memref<!tpu.dma_semaphore, #tpu.memory_space<semaphore_mem>>) src(%dma_wait3A_45 : memref<64x128xf32, #tpu.memory_space<vmem_shared>>) dst(%dma_wait3A_43 : memref<64x128xf32, #tpu.memory_space<hbm>>)
      tpu.yield
    }) : () -> ()
    return
  }
}

#map = affine_map<(d0, d1) -> (0, 0)>
#map1 = affine_map<(d0, d1) -> (0)>
#map2 = affine_map<(d0, d1) -> (0, 0, 0)>
module attributes {stable_mosaic.version = 14 : i64} {
  func.func @spmm(%arg0: i32, %arg1: i32, %arg2: memref<5120x128xf32, #tpu.memory_space<hbm>>, %arg3: memref<320000xi32, #tpu.memory_space<hbm>>, %arg4: memref<320000xi32, #tpu.memory_space<hbm>>, %arg5: memref<2x10240x128xf32, #tpu.memory_space<hbm>>, %arg6: memref<80xi32, #tpu.memory_space<vmem>>, %arg7: memref<80xi32, #tpu.memory_space<vmem>>, %arg8: memref<80x128xf32, #tpu.memory_space<vmem>>, %arg9: memref<128x128xf32, #tpu.memory_space<vmem>>, %arg10: memref<10240x128xf32, #tpu.memory_space<vmem_shared>>, %arg11: memref<!tpu.dma_semaphore, #tpu.memory_space<semaphore_mem>>) attributes {dimension_semantics = [#tpu.dimension_semantics<core_parallel>, #tpu.dimension_semantics<subcore_parallel>], iteration_bounds = array<i64: 2, 16>, scalar_prefetch = 0 : i64, scratch_operands = 6 : i64, tpu.core_type = #tpu.core_type<sc_vector_subcore>, window_params = [{transform_indices = #map}, {transform_indices = #map1}, {transform_indices = #map1}, {transform_indices = #map2}]} {
    %mul3A = arith.constant 16 : i32
    %mul3A_0 = arith.muli %arg0, %mul3A : i32
    %add3A = arith.addi %mul3A_0, %arg1 : i32
    %broadcast_in_dim3A = arith.constant 0.000000e+00 : f32
    %broadcast_in_dim3A_1 = vector.broadcast %broadcast_in_dim3A : f32 to vector<16xf32>
    %scan3A = arith.constant 0 : i32
    %scan3A_2 = arith.constant 0 : i32
    %scan3A_3 = arith.constant 128 : i32
    %scan3A_4 = arith.addi %scan3A_2, %scan3A_3 : i32
    %scan3A_5 = arith.constant 1 : i32
    %scan3A_6 = scf.for %scan3A_50 = %scan3A_2 to %scan3A_4 step %scan3A_5 iter_args(%scan3A_51 = %scan3A) -> (i32)  : i32 {
      %swap3A = arith.index_cast %scan3A_50 : i32 to index
      %swap3A_52 = arith.constant 0 : index
      %swap3A_53 = tpu.vector_load %arg9[%swap3A, %swap3A_52] {strides = array<i32>} : memref<128x128xf32, #tpu.memory_space<vmem>>, vector<1x16xf32>,
      %swap3A_54 = vector.shape_cast %swap3A_53 : vector<1x16xf32> to vector<16xf32>
      %swap3A_55 = vector.shape_cast %broadcast_in_dim3A_1 : vector<16xf32> to vector<1x16xf32>
      tpu.vector_store %arg9[%swap3A, %swap3A_52], %swap3A_55 {strides = array<i32>} : memref<128x128xf32, #tpu.memory_space<vmem>>, vector<1x16xf32>,
      %swap3A_56 = arith.index_cast %scan3A_50 : i32 to index
      %swap3A_57 = arith.constant 16 : index
      %swap3A_58 = tpu.vector_load %arg9[%swap3A_56, %swap3A_57] {strides = array<i32>} : memref<128x128xf32, #tpu.memory_space<vmem>>, vector<1x16xf32>,
      %swap3A_59 = vector.shape_cast %swap3A_58 : vector<1x16xf32> to vector<16xf32>
      %swap3A_60 = vector.shape_cast %broadcast_in_dim3A_1 : vector<16xf32> to vector<1x16xf32>
      tpu.vector_store %arg9[%swap3A_56, %swap3A_57], %swap3A_60 {strides = array<i32>} : memref<128x128xf32, #tpu.memory_space<vmem>>, vector<1x16xf32>,
      %swap3A_61 = arith.index_cast %scan3A_50 : i32 to index
      %swap3A_62 = arith.constant 32 : index
      %swap3A_63 = tpu.vector_load %arg9[%swap3A_61, %swap3A_62] {strides = array<i32>} : memref<128x128xf32, #tpu.memory_space<vmem>>, vector<1x16xf32>,
      %swap3A_64 = vector.shape_cast %swap3A_63 : vector<1x16xf32> to vector<16xf32>
      %swap3A_65 = vector.shape_cast %broadcast_in_dim3A_1 : vector<16xf32> to vector<1x16xf32>
      tpu.vector_store %arg9[%swap3A_61, %swap3A_62], %swap3A_65 {strides = array<i32>} : memref<128x128xf32, #tpu.memory_space<vmem>>, vector<1x16xf32>,
      %swap3A_66 = arith.index_cast %scan3A_50 : i32 to index
      %swap3A_67 = arith.constant 48 : index
      %swap3A_68 = tpu.vector_load %arg9[%swap3A_66, %swap3A_67] {strides = array<i32>} : memref<128x128xf32, #tpu.memory_space<vmem>>, vector<1x16xf32>,
      %swap3A_69 = vector.shape_cast %swap3A_68 : vector<1x16xf32> to vector<16xf32>
      %swap3A_70 = vector.shape_cast %broadcast_in_dim3A_1 : vector<16xf32> to vector<1x16xf32>
      tpu.vector_store %arg9[%swap3A_66, %swap3A_67], %swap3A_70 {strides = array<i32>} : memref<128x128xf32, #tpu.memory_space<vmem>>, vector<1x16xf32>,
      %swap3A_71 = arith.index_cast %scan3A_50 : i32 to index
      %swap3A_72 = arith.constant 64 : index
      %swap3A_73 = tpu.vector_load %arg9[%swap3A_71, %swap3A_72] {strides = array<i32>} : memref<128x128xf32, #tpu.memory_space<vmem>>, vector<1x16xf32>,
      %swap3A_74 = vector.shape_cast %swap3A_73 : vector<1x16xf32> to vector<16xf32>
      %swap3A_75 = vector.shape_cast %broadcast_in_dim3A_1 : vector<16xf32> to vector<1x16xf32>
      tpu.vector_store %arg9[%swap3A_71, %swap3A_72], %swap3A_75 {strides = array<i32>} : memref<128x128xf32, #tpu.memory_space<vmem>>, vector<1x16xf32>,
      %swap3A_76 = arith.index_cast %scan3A_50 : i32 to index
      %swap3A_77 = arith.constant 80 : index
      %swap3A_78 = tpu.vector_load %arg9[%swap3A_76, %swap3A_77] {strides = array<i32>} : memref<128x128xf32, #tpu.memory_space<vmem>>, vector<1x16xf32>,
      %swap3A_79 = vector.shape_cast %swap3A_78 : vector<1x16xf32> to vector<16xf32>
      %swap3A_80 = vector.shape_cast %broadcast_in_dim3A_1 : vector<16xf32> to vector<1x16xf32>
      tpu.vector_store %arg9[%swap3A_76, %swap3A_77], %swap3A_80 {strides = array<i32>} : memref<128x128xf32, #tpu.memory_space<vmem>>, vector<1x16xf32>,
      %swap3A_81 = arith.index_cast %scan3A_50 : i32 to index
      %swap3A_82 = arith.constant 96 : index
      %swap3A_83 = tpu.vector_load %arg9[%swap3A_81, %swap3A_82] {strides = array<i32>} : memref<128x128xf32, #tpu.memory_space<vmem>>, vector<1x16xf32>,
      %swap3A_84 = vector.shape_cast %swap3A_83 : vector<1x16xf32> to vector<16xf32>
      %swap3A_85 = vector.shape_cast %broadcast_in_dim3A_1 : vector<16xf32> to vector<1x16xf32>
      tpu.vector_store %arg9[%swap3A_81, %swap3A_82], %swap3A_85 {strides = array<i32>} : memref<128x128xf32, #tpu.memory_space<vmem>>, vector<1x16xf32>,
      %swap3A_86 = arith.index_cast %scan3A_50 : i32 to index
      %swap3A_87 = arith.constant 112 : index
      %swap3A_88 = tpu.vector_load %arg9[%swap3A_86, %swap3A_87] {strides = array<i32>} : memref<128x128xf32, #tpu.memory_space<vmem>>, vector<1x16xf32>,
      %swap3A_89 = vector.shape_cast %swap3A_88 : vector<1x16xf32> to vector<16xf32>
      %swap3A_90 = vector.shape_cast %broadcast_in_dim3A_1 : vector<16xf32> to vector<1x16xf32>
      tpu.vector_store %arg9[%swap3A_86, %swap3A_87], %swap3A_90 {strides = array<i32>} : memref<128x128xf32, #tpu.memory_space<vmem>>, vector<1x16xf32>,
      %scan3A_91 = arith.constant 0 : i32
      scf.yield %scan3A_91 : i32
    }
    %scan3A_7 = arith.constant 128 : i32
    %mul3A_8 = arith.constant 640 : i32
    %mul3A_9 = arith.muli %arg1, %mul3A_8 : i32
    %add3A_10 = arith.constant 0 : i32
    %add3A_11 = arith.addi %mul3A_9, %add3A_10 : i32
    "tpu.region"() ({
      %run_scoped3A = tpu.sem_alloc : memref<!tpu.dma_semaphore, #tpu.memory_space<semaphore_mem>>
      %dma_start3A = arith.constant 0 : i32
      %dma_start3A_50 = arith.constant 0 : i32
      %dma_start3A_51 = tpu.memref_slice %arg9[%dma_start3A, %dma_start3A_50] : memref<128x128xf32, #tpu.memory_space<vmem>> -> memref<128x128xf32, #tpu.memory_space<vmem>>
      %dma_start3A_52 = arith.constant 0 : i32
      %dma_start3A_53 = tpu.memref_slice %arg10[%add3A_11, %dma_start3A_52] : memref<10240x128xf32, #tpu.memory_space<vmem_shared>> -> memref<128x128xf32, #tpu.memory_space<vmem_shared>>
      %dma_start3A_54 = arith.constant 0 : i32
      %dma_start3A_55 = tpu.memref_slice %arg10[%add3A_11, %dma_start3A_54] : memref<10240x128xf32, #tpu.memory_space<vmem_shared>> -> memref<128x128xf32, #tpu.memory_space<vmem_shared>>
      %dma_start3A_56 = arith.constant 0 : i32
      %dma_start3A_57 = arith.constant 0 : i32
      %dma_start3A_58 = tpu.memref_slice %arg9[%dma_start3A_56, %dma_start3A_57] : memref<128x128xf32, #tpu.memory_space<vmem>> -> memref<128x128xf32, #tpu.memory_space<vmem>>
      tpu.enqueue_dma source(%dma_start3A_58 : memref<128x128xf32, #tpu.memory_space<vmem>>) target(%dma_start3A_55 : memref<128x128xf32, #tpu.memory_space<vmem_shared>>) target_semaphore(%run_scoped3A : memref<!tpu.dma_semaphore, #tpu.memory_space<semaphore_mem>>)
      %dma_wait3A = arith.constant 0 : i32
      %dma_wait3A_59 = arith.constant 0 : i32
      %dma_wait3A_60 = tpu.memref_slice %arg9[%dma_wait3A, %dma_wait3A_59] : memref<128x128xf32, #tpu.memory_space<vmem>> -> memref<128x128xf32, #tpu.memory_space<vmem>>
      %dma_wait3A_61 = arith.constant 0 : i32
      %dma_wait3A_62 = tpu.memref_slice %arg10[%add3A_11, %dma_wait3A_61] : memref<10240x128xf32, #tpu.memory_space<vmem_shared>> -> memref<128x128xf32, #tpu.memory_space<vmem_shared>>
      %dma_wait3A_63 = arith.constant 0 : i32
      %dma_wait3A_64 = tpu.memref_slice %arg10[%add3A_11, %dma_wait3A_63] : memref<10240x128xf32, #tpu.memory_space<vmem_shared>> -> memref<128x128xf32, #tpu.memory_space<vmem_shared>>
      %dma_wait3A_65 = arith.constant 0 : i32
      %dma_wait3A_66 = arith.constant 0 : i32
      %dma_wait3A_67 = tpu.memref_slice %arg9[%dma_wait3A_65, %dma_wait3A_66] : memref<128x128xf32, #tpu.memory_space<vmem>> -> memref<128x128xf32, #tpu.memory_space<vmem>>
      tpu.wait_dma2 semaphore(%run_scoped3A : memref<!tpu.dma_semaphore, #tpu.memory_space<semaphore_mem>>) src(%dma_wait3A_67 : memref<128x128xf32, #tpu.memory_space<vmem>>) dst(%dma_wait3A_64 : memref<128x128xf32, #tpu.memory_space<vmem_shared>>)
      tpu.yield
    }) : () -> ()
    %add3A_12 = arith.constant 128 : i32
    %add3A_13 = arith.addi %mul3A_9, %add3A_12 : i32
    "tpu.region"() ({
      %run_scoped3A = tpu.sem_alloc : memref<!tpu.dma_semaphore, #tpu.memory_space<semaphore_mem>>
      %dma_start3A = arith.constant 0 : i32
      %dma_start3A_50 = arith.constant 0 : i32
      %dma_start3A_51 = tpu.memref_slice %arg9[%dma_start3A, %dma_start3A_50] : memref<128x128xf32, #tpu.memory_space<vmem>> -> memref<128x128xf32, #tpu.memory_space<vmem>>
      %dma_start3A_52 = arith.constant 0 : i32
      %dma_start3A_53 = tpu.memref_slice %arg10[%add3A_13, %dma_start3A_52] : memref<10240x128xf32, #tpu.memory_space<vmem_shared>> -> memref<128x128xf32, #tpu.memory_space<vmem_shared>>
      %dma_start3A_54 = arith.constant 0 : i32
      %dma_start3A_55 = tpu.memref_slice %arg10[%add3A_13, %dma_start3A_54] : memref<10240x128xf32, #tpu.memory_space<vmem_shared>> -> memref<128x128xf32, #tpu.memory_space<vmem_shared>>
      %dma_start3A_56 = arith.constant 0 : i32
      %dma_start3A_57 = arith.constant 0 : i32
      %dma_start3A_58 = tpu.memref_slice %arg9[%dma_start3A_56, %dma_start3A_57] : memref<128x128xf32, #tpu.memory_space<vmem>> -> memref<128x128xf32, #tpu.memory_space<vmem>>
      tpu.enqueue_dma source(%dma_start3A_58 : memref<128x128xf32, #tpu.memory_space<vmem>>) target(%dma_start3A_55 : memref<128x128xf32, #tpu.memory_space<vmem_shared>>) target_semaphore(%run_scoped3A : memref<!tpu.dma_semaphore, #tpu.memory_space<semaphore_mem>>)
      %dma_wait3A = arith.constant 0 : i32
      %dma_wait3A_59 = arith.constant 0 : i32
      %dma_wait3A_60 = tpu.memref_slice %arg9[%dma_wait3A, %dma_wait3A_59] : memref<128x128xf32, #tpu.memory_space<vmem>> -> memref<128x128xf32, #tpu.memory_space<vmem>>
      %dma_wait3A_61 = arith.constant 0 : i32
      %dma_wait3A_62 = tpu.memref_slice %arg10[%add3A_13, %dma_wait3A_61] : memref<10240x128xf32, #tpu.memory_space<vmem_shared>> -> memref<128x128xf32, #tpu.memory_space<vmem_shared>>
      %dma_wait3A_63 = arith.constant 0 : i32
      %dma_wait3A_64 = tpu.memref_slice %arg10[%add3A_13, %dma_wait3A_63] : memref<10240x128xf32, #tpu.memory_space<vmem_shared>> -> memref<128x128xf32, #tpu.memory_space<vmem_shared>>
      %dma_wait3A_65 = arith.constant 0 : i32
      %dma_wait3A_66 = arith.constant 0 : i32
      %dma_wait3A_67 = tpu.memref_slice %arg9[%dma_wait3A_65, %dma_wait3A_66] : memref<128x128xf32, #tpu.memory_space<vmem>> -> memref<128x128xf32, #tpu.memory_space<vmem>>
      tpu.wait_dma2 semaphore(%run_scoped3A : memref<!tpu.dma_semaphore, #tpu.memory_space<semaphore_mem>>) src(%dma_wait3A_67 : memref<128x128xf32, #tpu.memory_space<vmem>>) dst(%dma_wait3A_64 : memref<128x128xf32, #tpu.memory_space<vmem_shared>>)
      tpu.yield
    }) : () -> ()
    %add3A_14 = arith.constant 256 : i32
    %add3A_15 = arith.addi %mul3A_9, %add3A_14 : i32
    "tpu.region"() ({
      %run_scoped3A = tpu.sem_alloc : memref<!tpu.dma_semaphore, #tpu.memory_space<semaphore_mem>>
      %dma_start3A = arith.constant 0 : i32
      %dma_start3A_50 = arith.constant 0 : i32
      %dma_start3A_51 = tpu.memref_slice %arg9[%dma_start3A, %dma_start3A_50] : memref<128x128xf32, #tpu.memory_space<vmem>> -> memref<128x128xf32, #tpu.memory_space<vmem>>
      %dma_start3A_52 = arith.constant 0 : i32
      %dma_start3A_53 = tpu.memref_slice %arg10[%add3A_15, %dma_start3A_52] : memref<10240x128xf32, #tpu.memory_space<vmem_shared>> -> memref<128x128xf32, #tpu.memory_space<vmem_shared>>
      %dma_start3A_54 = arith.constant 0 : i32
      %dma_start3A_55 = tpu.memref_slice %arg10[%add3A_15, %dma_start3A_54] : memref<10240x128xf32, #tpu.memory_space<vmem_shared>> -> memref<128x128xf32, #tpu.memory_space<vmem_shared>>
      %dma_start3A_56 = arith.constant 0 : i32
      %dma_start3A_57 = arith.constant 0 : i32
      %dma_start3A_58 = tpu.memref_slice %arg9[%dma_start3A_56, %dma_start3A_57] : memref<128x128xf32, #tpu.memory_space<vmem>> -> memref<128x128xf32, #tpu.memory_space<vmem>>
      tpu.enqueue_dma source(%dma_start3A_58 : memref<128x128xf32, #tpu.memory_space<vmem>>) target(%dma_start3A_55 : memref<128x128xf32, #tpu.memory_space<vmem_shared>>) target_semaphore(%run_scoped3A : memref<!tpu.dma_semaphore, #tpu.memory_space<semaphore_mem>>)
      %dma_wait3A = arith.constant 0 : i32
      %dma_wait3A_59 = arith.constant 0 : i32
      %dma_wait3A_60 = tpu.memref_slice %arg9[%dma_wait3A, %dma_wait3A_59] : memref<128x128xf32, #tpu.memory_space<vmem>> -> memref<128x128xf32, #tpu.memory_space<vmem>>
      %dma_wait3A_61 = arith.constant 0 : i32
      %dma_wait3A_62 = tpu.memref_slice %arg10[%add3A_15, %dma_wait3A_61] : memref<10240x128xf32, #tpu.memory_space<vmem_shared>> -> memref<128x128xf32, #tpu.memory_space<vmem_shared>>
      %dma_wait3A_63 = arith.constant 0 : i32
      %dma_wait3A_64 = tpu.memref_slice %arg10[%add3A_15, %dma_wait3A_63] : memref<10240x128xf32, #tpu.memory_space<vmem_shared>> -> memref<128x128xf32, #tpu.memory_space<vmem_shared>>
      %dma_wait3A_65 = arith.constant 0 : i32
      %dma_wait3A_66 = arith.constant 0 : i32
      %dma_wait3A_67 = tpu.memref_slice %arg9[%dma_wait3A_65, %dma_wait3A_66] : memref<128x128xf32, #tpu.memory_space<vmem>> -> memref<128x128xf32, #tpu.memory_space<vmem>>
      tpu.wait_dma2 semaphore(%run_scoped3A : memref<!tpu.dma_semaphore, #tpu.memory_space<semaphore_mem>>) src(%dma_wait3A_67 : memref<128x128xf32, #tpu.memory_space<vmem>>) dst(%dma_wait3A_64 : memref<128x128xf32, #tpu.memory_space<vmem_shared>>)
      tpu.yield
    }) : () -> ()
    %add3A_16 = arith.constant 384 : i32
    %add3A_17 = arith.addi %mul3A_9, %add3A_16 : i32
    "tpu.region"() ({
      %run_scoped3A = tpu.sem_alloc : memref<!tpu.dma_semaphore, #tpu.memory_space<semaphore_mem>>
      %dma_start3A = arith.constant 0 : i32
      %dma_start3A_50 = arith.constant 0 : i32
      %dma_start3A_51 = tpu.memref_slice %arg9[%dma_start3A, %dma_start3A_50] : memref<128x128xf32, #tpu.memory_space<vmem>> -> memref<128x128xf32, #tpu.memory_space<vmem>>
      %dma_start3A_52 = arith.constant 0 : i32
      %dma_start3A_53 = tpu.memref_slice %arg10[%add3A_17, %dma_start3A_52] : memref<10240x128xf32, #tpu.memory_space<vmem_shared>> -> memref<128x128xf32, #tpu.memory_space<vmem_shared>>
      %dma_start3A_54 = arith.constant 0 : i32
      %dma_start3A_55 = tpu.memref_slice %arg10[%add3A_17, %dma_start3A_54] : memref<10240x128xf32, #tpu.memory_space<vmem_shared>> -> memref<128x128xf32, #tpu.memory_space<vmem_shared>>
      %dma_start3A_56 = arith.constant 0 : i32
      %dma_start3A_57 = arith.constant 0 : i32
      %dma_start3A_58 = tpu.memref_slice %arg9[%dma_start3A_56, %dma_start3A_57] : memref<128x128xf32, #tpu.memory_space<vmem>> -> memref<128x128xf32, #tpu.memory_space<vmem>>
      tpu.enqueue_dma source(%dma_start3A_58 : memref<128x128xf32, #tpu.memory_space<vmem>>) target(%dma_start3A_55 : memref<128x128xf32, #tpu.memory_space<vmem_shared>>) target_semaphore(%run_scoped3A : memref<!tpu.dma_semaphore, #tpu.memory_space<semaphore_mem>>)
      %dma_wait3A = arith.constant 0 : i32
      %dma_wait3A_59 = arith.constant 0 : i32
      %dma_wait3A_60 = tpu.memref_slice %arg9[%dma_wait3A, %dma_wait3A_59] : memref<128x128xf32, #tpu.memory_space<vmem>> -> memref<128x128xf32, #tpu.memory_space<vmem>>
      %dma_wait3A_61 = arith.constant 0 : i32
      %dma_wait3A_62 = tpu.memref_slice %arg10[%add3A_17, %dma_wait3A_61] : memref<10240x128xf32, #tpu.memory_space<vmem_shared>> -> memref<128x128xf32, #tpu.memory_space<vmem_shared>>
      %dma_wait3A_63 = arith.constant 0 : i32
      %dma_wait3A_64 = tpu.memref_slice %arg10[%add3A_17, %dma_wait3A_63] : memref<10240x128xf32, #tpu.memory_space<vmem_shared>> -> memref<128x128xf32, #tpu.memory_space<vmem_shared>>
      %dma_wait3A_65 = arith.constant 0 : i32
      %dma_wait3A_66 = arith.constant 0 : i32
      %dma_wait3A_67 = tpu.memref_slice %arg9[%dma_wait3A_65, %dma_wait3A_66] : memref<128x128xf32, #tpu.memory_space<vmem>> -> memref<128x128xf32, #tpu.memory_space<vmem>>
      tpu.wait_dma2 semaphore(%run_scoped3A : memref<!tpu.dma_semaphore, #tpu.memory_space<semaphore_mem>>) src(%dma_wait3A_67 : memref<128x128xf32, #tpu.memory_space<vmem>>) dst(%dma_wait3A_64 : memref<128x128xf32, #tpu.memory_space<vmem_shared>>)
      tpu.yield
    }) : () -> ()
    %add3A_18 = arith.constant 512 : i32
    %add3A_19 = arith.addi %mul3A_9, %add3A_18 : i32
    "tpu.region"() ({
      %run_scoped3A = tpu.sem_alloc : memref<!tpu.dma_semaphore, #tpu.memory_space<semaphore_mem>>
      %dma_start3A = arith.constant 0 : i32
      %dma_start3A_50 = arith.constant 0 : i32
      %dma_start3A_51 = tpu.memref_slice %arg9[%dma_start3A, %dma_start3A_50] : memref<128x128xf32, #tpu.memory_space<vmem>> -> memref<128x128xf32, #tpu.memory_space<vmem>>
      %dma_start3A_52 = arith.constant 0 : i32
      %dma_start3A_53 = tpu.memref_slice %arg10[%add3A_19, %dma_start3A_52] : memref<10240x128xf32, #tpu.memory_space<vmem_shared>> -> memref<128x128xf32, #tpu.memory_space<vmem_shared>>
      %dma_start3A_54 = arith.constant 0 : i32
      %dma_start3A_55 = tpu.memref_slice %arg10[%add3A_19, %dma_start3A_54] : memref<10240x128xf32, #tpu.memory_space<vmem_shared>> -> memref<128x128xf32, #tpu.memory_space<vmem_shared>>
      %dma_start3A_56 = arith.constant 0 : i32
      %dma_start3A_57 = arith.constant 0 : i32
      %dma_start3A_58 = tpu.memref_slice %arg9[%dma_start3A_56, %dma_start3A_57] : memref<128x128xf32, #tpu.memory_space<vmem>> -> memref<128x128xf32, #tpu.memory_space<vmem>>
      tpu.enqueue_dma source(%dma_start3A_58 : memref<128x128xf32, #tpu.memory_space<vmem>>) target(%dma_start3A_55 : memref<128x128xf32, #tpu.memory_space<vmem_shared>>) target_semaphore(%run_scoped3A : memref<!tpu.dma_semaphore, #tpu.memory_space<semaphore_mem>>)
      %dma_wait3A = arith.constant 0 : i32
      %dma_wait3A_59 = arith.constant 0 : i32
      %dma_wait3A_60 = tpu.memref_slice %arg9[%dma_wait3A, %dma_wait3A_59] : memref<128x128xf32, #tpu.memory_space<vmem>> -> memref<128x128xf32, #tpu.memory_space<vmem>>
      %dma_wait3A_61 = arith.constant 0 : i32
      %dma_wait3A_62 = tpu.memref_slice %arg10[%add3A_19, %dma_wait3A_61] : memref<10240x128xf32, #tpu.memory_space<vmem_shared>> -> memref<128x128xf32, #tpu.memory_space<vmem_shared>>
      %dma_wait3A_63 = arith.constant 0 : i32
      %dma_wait3A_64 = tpu.memref_slice %arg10[%add3A_19, %dma_wait3A_63] : memref<10240x128xf32, #tpu.memory_space<vmem_shared>> -> memref<128x128xf32, #tpu.memory_space<vmem_shared>>
      %dma_wait3A_65 = arith.constant 0 : i32
      %dma_wait3A_66 = arith.constant 0 : i32
      %dma_wait3A_67 = tpu.memref_slice %arg9[%dma_wait3A_65, %dma_wait3A_66] : memref<128x128xf32, #tpu.memory_space<vmem>> -> memref<128x128xf32, #tpu.memory_space<vmem>>
      tpu.wait_dma2 semaphore(%run_scoped3A : memref<!tpu.dma_semaphore, #tpu.memory_space<semaphore_mem>>) src(%dma_wait3A_67 : memref<128x128xf32, #tpu.memory_space<vmem>>) dst(%dma_wait3A_64 : memref<128x128xf32, #tpu.memory_space<vmem_shared>>)
      tpu.yield
    }) : () -> ()
    %barrier3A = arith.constant 0 : index
    tpu.barrier barrier_id(%barrier3A)
    %mul3A_20 = arith.constant 10000 : i32
    %mul3A_21 = arith.muli %add3A, %mul3A_20 : i32
    %scan3A_22 = arith.constant 0 : i32
    %scan3A_23 = arith.constant 0 : i32
    %scan3A_24 = arith.constant 125 : i32
    %scan3A_25 = arith.addi %scan3A_23, %scan3A_24 : i32
    %scan3A_26 = arith.constant 1 : i32
    %scan3A_27 = scf.for %scan3A_50 = %scan3A_23 to %scan3A_25 step %scan3A_26 iter_args(%scan3A_51 = %scan3A_22) -> (i32)  : i32 {
      %mul3A_52 = arith.constant 80 : i32
      %mul3A_53 = arith.muli %scan3A_50, %mul3A_52 : i32
      %add3A_54 = arith.addi %mul3A_21, %mul3A_53 : i32
      "tpu.region"() ({
        %run_scoped3A = tpu.sem_alloc : memref<!tpu.dma_semaphore, #tpu.memory_space<semaphore_mem>>
        %dma_start3A_60 = tpu.memref_slice %arg3[%add3A_54] : memref<320000xi32, #tpu.memory_space<hbm>> -> memref<80xi32, #tpu.memory_space<hbm>>
        %dma_start3A_61 = tpu.memref_slice %arg3[%add3A_54] : memref<320000xi32, #tpu.memory_space<hbm>> -> memref<80xi32, #tpu.memory_space<hbm>>
        tpu.enqueue_dma source(%dma_start3A_61 : memref<80xi32, #tpu.memory_space<hbm>>) target(%arg6 : memref<80xi32, #tpu.memory_space<vmem>>) target_semaphore(%run_scoped3A : memref<!tpu.dma_semaphore, #tpu.memory_space<semaphore_mem>>)
        %dma_wait3A_62 = tpu.memref_slice %arg3[%add3A_54] : memref<320000xi32, #tpu.memory_space<hbm>> -> memref<80xi32, #tpu.memory_space<hbm>>
        %dma_wait3A_63 = tpu.memref_slice %arg3[%add3A_54] : memref<320000xi32, #tpu.memory_space<hbm>> -> memref<80xi32, #tpu.memory_space<hbm>>
        tpu.wait_dma2 semaphore(%run_scoped3A : memref<!tpu.dma_semaphore, #tpu.memory_space<semaphore_mem>>) src(%dma_wait3A_63 : memref<80xi32, #tpu.memory_space<hbm>>) dst(%arg6 : memref<80xi32, #tpu.memory_space<vmem>>)
        tpu.yield
      }) : () -> ()
      "tpu.region"() ({
        %run_scoped3A = tpu.sem_alloc : memref<!tpu.dma_semaphore, #tpu.memory_space<semaphore_mem>>
        %dma_start3A_60 = tpu.memref_slice %arg4[%add3A_54] : memref<320000xi32, #tpu.memory_space<hbm>> -> memref<80xi32, #tpu.memory_space<hbm>>
        %dma_start3A_61 = tpu.memref_slice %arg4[%add3A_54] : memref<320000xi32, #tpu.memory_space<hbm>> -> memref<80xi32, #tpu.memory_space<hbm>>
        tpu.enqueue_dma source(%dma_start3A_61 : memref<80xi32, #tpu.memory_space<hbm>>) target(%arg7 : memref<80xi32, #tpu.memory_space<vmem>>) target_semaphore(%run_scoped3A : memref<!tpu.dma_semaphore, #tpu.memory_space<semaphore_mem>>)
        %dma_wait3A_62 = tpu.memref_slice %arg4[%add3A_54] : memref<320000xi32, #tpu.memory_space<hbm>> -> memref<80xi32, #tpu.memory_space<hbm>>
        %dma_wait3A_63 = tpu.memref_slice %arg4[%add3A_54] : memref<320000xi32, #tpu.memory_space<hbm>> -> memref<80xi32, #tpu.memory_space<hbm>>
        tpu.wait_dma2 semaphore(%run_scoped3A : memref<!tpu.dma_semaphore, #tpu.memory_space<semaphore_mem>>) src(%dma_wait3A_63 : memref<80xi32, #tpu.memory_space<hbm>>) dst(%arg7 : memref<80xi32, #tpu.memory_space<vmem>>)
        tpu.yield
      }) : () -> ()
      %dma_start3A = arith.constant 0 : i32
      %dma_start3A_55 = arith.constant 0 : i32
      %dma_start3A_56 = tpu.memref_slice %arg2[%dma_start3A, %dma_start3A_55] : memref<5120x128xf32, #tpu.memory_space<hbm>> -> memref<5120x128xf32, #tpu.memory_space<hbm>>
      tpu.enqueue_indirect_dma source(%dma_start3A_56 : memref<5120x128xf32, #tpu.memory_space<hbm>>) target(%arg8 : memref<80x128xf32, #tpu.memory_space<vmem>>) offsets(%arg6 : memref<80xi32, #tpu.memory_space<vmem>>) semaphore(%arg11 : memref<!tpu.dma_semaphore, #tpu.memory_space<semaphore_mem>>)
      %dma_wait3A = arith.constant 0 : i32
      %dma_wait3A_57 = arith.constant 0 : i32
      %dma_wait3A_58 = tpu.memref_slice %arg2[%dma_wait3A, %dma_wait3A_57] : memref<5120x128xf32, #tpu.memory_space<hbm>> -> memref<5120x128xf32, #tpu.memory_space<hbm>>
      tpu.wait_indirect_dma semaphore(%arg11 : memref<!tpu.dma_semaphore, #tpu.memory_space<semaphore_mem>>) src(%dma_wait3A_58 : memref<5120x128xf32, #tpu.memory_space<hbm>>) dst(%arg8 : memref<80x128xf32, #tpu.memory_space<vmem>>)
      "tpu.region"() ({
        %run_scoped3A = tpu.sem_alloc : memref<!tpu.dma_semaphore, #tpu.memory_space<semaphore_mem>>
        %dma_start3A_60 = arith.constant 0 : i32
        %dma_start3A_61 = arith.constant 0 : i32
        %dma_start3A_62 = tpu.memref_slice %arg10[%dma_start3A_60, %dma_start3A_61] : memref<10240x128xf32, #tpu.memory_space<vmem_shared>> -> memref<10240x128xf32, #tpu.memory_space<vmem_shared>>
        tpu.enqueue_indirect_dma source(%arg8 : memref<80x128xf32, #tpu.memory_space<vmem>>) target(%dma_start3A_62 : memref<10240x128xf32, #tpu.memory_space<vmem_shared>>) offsets(%arg7 : memref<80xi32, #tpu.memory_space<vmem>>) semaphore(%run_scoped3A : memref<!tpu.dma_semaphore, #tpu.memory_space<semaphore_mem>>) {add = true}
        %dma_wait3A_63 = arith.constant 0 : i32
        %dma_wait3A_64 = arith.constant 0 : i32
        %dma_wait3A_65 = tpu.memref_slice %arg10[%dma_wait3A_63, %dma_wait3A_64] : memref<10240x128xf32, #tpu.memory_space<vmem_shared>> -> memref<10240x128xf32, #tpu.memory_space<vmem_shared>>
        tpu.wait_indirect_dma semaphore(%run_scoped3A : memref<!tpu.dma_semaphore, #tpu.memory_space<semaphore_mem>>) src(%arg8 : memref<80x128xf32, #tpu.memory_space<vmem>>) dst(%dma_wait3A_65 : memref<10240x128xf32, #tpu.memory_space<vmem_shared>>)
        tpu.yield
      }) : () -> ()
      %scan3A_59 = arith.constant 0 : i32
      scf.yield %scan3A_59 : i32
    }
    %scan3A_28 = arith.constant 125 : i32
    %barrier3A_29 = arith.constant 0 : index
    tpu.barrier barrier_id(%barrier3A_29)
    %add3A_30 = arith.constant 0 : i32
    %add3A_31 = arith.addi %mul3A_9, %add3A_30 : i32
    %add3A_32 = arith.constant 0 : i32
    %add3A_33 = arith.addi %mul3A_9, %add3A_32 : i32
    "tpu.region"() ({
      %run_scoped3A = tpu.sem_alloc : memref<!tpu.dma_semaphore, #tpu.memory_space<semaphore_mem>>
      %dma_start3A = arith.constant 0 : i32
      %dma_start3A_50 = tpu.memref_slice %arg5[%arg0, %add3A_33, %dma_start3A] : memref<2x10240x128xf32, #tpu.memory_space<hbm>> -> memref<1x128x128xf32, #tpu.memory_space<hbm>>
      %dma_start3A_51 = tpu.memref_squeeze %dma_start3A_50 : memref<1x128x128xf32, #tpu.memory_space<hbm>> -> memref<128x128xf32, #tpu.memory_space<hbm>>
      %dma_start3A_52 = arith.constant 0 : i32
      %dma_start3A_53 = tpu.memref_slice %arg10[%add3A_31, %dma_start3A_52] : memref<10240x128xf32, #tpu.memory_space<vmem_shared>> -> memref<128x128xf32, #tpu.memory_space<vmem_shared>>
      tpu.enqueue_dma source(%dma_start3A_53 : memref<128x128xf32, #tpu.memory_space<vmem_shared>>) target(%dma_start3A_51 : memref<128x128xf32, #tpu.memory_space<hbm>>) target_semaphore(%run_scoped3A : memref<!tpu.dma_semaphore, #tpu.memory_space<semaphore_mem>>)
      %dma_wait3A = arith.constant 0 : i32
      %dma_wait3A_54 = tpu.memref_slice %arg5[%arg0, %add3A_33, %dma_wait3A] : memref<2x10240x128xf32, #tpu.memory_space<hbm>> -> memref<1x128x128xf32, #tpu.memory_space<hbm>>
      %dma_wait3A_55 = tpu.memref_squeeze %dma_wait3A_54 : memref<1x128x128xf32, #tpu.memory_space<hbm>> -> memref<128x128xf32, #tpu.memory_space<hbm>>
      %dma_wait3A_56 = arith.constant 0 : i32
      %dma_wait3A_57 = tpu.memref_slice %arg10[%add3A_31, %dma_wait3A_56] : memref<10240x128xf32, #tpu.memory_space<vmem_shared>> -> memref<128x128xf32, #tpu.memory_space<vmem_shared>>
      tpu.wait_dma2 semaphore(%run_scoped3A : memref<!tpu.dma_semaphore, #tpu.memory_space<semaphore_mem>>) src(%dma_wait3A_57 : memref<128x128xf32, #tpu.memory_space<vmem_shared>>) dst(%dma_wait3A_55 : memref<128x128xf32, #tpu.memory_space<hbm>>)
      tpu.yield
    }) : () -> ()
    %add3A_34 = arith.constant 128 : i32
    %add3A_35 = arith.addi %mul3A_9, %add3A_34 : i32
    %add3A_36 = arith.constant 128 : i32
    %add3A_37 = arith.addi %mul3A_9, %add3A_36 : i32
    "tpu.region"() ({
      %run_scoped3A = tpu.sem_alloc : memref<!tpu.dma_semaphore, #tpu.memory_space<semaphore_mem>>
      %dma_start3A = arith.constant 0 : i32
      %dma_start3A_50 = tpu.memref_slice %arg5[%arg0, %add3A_37, %dma_start3A] : memref<2x10240x128xf32, #tpu.memory_space<hbm>> -> memref<1x128x128xf32, #tpu.memory_space<hbm>>
      %dma_start3A_51 = tpu.memref_squeeze %dma_start3A_50 : memref<1x128x128xf32, #tpu.memory_space<hbm>> -> memref<128x128xf32, #tpu.memory_space<hbm>>
      %dma_start3A_52 = arith.constant 0 : i32
      %dma_start3A_53 = tpu.memref_slice %arg10[%add3A_35, %dma_start3A_52] : memref<10240x128xf32, #tpu.memory_space<vmem_shared>> -> memref<128x128xf32, #tpu.memory_space<vmem_shared>>
      tpu.enqueue_dma source(%dma_start3A_53 : memref<128x128xf32, #tpu.memory_space<vmem_shared>>) target(%dma_start3A_51 : memref<128x128xf32, #tpu.memory_space<hbm>>) target_semaphore(%run_scoped3A : memref<!tpu.dma_semaphore, #tpu.memory_space<semaphore_mem>>)
      %dma_wait3A = arith.constant 0 : i32
      %dma_wait3A_54 = tpu.memref_slice %arg5[%arg0, %add3A_37, %dma_wait3A] : memref<2x10240x128xf32, #tpu.memory_space<hbm>> -> memref<1x128x128xf32, #tpu.memory_space<hbm>>
      %dma_wait3A_55 = tpu.memref_squeeze %dma_wait3A_54 : memref<1x128x128xf32, #tpu.memory_space<hbm>> -> memref<128x128xf32, #tpu.memory_space<hbm>>
      %dma_wait3A_56 = arith.constant 0 : i32
      %dma_wait3A_57 = tpu.memref_slice %arg10[%add3A_35, %dma_wait3A_56] : memref<10240x128xf32, #tpu.memory_space<vmem_shared>> -> memref<128x128xf32, #tpu.memory_space<vmem_shared>>
      tpu.wait_dma2 semaphore(%run_scoped3A : memref<!tpu.dma_semaphore, #tpu.memory_space<semaphore_mem>>) src(%dma_wait3A_57 : memref<128x128xf32, #tpu.memory_space<vmem_shared>>) dst(%dma_wait3A_55 : memref<128x128xf32, #tpu.memory_space<hbm>>)
      tpu.yield
    }) : () -> ()
    %add3A_38 = arith.constant 256 : i32
    %add3A_39 = arith.addi %mul3A_9, %add3A_38 : i32
    %add3A_40 = arith.constant 256 : i32
    %add3A_41 = arith.addi %mul3A_9, %add3A_40 : i32
    "tpu.region"() ({
      %run_scoped3A = tpu.sem_alloc : memref<!tpu.dma_semaphore, #tpu.memory_space<semaphore_mem>>
      %dma_start3A = arith.constant 0 : i32
      %dma_start3A_50 = tpu.memref_slice %arg5[%arg0, %add3A_41, %dma_start3A] : memref<2x10240x128xf32, #tpu.memory_space<hbm>> -> memref<1x128x128xf32, #tpu.memory_space<hbm>>
      %dma_start3A_51 = tpu.memref_squeeze %dma_start3A_50 : memref<1x128x128xf32, #tpu.memory_space<hbm>> -> memref<128x128xf32, #tpu.memory_space<hbm>>
      %dma_start3A_52 = arith.constant 0 : i32
      %dma_start3A_53 = tpu.memref_slice %arg10[%add3A_39, %dma_start3A_52] : memref<10240x128xf32, #tpu.memory_space<vmem_shared>> -> memref<128x128xf32, #tpu.memory_space<vmem_shared>>
      tpu.enqueue_dma source(%dma_start3A_53 : memref<128x128xf32, #tpu.memory_space<vmem_shared>>) target(%dma_start3A_51 : memref<128x128xf32, #tpu.memory_space<hbm>>) target_semaphore(%run_scoped3A : memref<!tpu.dma_semaphore, #tpu.memory_space<semaphore_mem>>)
      %dma_wait3A = arith.constant 0 : i32
      %dma_wait3A_54 = tpu.memref_slice %arg5[%arg0, %add3A_41, %dma_wait3A] : memref<2x10240x128xf32, #tpu.memory_space<hbm>> -> memref<1x128x128xf32, #tpu.memory_space<hbm>>
      %dma_wait3A_55 = tpu.memref_squeeze %dma_wait3A_54 : memref<1x128x128xf32, #tpu.memory_space<hbm>> -> memref<128x128xf32, #tpu.memory_space<hbm>>
      %dma_wait3A_56 = arith.constant 0 : i32
      %dma_wait3A_57 = tpu.memref_slice %arg10[%add3A_39, %dma_wait3A_56] : memref<10240x128xf32, #tpu.memory_space<vmem_shared>> -> memref<128x128xf32, #tpu.memory_space<vmem_shared>>
      tpu.wait_dma2 semaphore(%run_scoped3A : memref<!tpu.dma_semaphore, #tpu.memory_space<semaphore_mem>>) src(%dma_wait3A_57 : memref<128x128xf32, #tpu.memory_space<vmem_shared>>) dst(%dma_wait3A_55 : memref<128x128xf32, #tpu.memory_space<hbm>>)
      tpu.yield
    }) : () -> ()
    %add3A_42 = arith.constant 384 : i32
    %add3A_43 = arith.addi %mul3A_9, %add3A_42 : i32
    %add3A_44 = arith.constant 384 : i32
    %add3A_45 = arith.addi %mul3A_9, %add3A_44 : i32
    "tpu.region"() ({
      %run_scoped3A = tpu.sem_alloc : memref<!tpu.dma_semaphore, #tpu.memory_space<semaphore_mem>>
      %dma_start3A = arith.constant 0 : i32
      %dma_start3A_50 = tpu.memref_slice %arg5[%arg0, %add3A_45, %dma_start3A] : memref<2x10240x128xf32, #tpu.memory_space<hbm>> -> memref<1x128x128xf32, #tpu.memory_space<hbm>>
      %dma_start3A_51 = tpu.memref_squeeze %dma_start3A_50 : memref<1x128x128xf32, #tpu.memory_space<hbm>> -> memref<128x128xf32, #tpu.memory_space<hbm>>
      %dma_start3A_52 = arith.constant 0 : i32
      %dma_start3A_53 = tpu.memref_slice %arg10[%add3A_43, %dma_start3A_52] : memref<10240x128xf32, #tpu.memory_space<vmem_shared>> -> memref<128x128xf32, #tpu.memory_space<vmem_shared>>
      tpu.enqueue_dma source(%dma_start3A_53 : memref<128x128xf32, #tpu.memory_space<vmem_shared>>) target(%dma_start3A_51 : memref<128x128xf32, #tpu.memory_space<hbm>>) target_semaphore(%run_scoped3A : memref<!tpu.dma_semaphore, #tpu.memory_space<semaphore_mem>>)
      %dma_wait3A = arith.constant 0 : i32
      %dma_wait3A_54 = tpu.memref_slice %arg5[%arg0, %add3A_45, %dma_wait3A] : memref<2x10240x128xf32, #tpu.memory_space<hbm>> -> memref<1x128x128xf32, #tpu.memory_space<hbm>>
      %dma_wait3A_55 = tpu.memref_squeeze %dma_wait3A_54 : memref<1x128x128xf32, #tpu.memory_space<hbm>> -> memref<128x128xf32, #tpu.memory_space<hbm>>
      %dma_wait3A_56 = arith.constant 0 : i32
      %dma_wait3A_57 = tpu.memref_slice %arg10[%add3A_43, %dma_wait3A_56] : memref<10240x128xf32, #tpu.memory_space<vmem_shared>> -> memref<128x128xf32, #tpu.memory_space<vmem_shared>>
      tpu.wait_dma2 semaphore(%run_scoped3A : memref<!tpu.dma_semaphore, #tpu.memory_space<semaphore_mem>>) src(%dma_wait3A_57 : memref<128x128xf32, #tpu.memory_space<vmem_shared>>) dst(%dma_wait3A_55 : memref<128x128xf32, #tpu.memory_space<hbm>>)
      tpu.yield
    }) : () -> ()
    %add3A_46 = arith.constant 512 : i32
    %add3A_47 = arith.addi %mul3A_9, %add3A_46 : i32
    %add3A_48 = arith.constant 512 : i32
    %add3A_49 = arith.addi %mul3A_9, %add3A_48 : i32
    "tpu.region"() ({
      %run_scoped3A = tpu.sem_alloc : memref<!tpu.dma_semaphore, #tpu.memory_space<semaphore_mem>>
      %dma_start3A = arith.constant 0 : i32
      %dma_start3A_50 = tpu.memref_slice %arg5[%arg0, %add3A_49, %dma_start3A] : memref<2x10240x128xf32, #tpu.memory_space<hbm>> -> memref<1x128x128xf32, #tpu.memory_space<hbm>>
      %dma_start3A_51 = tpu.memref_squeeze %dma_start3A_50 : memref<1x128x128xf32, #tpu.memory_space<hbm>> -> memref<128x128xf32, #tpu.memory_space<hbm>>
      %dma_start3A_52 = arith.constant 0 : i32
      %dma_start3A_53 = tpu.memref_slice %arg10[%add3A_47, %dma_start3A_52] : memref<10240x128xf32, #tpu.memory_space<vmem_shared>> -> memref<128x128xf32, #tpu.memory_space<vmem_shared>>
      tpu.enqueue_dma source(%dma_start3A_53 : memref<128x128xf32, #tpu.memory_space<vmem_shared>>) target(%dma_start3A_51 : memref<128x128xf32, #tpu.memory_space<hbm>>) target_semaphore(%run_scoped3A : memref<!tpu.dma_semaphore, #tpu.memory_space<semaphore_mem>>)
      %dma_wait3A = arith.constant 0 : i32
      %dma_wait3A_54 = tpu.memref_slice %arg5[%arg0, %add3A_49, %dma_wait3A] : memref<2x10240x128xf32, #tpu.memory_space<hbm>> -> memref<1x128x128xf32, #tpu.memory_space<hbm>>
      %dma_wait3A_55 = tpu.memref_squeeze %dma_wait3A_54 : memref<1x128x128xf32, #tpu.memory_space<hbm>> -> memref<128x128xf32, #tpu.memory_space<hbm>>
      %dma_wait3A_56 = arith.constant 0 : i32
      %dma_wait3A_57 = tpu.memref_slice %arg10[%add3A_47, %dma_wait3A_56] : memref<10240x128xf32, #tpu.memory_space<vmem_shared>> -> memref<128x128xf32, #tpu.memory_space<vmem_shared>>
      tpu.wait_dma2 semaphore(%run_scoped3A : memref<!tpu.dma_semaphore, #tpu.memory_space<semaphore_mem>>) src(%dma_wait3A_57 : memref<128x128xf32, #tpu.memory_space<vmem_shared>>) dst(%dma_wait3A_55 : memref<128x128xf32, #tpu.memory_space<hbm>>)
      tpu.yield
    }) : () -> ()
    return
  }
}

module attributes {stable_mosaic.version = 14 : i64} {
  func.func @_heads(%arg0: memref<2x5120x128xf32, #tpu.memory_space<vmem>>, %arg1: memref<128x128xf32, #tpu.memory_space<vmem>>, %arg2: memref<128x16xf32, #tpu.memory_space<vmem>>, %arg3: memref<1x16xf32, #tpu.memory_space<vmem>>, %arg4: memref<5120x16xf32, #tpu.memory_space<vmem>>, %arg5: memref<5120x128xf32, #tpu.memory_space<vmem>>) attributes {dimension_semantics = [], scalar_prefetch = 0 : i64, scratch_operands = 0 : i64, tpu.core_type = #tpu.core_type<tc>} {
    %get3A = arith.constant 0 : index
    %get3A_0 = arith.constant 0 : index
    %get3A_1 = arith.constant 0 : index
    %get3A_2 = vector.load %arg0[%get3A, %get3A_0, %get3A_1] : memref<2x5120x128xf32, #tpu.memory_space<vmem>>, vector<1x5120x128xf32>
    %get3A_3 = vector.shape_cast %get3A_2 : vector<1x5120x128xf32> to vector<5120x128xf32>
    %get3A_4 = arith.constant 1 : index
    %get3A_5 = arith.constant 0 : index
    %get3A_6 = arith.constant 0 : index
    %get3A_7 = vector.load %arg0[%get3A_4, %get3A_5, %get3A_6] : memref<2x5120x128xf32, #tpu.memory_space<vmem>>, vector<1x5120x128xf32>
    %get3A_8 = vector.shape_cast %get3A_7 : vector<1x5120x128xf32> to vector<5120x128xf32>
    %add3A = arith.addf %get3A_3, %get3A_8 : vector<5120x128xf32>
    %get3A_9 = arith.constant 0 : index
    %get3A_10 = arith.constant 0 : index
    %get3A_11 = vector.load %arg2[%get3A_9, %get3A_10] : memref<128x16xf32, #tpu.memory_space<vmem>>, vector<128x16xf32>
    %dot_general3A = arith.constant dense<0.000000e+00> : vector<5120x16xf32>
    %dot_general3A_12 = tpu.matmul %add3A, %get3A_11, %dot_general3A {dimension_numbers = #tpu.dot_dimension_numbers<[1], [0], [0], [1], [0, 0, 1, 1], [], []>, transpose_lhs_hint = false} : vector<5120x128xf32>, vector<128x16xf32>, vector<5120x16xf32> -> vector<5120x16xf32>
    %get3A_13 = arith.constant 0 : index
    %get3A_14 = arith.constant 0 : index
    %get3A_15 = vector.load %arg3[%get3A_13, %get3A_14] : memref<1x16xf32, #tpu.memory_space<vmem>>, vector<1x16xf32>
    %add3A_16 = vector.broadcast %get3A_15 : vector<1x16xf32> to vector<5120x16xf32>
    %add3A_17 = arith.addf %dot_general3A_12, %add3A_16 : vector<5120x16xf32>
    %swap3A = arith.constant 0 : index
    %swap3A_18 = arith.constant 0 : index
    %swap3A_19 = vector.load %arg4[%swap3A, %swap3A_18] : memref<5120x16xf32, #tpu.memory_space<vmem>>, vector<5120x16xf32>
    tpu.vector_store %arg4[%swap3A, %swap3A_18], %add3A_17 {strides = array<i32>} : memref<5120x16xf32, #tpu.memory_space<vmem>>, vector<5120x16xf32>,
    %get3A_20 = arith.constant 0 : index
    %get3A_21 = arith.constant 0 : index
    %get3A_22 = vector.load %arg1[%get3A_20, %get3A_21] : memref<128x128xf32, #tpu.memory_space<vmem>>, vector<128x128xf32>
    %dot_general3A_23 = arith.constant dense<0.000000e+00> : vector<5120x128xf32>
    %dot_general3A_24 = tpu.matmul %add3A, %get3A_22, %dot_general3A_23 {dimension_numbers = #tpu.dot_dimension_numbers<[1], [0], [0], [1], [0, 0, 1, 1], [], []>, transpose_lhs_hint = false} : vector<5120x128xf32>, vector<128x128xf32>, vector<5120x128xf32> -> vector<5120x128xf32>
    %swap3A_25 = arith.constant 0 : index
    %swap3A_26 = arith.constant 0 : index
    %swap3A_27 = vector.load %arg5[%swap3A_25, %swap3A_26] : memref<5120x128xf32, #tpu.memory_space<vmem>>, vector<5120x128xf32>
    tpu.vector_store %arg5[%swap3A_25, %swap3A_26], %dot_general3A_24 {strides = array<i32>} : memref<5120x128xf32, #tpu.memory_space<vmem>>, vector<5120x128xf32>,
    return
  }
}

module attributes {stable_mosaic.version = 14 : i64} {
  func.func @_comb_add(%arg0: memref<2x10240x128xf32, #tpu.memory_space<vmem>>, %arg1: memref<10240x128xf32, #tpu.memory_space<vmem>>) attributes {dimension_semantics = [], scalar_prefetch = 0 : i64, scratch_operands = 0 : i64, tpu.core_type = #tpu.core_type<tc>} {
    %get3A = arith.constant 0 : index
    %get3A_0 = arith.constant 0 : index
    %get3A_1 = arith.constant 0 : index
    %get3A_2 = vector.load %arg0[%get3A, %get3A_0, %get3A_1] : memref<2x10240x128xf32, #tpu.memory_space<vmem>>, vector<1x10240x128xf32>
    %get3A_3 = vector.shape_cast %get3A_2 : vector<1x10240x128xf32> to vector<10240x128xf32>
    %get3A_4 = arith.constant 1 : index
    %get3A_5 = arith.constant 0 : index
    %get3A_6 = arith.constant 0 : index
    %get3A_7 = vector.load %arg0[%get3A_4, %get3A_5, %get3A_6] : memref<2x10240x128xf32, #tpu.memory_space<vmem>>, vector<1x10240x128xf32>
    %get3A_8 = vector.shape_cast %get3A_7 : vector<1x10240x128xf32> to vector<10240x128xf32>
    %add3A = arith.addf %get3A_3, %get3A_8 : vector<10240x128xf32>
    %swap3A = arith.constant 0 : index
    %swap3A_9 = arith.constant 0 : index
    %swap3A_10 = vector.load %arg1[%swap3A, %swap3A_9] : memref<10240x128xf32, #tpu.memory_space<vmem>>, vector<10240x128xf32>
    tpu.vector_store %arg1[%swap3A, %swap3A_9], %add3A {strides = array<i32>} : memref<10240x128xf32, #tpu.memory_space<vmem>>, vector<10240x128xf32>,
    return
  }
}

module attributes {stable_mosaic.version = 14 : i64} {
  func.func @_comb_mm(%arg0: memref<2x5120x128xf32, #tpu.memory_space<vmem>>, %arg1: memref<128x128xf32, #tpu.memory_space<vmem>>, %arg2: memref<5120x128xf32, #tpu.memory_space<vmem>>) attributes {dimension_semantics = [], scalar_prefetch = 0 : i64, scratch_operands = 0 : i64, tpu.core_type = #tpu.core_type<tc>} {
    %get3A = arith.constant 0 : index
    %get3A_0 = arith.constant 0 : index
    %get3A_1 = arith.constant 0 : index
    %get3A_2 = vector.load %arg0[%get3A, %get3A_0, %get3A_1] : memref<2x5120x128xf32, #tpu.memory_space<vmem>>, vector<1x5120x128xf32>
    %get3A_3 = vector.shape_cast %get3A_2 : vector<1x5120x128xf32> to vector<5120x128xf32>
    %get3A_4 = arith.constant 1 : index
    %get3A_5 = arith.constant 0 : index
    %get3A_6 = arith.constant 0 : index
    %get3A_7 = vector.load %arg0[%get3A_4, %get3A_5, %get3A_6] : memref<2x5120x128xf32, #tpu.memory_space<vmem>>, vector<1x5120x128xf32>
    %get3A_8 = vector.shape_cast %get3A_7 : vector<1x5120x128xf32> to vector<5120x128xf32>
    %add3A = arith.addf %get3A_3, %get3A_8 : vector<5120x128xf32>
    %get3A_9 = arith.constant 0 : index
    %get3A_10 = arith.constant 0 : index
    %get3A_11 = vector.load %arg1[%get3A_9, %get3A_10] : memref<128x128xf32, #tpu.memory_space<vmem>>, vector<128x128xf32>
    %dot_general3A = arith.constant dense<0.000000e+00> : vector<5120x128xf32>
    %dot_general3A_12 = tpu.matmul %add3A, %get3A_11, %dot_general3A {dimension_numbers = #tpu.dot_dimension_numbers<[1], [0], [0], [1], [0, 0, 1, 1], [], []>, transpose_lhs_hint = false} : vector<5120x128xf32>, vector<128x128xf32>, vector<5120x128xf32> -> vector<5120x128xf32>
    %swap3A = arith.constant 0 : index
    %swap3A_13 = arith.constant 0 : index
    %swap3A_14 = vector.load %arg2[%swap3A, %swap3A_13] : memref<5120x128xf32, #tpu.memory_space<vmem>>, vector<5120x128xf32>
    tpu.vector_store %arg2[%swap3A, %swap3A_13], %dot_general3A_12 {strides = array<i32>} : memref<5120x128xf32, #tpu.memory_space<vmem>>, vector<5120x128xf32>,
    return
  }
}

module attributes {stable_mosaic.version = 14 : i64} {
  func.func @_final(%arg0: memref<2x10240x128xf32, #tpu.memory_space<vmem>>, %arg1: memref<128x16xf32, #tpu.memory_space<vmem>>, %arg2: memref<1x16xf32, #tpu.memory_space<vmem>>, %arg3: memref<10240x16xf32, #tpu.memory_space<vmem>>) attributes {dimension_semantics = [], scalar_prefetch = 0 : i64, scratch_operands = 0 : i64, tpu.core_type = #tpu.core_type<tc>} {
    %get3A = arith.constant 0 : index
    %get3A_0 = arith.constant 0 : index
    %get3A_1 = arith.constant 0 : index
    %get3A_2 = vector.load %arg0[%get3A, %get3A_0, %get3A_1] : memref<2x10240x128xf32, #tpu.memory_space<vmem>>, vector<1x10240x128xf32>
    %get3A_3 = vector.shape_cast %get3A_2 : vector<1x10240x128xf32> to vector<10240x128xf32>
    %get3A_4 = arith.constant 1 : index
    %get3A_5 = arith.constant 0 : index
    %get3A_6 = arith.constant 0 : index
    %get3A_7 = vector.load %arg0[%get3A_4, %get3A_5, %get3A_6] : memref<2x10240x128xf32, #tpu.memory_space<vmem>>, vector<1x10240x128xf32>
    %get3A_8 = vector.shape_cast %get3A_7 : vector<1x10240x128xf32> to vector<10240x128xf32>
    %add3A = arith.addf %get3A_3, %get3A_8 : vector<10240x128xf32>
    %get3A_9 = arith.constant 0 : index
    %get3A_10 = arith.constant 0 : index
    %get3A_11 = vector.load %arg1[%get3A_9, %get3A_10] : memref<128x16xf32, #tpu.memory_space<vmem>>, vector<128x16xf32>
    %dot_general3A = arith.constant dense<0.000000e+00> : vector<10240x16xf32>
    %dot_general3A_12 = tpu.matmul %add3A, %get3A_11, %dot_general3A {dimension_numbers = #tpu.dot_dimension_numbers<[1], [0], [0], [1], [0, 0, 1, 1], [], []>, transpose_lhs_hint = false} : vector<10240x128xf32>, vector<128x16xf32>, vector<10240x16xf32> -> vector<10240x16xf32>
    %get3A_13 = arith.constant 0 : index
    %get3A_14 = arith.constant 0 : index
    %get3A_15 = vector.load %arg2[%get3A_13, %get3A_14] : memref<1x16xf32, #tpu.memory_space<vmem>>, vector<1x16xf32>
    %add3A_16 = vector.broadcast %get3A_15 : vector<1x16xf32> to vector<10240x16xf32>
    %add3A_17 = arith.addf %dot_general3A_12, %add3A_16 : vector<10240x16xf32>
    %swap3A = arith.constant 0 : index
    %swap3A_18 = arith.constant 0 : index
    %swap3A_19 = vector.load %arg3[%swap3A, %swap3A_18] : memref<10240x16xf32, #tpu.memory_space<vmem>>, vector<10240x16xf32>
    tpu.vector_store %arg3[%swap3A, %swap3A_18], %add3A_17 {strides = array<i32>} : memref<10240x16xf32, #tpu.memory_space<vmem>>, vector<10240x16xf32>,
    return
  }
}

</mosaic_0001>

<sc_bundles>
// kernel: kernel.10.cloned.1.call-start
scs
__scs_entry_jumppad:
0x0: {  	(pc) =	sbr.rel $0x88, $3  }
0x1: {  	(tag) =	ssettag $0x0;
	lr =	simm.s32 $0x1  }
0x2: {  	[smem:$0x3F98] =	sst lr;
	_ =	strace $0xD0000000  }
0x3: {  	_ = 	snop  }
0x4: {  	_ = 	snop  }
0x5: {  	_ = 	snop  }
0x6: {  	_ = 	snop  }
0x7: {  	_ = 	snop  }
__scs_overlays_trampoline_lowered:
0x8: {  	[smem:$0x3FA7] =	sst s0  }
0x9: {  	[smem:$0x3FA8] =	sst s1  }
0xa: {  	[smem:$0x3FA9] =	sst s2  }
0xb: {  	[smem:$0x3FAA] =	sst s3  }
0xc: {  	[smem:$0x3FAB] =	sst s4  }
0xd: {  	[smem:$0x3FAC] =	sst s5  }
0xe: {  	[smem:$0x3FAD] =	sst s6  }
0xf: {  	[smem:$0x3FAE] =	sst s7  }
0x10: {  	[smem:$0x3FAF] =	sst s8  }
0x11: {  	[smem:$0x3FB0] =	sst s9;
	s0 =	simm.s32 @!p0 $0x0  }
0x12: {  	s1 =	sld [smem:$0x3F96];
	s0 =	simm.s32 @p0 $0x1  }
0x13: {  	[smem:$0x3FB1] =	sst s0;
	s0 =	simm.s32 @!p1 $0x0  }
0x14: {  	s2 =	sld [smem:$0x3F95];
	s0 =	simm.s32 @p1 $0x1  }
0x15: {  	[smem:$0x3FB2] =	sst s0;
	s0 =	simm.s32 @!p2 $0x0  }
0x16: {  	s3 =	sld [smem:$0x3FDB];
	s0 =	simm.s32 @p2 $0x1  }
0x17: {  	s4 =	simm.s32 $0x1BF5;
	[smem:$0x3FB4] =	sst s0  }
0x18: {  	s0 =	sld [smem:$0x3F97];
	_ =	swait.ge [sflag:s4], $0x0  }
0x19: {  	s7 =	sld [smem:$0x3F98]  }
0x1a: {  	s8 =	sadd.s32 $0xFFFFE003, lr  }
0x1b: {  	s9 =	sadd.s32 $0xFFFFFEF7, lr;
	s5 =	simm.s32 $0xFFFFFFFF;
	p2 =	slt.u32 s8, $0xFFFFF086  }
0x1c: {  	p1 =	slt.u32 s9, $0xF7A;
	s5 =	simm.s32 @!p2 $0x0  }
0x1d: {  	s5 =	simm.s32 @p1 $0x1;
	p0 =	seq.s32 s7, s2  }
0x1e: {  	s7 =	smul.u32 @!p0 $0xF7A, s2;
	p2 =	seq.s32 @!p0 s5, $0x0  }
0x1f: {  	s9 =	smul.u32 $0xF7A, s1;
	s8 =	simm.s32 @!p0 $0x1BF5;
	p2 =	por !p2, p0  }
0x20: {  	[sflag:s8] =	ssyncset.s32 @!p0 $0xFFFFF086;
	s6 =	sadd.s32 @!p0 s3, s7;
	s7 =	simm.s32 @!p0 $0x108  }
0x21: {  	s3 =	sadd.s32 s3, s9;
	s6 =	sadd.s32 @!p0 $0x88, s6;
	s7 =	simm.s32 @p2 $0x1082  }
0x22: {  	[simem:s7], [sflag:s8] =	dma.local @!p0 [hbm:s6], $0xF7A  }
0x23: {  	s9 =	sor.u32 $0xD0000000, s2;
	s6 =	simm.s32 $0x108;
	_ =	swait.ge @!p0 [sflag:s8], $0x0  }
0x24: {  	s3 =	sadd.s32 $0x88, s3;
	s6 =	simm.s32 @!p1 $0x1082;
	[sflag:s4] =	ssyncset.s32 $0xFFFFF086  }
0x25: {  	[simem:s6], [sflag:s4] =	dma.local [hbm:s3], $0xF7A  }
0x26: {  	[smem:$0x3F98] =	sst s1;
	(tag) =	ssettag s2;
	_ =	strace s9  }
0x27: {  	s1 =	sld [smem:$0x3FA8]  }
0x28: {  	s2 =	sld [smem:$0x3FA9]  }
0x29: {  	s4 =	sld [smem:$0x3FAB]  }
0x2a: {  	p0 =	seq.s32 s5, $0x0;
	s5 =	sld [smem:$0x3FAC]  }
0x2b: {  	s6 =	sld [smem:$0x3FAD]  }
0x2c: {  	s7 =	sld [smem:$0x3FAE]  }
0x2d: {  	s3 =	simm.s32 $0x108;
	s8 =	sld [smem:$0x3FAF]  }
0x2e: {  	s3 =	simm.s32 @!p0 $0x1082;
	s9 =	sld [smem:$0x3FB0]  }
0x2f: {  	lr =	sadd.s32 s0, s3;
	s0 =	sld [smem:$0x3FA7]  }
0x30: {  	s3 =	sld [smem:$0x3FAA]  }
0x31: {  	[smem:$0x3FB3] =	sst s10  }
0x32: {  	s10 =	sld [smem:$0x3FB1];
	_ =	sdelay $0x3  }
0x33: {  	p0 =	seq.s32 s10, $0x1;
	s10 =	sld [smem:$0x3FB3];
	_ =	sdelay $0x3  }
0x34: {  	[smem:$0x3FB3] =	sst s10  }
0x35: {  	s10 =	sld [smem:$0x3FB2];
	_ =	sdelay $0x3  }
0x36: {  	p1 =	seq.s32 s10, $0x1;
	s10 =	sld [smem:$0x3FB3];
	_ =	sdelay $0x3  }
0x37: {  	[smem:$0x3FB3] =	sst s10  }
0x38: {  	s10 =	sld [smem:$0x3FB4]  }
0x39: {  	_ = 	snop;
	(pc) =	sbr.ind lr, $3  }
0x3a: {  	_ = 	snop  }
0x3b: {  	_ = 	snop  }
0x3c: {  	p2 =	seq.s32 s10, $0x1;
	s10 =	sld [smem:$0x3FB3]  }
0x3d: {  	_ =	shalt  }
0x3e: {  	_ =	shalt  }
0x3f: {  	_ =	shalt  }
0x40: {  	_ =	shalt  }
0x41: {  	_ =	shalt  }
0x42: {  	_ =	shalt  }
0x43: {  	_ =	shalt  }
0x44: {  	_ =	shalt  }
0x45: {  	_ =	shalt  }
0x46: {  	_ =	shalt  }
0x47: {  	_ =	shalt  }
0x48: {  	_ =	shalt  }
0x49: {  	_ =	shalt  }
0x4a: {  	_ =	shalt  }
0x4b: {  	_ =	shalt  }
0x4c: {  	_ =	shalt  }
0x4d: {  	_ =	shalt  }
0x4e: {  	_ =	shalt  }
0x4f: {  	_ =	shalt  }
0x50: {  	_ =	shalt  }
0x51: {  	_ =	shalt  }
0x52: {  	_ =	shalt  }
0x53: {  	_ =	shalt  }
0x54: {  	_ =	shalt  }
0x55: {  	_ =	shalt  }
0x56: {  	_ =	shalt  }
0x57: {  	_ =	shalt  }
0x58: {  	_ =	shalt  }
0x59: {  	_ =	shalt  }
0x5a: {  	_ =	shalt  }
0x5b: {  	_ =	shalt  }
0x5c: {  	_ =	shalt  }
0x5d: {  	_ =	shalt  }
0x5e: {  	_ =	shalt  }
0x5f: {  	_ =	shalt  }
0x60: {  	_ =	shalt  }
0x61: {  	_ =	shalt  }
0x62: {  	_ =	shalt  }
0x63: {  	_ =	shalt  }
0x64: {  	_ =	shalt  }
0x65: {  	_ =	shalt  }
0x66: {  	_ =	shalt  }
0x67: {  	_ =	shalt  }
0x68: {  	_ =	shalt  }
0x69: {  	_ =	shalt  }
0x6a: {  	_ =	shalt  }
0x6b: {  	_ =	shalt  }
0x6c: {  	_ =	shalt  }
0x6d: {  	_ =	shalt  }
0x6e: {  	_ =	shalt  }
0x6f: {  	_ =	shalt  }
0x70: {  	_ =	shalt  }
0x71: {  	_ =	shalt  }
0x72: {  	_ =	shalt  }
0x73: {  	_ =	shalt  }
0x74: {  	_ =	shalt  }
0x75: {  	_ =	shalt  }
0x76: {  	_ =	shalt  }
0x77: {  	_ =	shalt  }
0x78: {  	_ =	shalt  }
0x79: {  	_ =	shalt  }
0x7a: {  	_ =	shalt  }
0x7b: {  	_ =	shalt  }
0x7c: {  	_ =	shalt  }
0x7d: {  	_ =	shalt  }
0x7e: {  	_ =	shalt  }
0x7f: {  	_ =	shalt  }
0x80: {  	_ =	shalt  }
0x81: {  	_ =	shalt  }
0x82: {  	_ =	shalt  }
0x83: {  	_ =	shalt  }
0x84: {  	_ =	shalt  }
0x85: {  	_ =	shalt  }
0x86: {  	_ =	shalt  }
0x87: {  	_ =	shalt  }
.Lfunc_end0:
.L_simem_size_0:
called_computation_lowered:
.L_overlay_start_0:
0x88: {  	s2 =	sld [smem:$0x3FD9]  }
0x89: {  	s3 =	sld [smem:$0x3FFE];
	_ =	sdelay $0x1  }
0x8a: {  	s1 =	srdreg.scid  }
0x8b: {  	s0 =	sand.u32 $0x1, s1  }
0x8c: {  	s17 =	sshll.u32 s0, $0xA;
	s2 =	sadd.s32 s3, s2  }
0x8d: {  	s2 =	sadd.s32 s2, s17  }
0x8e: {  	[smem:$0x3FBF] =	sst s2  }
0x8f: {  	_ = 	snop  }
0x90: {  	s2 =	sld [smem:$0x3FC9]  }
0x91: {  	s18 =	sld [smem:$0x3FC8]  }
0x92: {  	s4 =	sld [smem:$0x3FC7];
	(tm) =	ssettm $0x1  }
0x93: {  	s5 =	sld [smem:$0x3FFB];
	_ =	sdelay $0x3  }
0x94: {  	_ =	strace s5  }
0x95: {  	s5 =	sld [smem:$0x3FFC];
	_ =	sdelay $0x3  }
0x96: {  	_ =	strace s5  }
0x97: {  	s5 =	sld [smem:$0x3FFD];
	_ =	sdelay $0x3  }
0x98: {  	_ =	strace s5  }
0x99: {  	_ =	strace $0x8FFFFFFF  }
0x9a: {  	s19 =	sld [smem:$0x3FDB];
	_ =	sdelay $0x1  }
0x9b: {  	s6 =	simm.s32 $_scs_section_size  }
0x9c: {  	s7 =	simm.s32 $_size__tile_overlayer_lowered;
	s8 =	simm.s32 $_tile_overlayer_lowered  }
0x9d: {  	s22 =	simm.s32 $0x1BFF;
	s21 =	sshll.u32 s8, $0x1;
	s5 =	sadd.s32 s6, s19  }
0x9e: {  	s9 =	simm.s32 $0x0;
	s20 =	sshll.u32 s7, $0x1;
	s7 =	sadd.s32 s21, s5  }
0x9f: {  	[timem:s9], [sflag:s22] =	dma.local [hbm:s7], s20  }
0xa0: {  	_ =	swait.ge [sflag:s22], s20  }
0xa1: {  	s6 =	ssub.s32 $0x0, s20;
	[sflag:s22] =	ssyncset.done $0x0  }
0xa2: {  	[sflag:s22] =	ssyncadd.s32 s6;
	_ =	sdelay $0x1  }
0xa3: {  	s23 =	simm.s32 $0x1B8B  }
0xa4: {  	_ =	swait.ge [sflag:s23], $0x1  }
0xa5: {  	[sflag:s23] =	ssyncset.done $0x0  }
0xa6: {  	s25 =	simm.s32 $0x1B8E;
	s24 =	sld [smem:$0x3FFE];
	[sflag:s23] =	ssyncadd.s32 $0xFFFFFFFF  }
0xa7: {  	s26 =	simm.s32 $execute0_lowered;
	[smem:$0x3FD2] =	sst s25  }
0xa8: {  	s7 =	sshll.u32 s26, $0x1;
	_ =	strace $0x80000046;
	[dreg:$0x1] =	wrdreg $0xFFFFFFFF  }
0xa9: {  	s28 =	simm.s32 $_size_execute0_lowered;
	s5 =	sadd.s32 s5, s7;
	[dreg:$0x0] =	wrdreg $0x0  }
0xaa: {  	s7 =	sshll.u32 s28, $0x1;
	[dreg:$0x2] =	wrdreg s5  }
0xab: {  	[dreg:$0x3] =	wrdreg s7  }
0xac: {  	[dreg:$0x4] =	wrdreg $0xC0  }
0xad: {  	_ =	task [dreg:s9], $0x5FFFF  }
0xae: {  	[dreg:$0x1] =	wrdreg $0xFFFFFFFF  }
0xaf: {  	[dreg:$0x0] =	wrdreg $0x60  }
0xb0: {  	[dreg:$0x2] =	wrdreg s2  }
0xb1: {  	[dreg:$0x3] =	wrdreg s18  }
0xb2: {  	[dreg:$0x4] =	wrdreg s4  }
0xb3: {  	[dreg:$0x5] =	wrdreg s24  }
0xb4: {  	[dreg:$0x6] =	wrdreg $0x69000  }
0xb5: {  	[dreg:$0x7] =	wrdreg $0x9  }
0xb6: {  	_ =	task.clear_ibuf [dreg:s9], $0x8FFFF;
	_ =	strace $0x90000046  }
0xb7: {  	s29 =	simm.s32 $0x9;
	_ =	strace $0x80000048  }
0xb8: {  	_ =	swait.ge [sflag:s29], $0x1  }
0xb9: {  	[sflag:s29] =	ssyncadd.s32 $0xFFFFFFFF  }
0xba: {  	_ =	strace $0x90000048  }
0xbb: {  	_ =	sfence  }
0xbc: {  	s30 =	sld [smem:$0x0];
	_ =	sdelay $0x2  }
0xbd: {  	s31 =	sshll.u32 s1, $0xD;
	s1 =	sshrl.u32 s1, $0x2  }
0xbe: {  	s3 =	sand.u32 $0x4000, s31;
	s1 =	sadd.s32 s1, s30  }
0xbf: {  	s0 =	sor.u32 s3, s0;
	s1 =	sshll.u32 s1, $0x11  }
0xc0: {  	s0 =	sor.u32 s1, s0  }
0xc1: {  	s0 =	sadd.s32 $0x8F2B, s0  }
0xc2: {  	[sflag:s0] =	ssyncadd.remote.s32 $0x1  }
0xc3: {  	_ =	sfence.sel $0xFFFF  }
0xc4: {  	[dreg:$0x0] =	wrdreg $0xFFFFFFFF;
	(pc) =	sbr.abs _section_cstart, $3  }
0xc5: {  	[dreg:$0x1] =	wrdreg $0xFFFFFFFF  }
0xc6: {  	_ =	task.clear_ibuf [dreg:s9], $0x2FFFF;
	_ =	strace $0x9FFFFFFF  }
0xc7: {  	(tm) =	ssettm $0x7FFFFFFF  }
tec
execute0_lowered:
.L_overlay_start_1:
0x0: {  	(tag) =	ssettag $0x1  }
0x1: {  	s1 =	rddreg [dreg:$0x0]  }
0x2: {  	s13 =	rddreg [dreg:$0x1]  }
0x3: {  	s12 =	rddreg [dreg:$0x2]  }
0x4: {  	s5 =	rddreg [dreg:$0x3]  }
0x5: {  	s3 =	rddreg [dreg:$0x4]  }
0x6: {  	s4 =	srdreg.scid;
	s2 =	stileid.u32  }
0x7: {  	s0 =	rddreg [dreg:$0x5];
	s7 =	smul.u32 $0x28000, s2  }
0x8: {  	s18 =	simm.s32 $0x100;
	s19 =	simm.s32 $0x1;
	s10 =	smul.u32 $0xA000, s2  }
0x9: {  	s20 =	simm.s32 $0x0;
	s8 =	sand.u32 $0x1, s4;
	s29 =	smul.u32 $0x2710, s2  }
0xa: {  	s4 =	simm.s32 $0x0;
	s11 =	sadd.s32 $0x2C00, s5;
	s15 =	smul.u32 $0xA0000, s8  }
0xb: {  	s6 =	ssub.s32 $0x2, s8;
	[smem:$0x7FF] =	sst s4;
	s17 =	smul.u32 $0x27100, s8  }
0xc: {  	s9 =	sshrl.u32 s6, $0x1;
	_ =	strace $0x80000047;
	s25 =	sshrl.u32 s7, $0x2  }
0xd: {  	s26 =	sadd.s32 $0x4000, s10;
	s16 =	sadd.s32 $0x8000, s10;
	s14 =	ssub.s32 s6, s9  }
0xe: {  	s5 =	sadd.s32 s25, s3;
	s6 =	sadd.s32 s26, s3;
	s7 =	sadd.s32 s16, s3  }
0xf: {  	s10 =	sadd.s32 s10, s15;
	s9 =	sadd.s32 s15, s26;
	s15 =	sadd.s32 s15, s16  }
0x10: {  	s30 =	sadd.s32 s29, s17;
	s16 =	simm.s32 $0x80;
	s17 =	simm.s32 $0x50  }
0x11: {  	s28 =	sshrl.u32 s10, $0x3;
	s9 =	sshrl.u32 s9, $0x3;
	s15 =	sshrl.u32 s15, $0x3  }
0x12: {  	s31 =	sshrl.u32 s30, $0x3;
	s8 =	sadd.s32 s11, s28;
	s9 =	sadd.s32 s11, s9  }
0x13: {  	s10 =	sadd.s32 s11, s15;
	s11 =	smax.u32 s14, $0x1;
	s12 =	sadd.s32 s31, s12  }
0x14: {  	v0 =	vimm.f32 $0.0e+00;
	s13 =	sadd.s32 s31, s13;
	s14 =	simm.s32 $0x2900;
	s15 =	simm.s32 $0x2  }
.LBB2_1:
0x15: {  	s21 =	simm.s32 $0x0;
	s22 =	simm.s32 $0x200  }
.LBB2_2:
0x16: {  	p0 =	sne.s32 s22, $0xFE00;
	[tilespmem:s21+$0x2970] =	vst v0  }
0x17: {  	[tilespmem:s21+$0x2900] =	vst v0  }
0x18: {  	[tilespmem:s21+$0x2910] =	vst v0  }
.Ltmp0:
0x19: {  	[tilespmem:s21+$0x2920] =	vst v0;
	(pc) =	sbr.rel @p0 .LBB2_2-.Ltmp0, $4  }
0x1a: {  	[tilespmem:s21+$0x2930] =	vst v0  }
0x1b: {  	[tilespmem:s21+$0x2940] =	vst v0  }
0x1c: {  	[tilespmem:s21+$0x2950] =	vst v0  }
0x1d: {  	[tilespmem:s21+$0x2960] =	vst v0;
	s21 =	sshra.s32 s22, $0x2;
	s22 =	sadd.s32 $0x200, s22  }
0x1e: {  	[tilespmem:s21+$0x2970] =	vst v0  }
0x1f: {  	[tilespmem:s21+$0x2900] =	vst v0  }
0x20: {  	[tilespmem:s21+$0x2910] =	vst v0  }
0x21: {  	[tilespmem:s21+$0x2920] =	vst v0  }
0x22: {  	[tilespmem:s21+$0x2930] =	vst v0  }
0x23: {  	[tilespmem:s21+$0x2940] =	vst v0  }
0x24: {  	[tilespmem:s21+$0x2950] =	vst v0  }
0x25: {  	[tilespmem:s21+$0x2960] =	vst v0  }
0x26: {  	[spmem:s5] =	stream.linear.scatter [tilespmem:s14], [sflag:$0x2], $0x4000, $0x38;
	[tilespmem:$0x10900] =	vst v63  }
0x27: {  	_ =	swait.ge [sflag:s15], $0x4000  }
0x28: {  	[sflag:s15] =	ssyncset.done $0x0  }
0x29: {  	[sflag:s15] =	ssyncadd.s32 $0xFFFFC000  }
0x2a: {  	[spmem:s6] =	stream.linear.scatter [tilespmem:s14], [sflag:$0x2], $0x4000, $0x38;
	[tilespmem:$0x10900] =	vst v63  }
0x2b: {  	_ =	swait.ge [sflag:s15], $0x4000  }
0x2c: {  	[sflag:s15] =	ssyncset.done $0x0  }
0x2d: {  	[sflag:s15] =	ssyncadd.s32 $0xFFFFC000  }
0x2e: {  	[spmem:s7] =	stream.linear.scatter [tilespmem:s14], [sflag:$0x2], $0x2000, $0x38;
	[tilespmem:$0x10900] =	vst v63  }
0x2f: {  	_ =	swait.ge [sflag:s15], $0x2000  }
0x30: {  	[sflag:s15] =	ssyncset.done $0x0  }
0x31: {  	[sflag:s15] =	ssyncadd.s32 $0xFFFFE000  }
0x32: {  	s30 =	sadd.s32 $0x0, s13;
	[bflag:$0x0] =	sbarrier.arrive $0xFFFF  }
0x33: {  	[tilespmem:s4], [sflag:$0x2] =	stream.linear.gather [hbm4b:s30+s4], $0x50, $0x38;
	[tilespmem:$0x10900] =	vst v63  }
0x34: {  	_ =	swait.ge [sflag:s15], $0x50  }
0x35: {  	[sflag:s15] =	ssyncset.done $0x0  }
0x36: {  	s31 =	sadd.s32 $0x0, s12;
	[sflag:s15] =	ssyncadd.s32 $0xFFFFFFB0  }
0x37: {  	[tilespmem:s16], [sflag:$0x2] =	stream.linear.gather [hbm4b:s31+s4], $0x50, $0x38;
	[tilespmem:$0x10900] =	vst v63  }
0x38: {  	_ =	swait.ge [sflag:s15], $0x50  }
0x39: {  	[sflag:s15] =	ssyncset.done $0x0  }
0x3a: {  	[sflag:s15] =	ssyncadd.s32 $0xFFFFFFB0  }
0x3b: {  	[tilespmem:s18], [sflag:$0x1] =	stream.indirect.gather [hbm4b:s1+s17], $0x80, s4, s17, $0xb8;
	[tilespmem:$0x10900] =	vst v63  }
0x3c: {  	_ =	swait.ge [sflag:s19], $0x2800  }
0x3d: {  	[sflag:s19] =	ssyncset.done $0x0  }
0x3e: {  	[sflag:s19] =	ssyncadd.s32 $0xFFFFD800  }
0x3f: {  	[spmem:s3] =	stream.indirect.scatter.add.f32 [tilespmem:s18], [sflag:$0x2], $0x80, s16, s17, $0xb8;
	[tilespmem:$0x10900] =	vst v63  }
0x40: {  	_ =	swait.ge [sflag:s15], $0x2800  }
0x41: {  	s21 =	simm.s32 $0xA;
	s22 =	simm.s32 $0x14;
	[sflag:s15] =	ssyncset.done $0x0  }
.LBB2_4:
0x42: {  	s23 =	sadd.s32 s21, s13  }
0x43: {  	[sflag:s15] =	ssyncadd.s32 $0xFFFFD800;
	s24 =	smov.u32 s22;
	s25 =	sadd.s32 $0xA, s22  }
0x44: {  	[tilespmem:s4], [sflag:$0x2] =	stream.linear.gather [hbm4b:s23+s4], $0x50, $0x38;
	[tilespmem:$0x10900] =	vst v63  }
0x45: {  	p0 =	sne.s32 s22, $0x4D8;
	_ =	swait.ge [sflag:s15], $0x50  }
0x46: {  	[sflag:s15] =	ssyncset.done $0x0  }
0x47: {  	s22 =	sadd.s32 s21, s12;
	s21 =	smov.u32 s24;
	[sflag:s15] =	ssyncadd.s32 $0xFFFFFFB0  }
0x48: {  	[tilespmem:s16], [sflag:$0x2] =	stream.linear.gather [hbm4b:s22+s4], $0x50, $0x38;
	[tilespmem:$0x10900] =	vst v63  }
0x49: {  	_ =	swait.ge [sflag:s15], $0x50  }
0x4a: {  	[sflag:s15] =	ssyncset.done $0x0  }
0x4b: {  	[sflag:s15] =	ssyncadd.s32 $0xFFFFFFB0  }
0x4c: {  	[tilespmem:s18], [sflag:$0x1] =	stream.indirect.gather [hbm4b:s1+s17], $0x80, s4, s17, $0xb8;
	[tilespmem:$0x10900] =	vst v63  }
0x4d: {  	_ =	swait.ge [sflag:s19], $0x2800  }
.Ltmp1:
0x4e: {  	[sflag:s19] =	ssyncset.done $0x0;
	(pc) =	sbr.rel @p0 .LBB2_4-.Ltmp1, $4  }
0x4f: {  	[sflag:s19] =	ssyncadd.s32 $0xFFFFD800  }
0x50: {  	[spmem:s3] =	stream.indirect.scatter.add.f32 [tilespmem:s18], [sflag:$0x2], $0x80, s16, s17, $0xb8;
	[tilespmem:$0x10900] =	vst v63  }
0x51: {  	_ =	swait.ge [sflag:s15], $0x2800  }
0x52: {  	s22 =	smov.u32 s25;
	[sflag:s15] =	ssyncset.done $0x0  }
0x53: {  	s22 =	sadd.s32 s21, s13;
	[sflag:s15] =	ssyncadd.s32 $0xFFFFD800  }
0x54: {  	[tilespmem:s4], [sflag:$0x2] =	stream.linear.gather [hbm4b:s22+s4], $0x50, $0x38;
	[tilespmem:$0x10900] =	vst v63  }
0x55: {  	_ =	swait.ge [sflag:s15], $0x50  }
0x56: {  	[sflag:s15] =	ssyncset.done $0x0  }
0x57: {  	s26 =	sadd.s32 s21, s12;
	[sflag:s15] =	ssyncadd.s32 $0xFFFFFFB0  }
0x58: {  	[tilespmem:s16], [sflag:$0x2] =	stream.linear.gather [hbm4b:s26+s4], $0x50, $0x38;
	[tilespmem:$0x10900] =	vst v63  }
0x59: {  	_ =	swait.ge [sflag:s15], $0x50  }
0x5a: {  	[sflag:s15] =	ssyncset.done $0x0  }
0x5b: {  	[sflag:s15] =	ssyncadd.s32 $0xFFFFFFB0  }
0x5c: {  	[tilespmem:s18], [sflag:$0x1] =	stream.indirect.gather [hbm4b:s1+s17], $0x80, s4, s17, $0xb8;
	[tilespmem:$0x10900] =	vst v63  }
0x5d: {  	_ =	swait.ge [sflag:s19], $0x2800  }
0x5e: {  	[sflag:s19] =	ssyncset.done $0x0  }
0x5f: {  	[sflag:s19] =	ssyncadd.s32 $0xFFFFD800  }
0x60: {  	[spmem:s3] =	stream.indirect.scatter.add.f32 [tilespmem:s18], [sflag:$0x2], $0x80, s16, s17, $0xb8;
	[tilespmem:$0x10900] =	vst v63  }
0x61: {  	_ =	swait.ge [sflag:s15], $0x2800  }
0x62: {  	[sflag:s15] =	ssyncset.done $0x0  }
0x63: {  	s28 =	sshll.u32 s2, $0x6;
	[sflag:s15] =	ssyncadd.s32 $0xFFFFD800  }
0x64: {  	s29 =	sshrl.u32 s5, $0x3;
	s21 =	sor.u32 $0x1C02, s28;
	[bflag:$0x0] =	sbarrier.arrive $0xFFFF  }
0x65: {  	[hbm:s8], [sflag:s21] =	dma.local [spmem:s29], $0x800  }
0x66: {  	_ =	swait.ge [sflag:s15], $0x800  }
0x67: {  	[sflag:s15] =	ssyncset.done $0x0  }
0x68: {  	s30 =	sshrl.u32 s6, $0x3;
	[sflag:s15] =	ssyncadd.s32 $0xFFFFF800  }
0x69: {  	[hbm:s9], [sflag:s21] =	dma.local [spmem:s30], $0x800  }
0x6a: {  	s20 =	sadd.s32 $0x1, s20;
	_ =	swait.ge [sflag:s15], $0x800  }
0x6b: {  	p0 =	sne.s32 s20, s11;
	[sflag:s15] =	ssyncset.done $0x0  }
.Ltmp2:
0x6c: {  	s31 =	sshrl.u32 s7, $0x3;
	[sflag:s15] =	ssyncadd.s32 $0xFFFFF800;
	(pc) =	sbr.rel @p0 .LBB2_1-.Ltmp2, $4  }
0x6d: {  	[hbm:s10], [sflag:s21] =	dma.local [spmem:s31], $0x400  }
0x6e: {  	_ =	swait.ge [sflag:s15], $0x400  }
0x6f: {  	[sflag:s15] =	ssyncset.done $0x0  }
0x70: {  	[sflag:s15] =	ssyncadd.s32 $0xFFFFFC00  }
0x71: {  	_ =	sfence.sel $0x180000  }
0x72: {  	[bflag:$0x0] =	sbarrier.arrive $0xFFFF  }
0x73: {  	p0 =	sne.s32 s2, $0x0;
	_ =	strace $0x90000047  }
0x74: {  	s0 =	sadd.s32 @!p0 $0x100000, s0;
	[bflag:$0x2] =	sbarrier.arrive $0xFFFF  }
0x75: {  	[sflag:s0] =	ssyncadd.tile.s32 @!p0 $0x1;
	_ =	shalt  }
.Lfunc_end2:
_tile_overlayer_lowered:
.L_overlay_start_2:
0x76: {  	(tag) =	ssettag $0x2  }
0x77: {  	s0 =	rddreg [dreg:$0x0];
	s2 =	stileid.u32  }
0x78: {  	s1 =	rddreg [dreg:$0x1];
	p0 =	sne.s32 s2, $0x0  }
0x79: {  	s3 =	rddreg [dreg:$0x2];
	[bflag:$0x3] =	sbarrier.arrive $0xFFFF;
	s2 =	simm.s32 @!p0 $0x1C02  }
0x7a: {  	[timem:s3], [sflag:s2] =	dma.local @!p0 [hbm:s0], s1  }
0x7b: {  	s0 =	simm.s32 @!p0 $0x2  }
0x7c: {  	_ =	swait.ge @!p0 [sflag:s0], s1  }
0x7d: {  	s1 =	ssub.s32 @!p0 $0x0, s1;
	[sflag:s0] =	ssyncset.done @!p0 $0x0  }
0x7e: {  	[sflag:s0] =	ssyncadd.s32 @!p0 s1  }
0x7f: {  	[bflag:$0x3] =	sbarrier.arrive $0xFFFF  }
0x80: {  	_ =	shalt  }

// kernel: kernel.13.cloned.1.call-start
scs
__scs_entry_jumppad:
0x0: {  	(pc) =	sbr.rel $0x88, $3  }
0x1: {  	(tag) =	ssettag $0x0;
	lr =	simm.s32 $0x1  }
0x2: {  	[smem:$0x3F98] =	sst lr;
	_ =	strace $0xD0000000  }
0x3: {  	_ = 	snop  }
0x4: {  	_ = 	snop  }
0x5: {  	_ = 	snop  }
0x6: {  	_ = 	snop  }
0x7: {  	_ = 	snop  }
__scs_overlays_trampoline_lowered:
0x8: {  	[smem:$0x3FA7] =	sst s0  }
0x9: {  	[smem:$0x3FA8] =	sst s1  }
0xa: {  	[smem:$0x3FA9] =	sst s2  }
0xb: {  	[smem:$0x3FAA] =	sst s3  }
0xc: {  	[smem:$0x3FAB] =	sst s4  }
0xd: {  	[smem:$0x3FAC] =	sst s5  }
0xe: {  	[smem:$0x3FAD] =	sst s6  }
0xf: {  	[smem:$0x3FAE] =	sst s7  }
0x10: {  	[smem:$0x3FAF] =	sst s8  }
0x11: {  	[smem:$0x3FB0] =	sst s9;
	s0 =	simm.s32 @!p0 $0x0  }
0x12: {  	s1 =	sld [smem:$0x3F96];
	s0 =	simm.s32 @p0 $0x1  }
0x13: {  	[smem:$0x3FB1] =	sst s0;
	s0 =	simm.s32 @!p1 $0x0  }
0x14: {  	s2 =	sld [smem:$0x3F95];
	s0 =	simm.s32 @p1 $0x1  }
0x15: {  	[smem:$0x3FB2] =	sst s0;
	s0 =	simm.s32 @!p2 $0x0  }
0x16: {  	s3 =	sld [smem:$0x3FDB];
	s0 =	simm.s32 @p2 $0x1  }
0x17: {  	s4 =	simm.s32 $0x1BF5;
	[smem:$0x3FB4] =	sst s0  }
0x18: {  	s0 =	sld [smem:$0x3F97];
	_ =	swait.ge [sflag:s4], $0x0  }
0x19: {  	s7 =	sld [smem:$0x3F98]  }
0x1a: {  	s8 =	sadd.s32 $0xFFFFE003, lr  }
0x1b: {  	s9 =	sadd.s32 $0xFFFFFEF7, lr;
	s5 =	simm.s32 $0xFFFFFFFF;
	p2 =	slt.u32 s8, $0xFFFFF086  }
0x1c: {  	p1 =	slt.u32 s9, $0xF7A;
	s5 =	simm.s32 @!p2 $0x0  }
0x1d: {  	s5 =	simm.s32 @p1 $0x1;
	p0 =	seq.s32 s7, s2  }
0x1e: {  	s7 =	smul.u32 @!p0 $0xF7A, s2;
	p2 =	seq.s32 @!p0 s5, $0x0  }
0x1f: {  	s9 =	smul.u32 $0xF7A, s1;
	s8 =	simm.s32 @!p0 $0x1BF5;
	p2 =	por !p2, p0  }
0x20: {  	[sflag:s8] =	ssyncset.s32 @!p0 $0xFFFFF086;
	s6 =	sadd.s32 @!p0 s3, s7;
	s7 =	simm.s32 @!p0 $0x108  }
0x21: {  	s3 =	sadd.s32 s3, s9;
	s6 =	sadd.s32 @!p0 $0x88, s6;
	s7 =	simm.s32 @p2 $0x1082  }
0x22: {  	[simem:s7], [sflag:s8] =	dma.local @!p0 [hbm:s6], $0xF7A  }
0x23: {  	s9 =	sor.u32 $0xD0000000, s2;
	s6 =	simm.s32 $0x108;
	_ =	swait.ge @!p0 [sflag:s8], $0x0  }
0x24: {  	s3 =	sadd.s32 $0x88, s3;
	s6 =	simm.s32 @!p1 $0x1082;
	[sflag:s4] =	ssyncset.s32 $0xFFFFF086  }
0x25: {  	[simem:s6], [sflag:s4] =	dma.local [hbm:s3], $0xF7A  }
0x26: {  	[smem:$0x3F98] =	sst s1;
	(tag) =	ssettag s2;
	_ =	strace s9  }
0x27: {  	s1 =	sld [smem:$0x3FA8]  }
0x28: {  	s2 =	sld [smem:$0x3FA9]  }
0x29: {  	s4 =	sld [smem:$0x3FAB]  }
0x2a: {  	p0 =	seq.s32 s5, $0x0;
	s5 =	sld [smem:$0x3FAC]  }
0x2b: {  	s6 =	sld [smem:$0x3FAD]  }
0x2c: {  	s7 =	sld [smem:$0x3FAE]  }
0x2d: {  	s3 =	simm.s32 $0x108;
	s8 =	sld [smem:$0x3FAF]  }
0x2e: {  	s3 =	simm.s32 @!p0 $0x1082;
	s9 =	sld [smem:$0x3FB0]  }
0x2f: {  	lr =	sadd.s32 s0, s3;
	s0 =	sld [smem:$0x3FA7]  }
0x30: {  	s3 =	sld [smem:$0x3FAA]  }
0x31: {  	[smem:$0x3FB3] =	sst s10  }
0x32: {  	s10 =	sld [smem:$0x3FB1];
	_ =	sdelay $0x3  }
0x33: {  	p0 =	seq.s32 s10, $0x1;
	s10 =	sld [smem:$0x3FB3];
	_ =	sdelay $0x3  }
0x34: {  	[smem:$0x3FB3] =	sst s10  }
0x35: {  	s10 =	sld [smem:$0x3FB2];
	_ =	sdelay $0x3  }
0x36: {  	p1 =	seq.s32 s10, $0x1;
	s10 =	sld [smem:$0x3FB3];
	_ =	sdelay $0x3  }
0x37: {  	[smem:$0x3FB3] =	sst s10  }
0x38: {  	s10 =	sld [smem:$0x3FB4]  }
0x39: {  	_ = 	snop;
	(pc) =	sbr.ind lr, $3  }
0x3a: {  	_ = 	snop  }
0x3b: {  	_ = 	snop  }
0x3c: {  	p2 =	seq.s32 s10, $0x1;
	s10 =	sld [smem:$0x3FB3]  }
0x3d: {  	_ =	shalt  }
0x3e: {  	_ =	shalt  }
0x3f: {  	_ =	shalt  }
0x40: {  	_ =	shalt  }
0x41: {  	_ =	shalt  }
0x42: {  	_ =	shalt  }
0x43: {  	_ =	shalt  }
0x44: {  	_ =	shalt  }
0x45: {  	_ =	shalt  }
0x46: {  	_ =	shalt  }
0x47: {  	_ =	shalt  }
0x48: {  	_ =	shalt  }
0x49: {  	_ =	shalt  }
0x4a: {  	_ =	shalt  }
0x4b: {  	_ =	shalt  }
0x4c: {  	_ =	shalt  }
0x4d: {  	_ =	shalt  }
0x4e: {  	_ =	shalt  }
0x4f: {  	_ =	shalt  }
0x50: {  	_ =	shalt  }
0x51: {  	_ =	shalt  }
0x52: {  	_ =	shalt  }
0x53: {  	_ =	shalt  }
0x54: {  	_ =	shalt  }
0x55: {  	_ =	shalt  }
0x56: {  	_ =	shalt  }
0x57: {  	_ =	shalt  }
0x58: {  	_ =	shalt  }
0x59: {  	_ =	shalt  }
0x5a: {  	_ =	shalt  }
0x5b: {  	_ =	shalt  }
0x5c: {  	_ =	shalt  }
0x5d: {  	_ =	shalt  }
0x5e: {  	_ =	shalt  }
0x5f: {  	_ =	shalt  }
0x60: {  	_ =	shalt  }
0x61: {  	_ =	shalt  }
0x62: {  	_ =	shalt  }
0x63: {  	_ =	shalt  }
0x64: {  	_ =	shalt  }
0x65: {  	_ =	shalt  }
0x66: {  	_ =	shalt  }
0x67: {  	_ =	shalt  }
0x68: {  	_ =	shalt  }
0x69: {  	_ =	shalt  }
0x6a: {  	_ =	shalt  }
0x6b: {  	_ =	shalt  }
0x6c: {  	_ =	shalt  }
0x6d: {  	_ =	shalt  }
0x6e: {  	_ =	shalt  }
0x6f: {  	_ =	shalt  }
0x70: {  	_ =	shalt  }
0x71: {  	_ =	shalt  }
0x72: {  	_ =	shalt  }
0x73: {  	_ =	shalt  }
0x74: {  	_ =	shalt  }
0x75: {  	_ =	shalt  }
0x76: {  	_ =	shalt  }
0x77: {  	_ =	shalt  }
0x78: {  	_ =	shalt  }
0x79: {  	_ =	shalt  }
0x7a: {  	_ =	shalt  }
0x7b: {  	_ =	shalt  }
0x7c: {  	_ =	shalt  }
0x7d: {  	_ =	shalt  }
0x7e: {  	_ =	shalt  }
0x7f: {  	_ =	shalt  }
0x80: {  	_ =	shalt  }
0x81: {  	_ =	shalt  }
0x82: {  	_ =	shalt  }
0x83: {  	_ =	shalt  }
0x84: {  	_ =	shalt  }
0x85: {  	_ =	shalt  }
0x86: {  	_ =	shalt  }
0x87: {  	_ =	shalt  }
.Lfunc_end0:
.L_simem_size_0:
called_computation.1_lowered:
.L_overlay_start_0:
0x88: {  	s2 =	sld [smem:$0x3FD9]  }
0x89: {  	s3 =	sld [smem:$0x3FFE];
	_ =	sdelay $0x1  }
0x8a: {  	s1 =	srdreg.scid  }
0x8b: {  	s0 =	sand.u32 $0x1, s1  }
0x8c: {  	s17 =	sshll.u32 s0, $0xA;
	s2 =	sadd.s32 s3, s2  }
0x8d: {  	s2 =	sadd.s32 s2, s17  }
0x8e: {  	[smem:$0x3FBF] =	sst s2  }
0x8f: {  	_ = 	snop  }
0x90: {  	s2 =	sld [smem:$0x3FC8]  }
0x91: {  	s18 =	sld [smem:$0x3FC7];
	(tm) =	ssettm $0x1  }
0x92: {  	s4 =	sld [smem:$0x3FFB];
	_ =	sdelay $0x3  }
0x93: {  	_ =	strace s4  }
0x94: {  	s4 =	sld [smem:$0x3FFC];
	_ =	sdelay $0x3  }
0x95: {  	_ =	strace s4  }
0x96: {  	s4 =	sld [smem:$0x3FFD];
	_ =	sdelay $0x3  }
0x97: {  	_ =	strace s4  }
0x98: {  	_ =	strace $0x8FFFFFFF  }
0x99: {  	s19 =	sld [smem:$0x3FDB];
	_ =	sdelay $0x1  }
0x9a: {  	s5 =	simm.s32 $_scs_section_size  }
0x9b: {  	s6 =	simm.s32 $_size__tile_overlayer_lowered;
	s7 =	simm.s32 $_tile_overlayer_lowered  }
0x9c: {  	s22 =	simm.s32 $0x1BFF;
	s21 =	sshll.u32 s7, $0x1;
	s4 =	sadd.s32 s5, s19  }
0x9d: {  	s8 =	simm.s32 $0x0;
	s20 =	sshll.u32 s6, $0x1;
	s6 =	sadd.s32 s21, s4  }
0x9e: {  	[timem:s8], [sflag:s22] =	dma.local [hbm:s6], s20  }
0x9f: {  	_ =	swait.ge [sflag:s22], s20  }
0xa0: {  	s5 =	ssub.s32 $0x0, s20;
	[sflag:s22] =	ssyncset.done $0x0  }
0xa1: {  	[sflag:s22] =	ssyncadd.s32 s5;
	_ =	sdelay $0x1  }
0xa2: {  	s23 =	simm.s32 $0x1B8B  }
0xa3: {  	_ =	swait.ge [sflag:s23], $0x1  }
0xa4: {  	[sflag:s23] =	ssyncset.done $0x0  }
0xa5: {  	s25 =	simm.s32 $0x1B8E;
	s24 =	sld [smem:$0x3FFE];
	[sflag:s23] =	ssyncadd.s32 $0xFFFFFFFF  }
0xa6: {  	s26 =	simm.s32 $execute0_lowered;
	[smem:$0x3FD2] =	sst s25  }
0xa7: {  	s6 =	sshll.u32 s26, $0x1;
	_ =	strace $0x80000049;
	[dreg:$0x1] =	wrdreg $0xFFFFFFFF  }
0xa8: {  	s28 =	simm.s32 $_size_execute0_lowered;
	s4 =	sadd.s32 s4, s6;
	[dreg:$0x0] =	wrdreg $0x0  }
0xa9: {  	s6 =	sshll.u32 s28, $0x1;
	[dreg:$0x2] =	wrdreg s4  }
0xaa: {  	[dreg:$0x3] =	wrdreg s6  }
0xab: {  	[dreg:$0x4] =	wrdreg $0xC0  }
0xac: {  	_ =	task [dreg:s8], $0x5FFFF  }
0xad: {  	[dreg:$0x1] =	wrdreg $0xFFFFFFFF  }
0xae: {  	[dreg:$0x0] =	wrdreg $0x60  }
0xaf: {  	[dreg:$0x2] =	wrdreg s24  }
0xb0: {  	[dreg:$0x3] =	wrdreg s18  }
0xb1: {  	[dreg:$0x4] =	wrdreg s2  }
0xb2: {  	[dreg:$0x5] =	wrdreg $0x69000  }
0xb3: {  	[dreg:$0x6] =	wrdreg $0x9  }
0xb4: {  	_ =	task.clear_ibuf [dreg:s8], $0x7FFFF;
	_ =	strace $0x90000049  }
0xb5: {  	s29 =	simm.s32 $0x9;
	_ =	strace $0x8000004B  }
0xb6: {  	_ =	swait.ge [sflag:s29], $0x1  }
0xb7: {  	[sflag:s29] =	ssyncadd.s32 $0xFFFFFFFF  }
0xb8: {  	_ =	strace $0x9000004B  }
0xb9: {  	_ =	sfence  }
0xba: {  	s30 =	sld [smem:$0x0];
	_ =	sdelay $0x2  }
0xbb: {  	s31 =	sshll.u32 s1, $0xD;
	s1 =	sshrl.u32 s1, $0x2  }
0xbc: {  	s3 =	sand.u32 $0x4000, s31;
	s1 =	sadd.s32 s1, s30  }
0xbd: {  	s0 =	sor.u32 s3, s0;
	s1 =	sshll.u32 s1, $0x11  }
0xbe: {  	s0 =	sor.u32 s1, s0  }
0xbf: {  	s0 =	sadd.s32 $0x8F2B, s0  }
0xc0: {  	[sflag:s0] =	ssyncadd.remote.s32 $0x1  }
0xc1: {  	_ =	sfence.sel $0xFFFF  }
0xc2: {  	[dreg:$0x0] =	wrdreg $0xFFFFFFFF;
	(pc) =	sbr.abs _section_cstart, $3  }
0xc3: {  	[dreg:$0x1] =	wrdreg $0xFFFFFFFF  }
0xc4: {  	_ =	task.clear_ibuf [dreg:s8], $0x2FFFF;
	_ =	strace $0x9FFFFFFF  }
0xc5: {  	(tm) =	ssettm $0x7FFFFFFF  }
tec
execute0_lowered:
.L_overlay_start_1:
0x0: {  	(tag) =	ssettag $0x1  }
0x1: {  	s5 =	rddreg [dreg:$0x0]  }
0x2: {  	s17 =	rddreg [dreg:$0x1]  }
0x3: {  	s16 =	rddreg [dreg:$0x2]  }
0x4: {  	s1 =	rddreg [dreg:$0x3]  }
0x5: {  	s0 =	rddreg [dreg:$0x4];
	s3 =	simm.s32 $0x0;
	s2 =	stileid.u32  }
0x6: {  	s4 =	srdreg.scid;
	s22 =	simm.s32 $0x100;
	s7 =	smul.u32 $0x50000, s2  }
0x7: {  	[smem:$0x7FF] =	sst s3;
	s12 =	sand.u32 $0x1, s4;
	s9 =	smul.u32 $0x14000, s2  }
0x8: {  	s4 =	sadd.s32 $0x2C00, s5;
	s14 =	sadd.s32 $0x16C00, s5;
	s29 =	smul.u32 $0x2710, s2  }
0x9: {  	_ =	strace $0x8000004A;
	s6 =	ssub.s32 $0x2, s12;
	s13 =	smul.u32 $0x140000, s12  }
0xa: {  	s25 =	smul.u32 $0x27100, s12;
	s8 =	sshrl.u32 s6, $0x1;
	s23 =	sshrl.u32 s7, $0x2  }
0xb: {  	s10 =	sadd.s32 $0x4000, s9;
	s18 =	sadd.s32 $0x8000, s9;
	s19 =	sadd.s32 $0xC000, s9  }
0xc: {  	s20 =	sadd.s32 $0x10000, s9;
	s15 =	ssub.s32 s6, s8;
	s5 =	sadd.s32 s23, s1  }
0xd: {  	s6 =	sadd.s32 s10, s1;
	s7 =	sadd.s32 s18, s1;
	s8 =	sadd.s32 s19, s1  }
0xe: {  	s11 =	sadd.s32 s9, s13;
	s21 =	sadd.s32 s13, s10;
	s9 =	sadd.s32 s20, s1  }
0xf: {  	s18 =	sadd.s32 s13, s18;
	s28 =	sadd.s32 s13, s19;
	s20 =	sadd.s32 s13, s20  }
0x10: {  	s19 =	sadd.s32 s29, s25;
	s23 =	simm.s32 $0x1;
	s11 =	sshrl.u32 s11, $0x3  }
0x11: {  	s24 =	sshrl.u32 s21, $0x3;
	s26 =	sshrl.u32 s18, $0x3;
	s18 =	sshrl.u32 s28, $0x3  }
0x12: {  	s30 =	sshrl.u32 s20, $0x3;
	s15 =	smax.u32 s15, $0x1;
	s31 =	sshrl.u32 s19, $0x3  }
0x13: {  	s19 =	simm.s32 $0x2;
	s20 =	simm.s32 $0x80;
	s21 =	simm.s32 $0x50  }
0x14: {  	s10 =	sadd.s32 s14, s11;
	s11 =	sadd.s32 s14, s24;
	s12 =	sadd.s32 s14, s26  }
0x15: {  	s13 =	sadd.s32 s14, s18;
	s14 =	sadd.s32 s14, s30;
	s16 =	sadd.s32 s31, s16  }
0x16: {  	v0 =	vimm.f32 $0.0e+00;
	s17 =	sadd.s32 s31, s17;
	s18 =	simm.s32 $0x2900;
	s24 =	simm.s32 $0x0  }
.LBB2_1:
0x17: {  	s25 =	simm.s32 $0x0;
	s26 =	simm.s32 $0x200  }
.LBB2_2:
0x18: {  	p0 =	sne.s32 s26, $0xFE00;
	[tilespmem:s25+$0x2970] =	vst v0  }
0x19: {  	[tilespmem:s25+$0x2900] =	vst v0  }
0x1a: {  	[tilespmem:s25+$0x2910] =	vst v0  }
.Ltmp0:
0x1b: {  	[tilespmem:s25+$0x2920] =	vst v0;
	(pc) =	sbr.rel @p0 .LBB2_2-.Ltmp0, $4  }
0x1c: {  	[tilespmem:s25+$0x2930] =	vst v0  }
0x1d: {  	[tilespmem:s25+$0x2940] =	vst v0  }
0x1e: {  	[tilespmem:s25+$0x2950] =	vst v0  }
0x1f: {  	[tilespmem:s25+$0x2960] =	vst v0;
	s25 =	sshra.s32 s26, $0x2;
	s26 =	sadd.s32 $0x200, s26  }
0x20: {  	[tilespmem:s25+$0x2970] =	vst v0  }
0x21: {  	[tilespmem:s25+$0x2900] =	vst v0  }
0x22: {  	[tilespmem:s25+$0x2910] =	vst v0  }
0x23: {  	[tilespmem:s25+$0x2920] =	vst v0  }
0x24: {  	[tilespmem:s25+$0x2930] =	vst v0  }
0x25: {  	[tilespmem:s25+$0x2940] =	vst v0  }
0x26: {  	[tilespmem:s25+$0x2950] =	vst v0  }
0x27: {  	[tilespmem:s25+$0x2960] =	vst v0  }
0x28: {  	[spmem:s5] =	stream.linear.scatter [tilespmem:s18], [sflag:$0x2], $0x4000, $0x38;
	[tilespmem:$0x1A900] =	vst v63  }
0x29: {  	_ =	swait.ge [sflag:s19], $0x4000  }
0x2a: {  	[sflag:s19] =	ssyncset.done $0x0  }
0x2b: {  	[sflag:s19] =	ssyncadd.s32 $0xFFFFC000  }
0x2c: {  	[spmem:s6] =	stream.linear.scatter [tilespmem:s18], [sflag:$0x2], $0x4000, $0x38;
	[tilespmem:$0x1A900] =	vst v63  }
0x2d: {  	_ =	swait.ge [sflag:s19], $0x4000  }
0x2e: {  	[sflag:s19] =	ssyncset.done $0x0  }
0x2f: {  	[sflag:s19] =	ssyncadd.s32 $0xFFFFC000  }
0x30: {  	[spmem:s7] =	stream.linear.scatter [tilespmem:s18], [sflag:$0x2], $0x4000, $0x38;
	[tilespmem:$0x1A900] =	vst v63  }
0x31: {  	_ =	swait.ge [sflag:s19], $0x4000  }
0x32: {  	[sflag:s19] =	ssyncset.done $0x0  }
0x33: {  	[sflag:s19] =	ssyncadd.s32 $0xFFFFC000  }
0x34: {  	[spmem:s8] =	stream.linear.scatter [tilespmem:s18], [sflag:$0x2], $0x4000, $0x38;
	[tilespmem:$0x1A900] =	vst v63  }
0x35: {  	_ =	swait.ge [sflag:s19], $0x4000  }
0x36: {  	[sflag:s19] =	ssyncset.done $0x0  }
0x37: {  	[sflag:s19] =	ssyncadd.s32 $0xFFFFC000  }
0x38: {  	[spmem:s9] =	stream.linear.scatter [tilespmem:s18], [sflag:$0x2], $0x4000, $0x38;
	[tilespmem:$0x1A900] =	vst v63  }
0x39: {  	_ =	swait.ge [sflag:s19], $0x4000  }
0x3a: {  	[sflag:s19] =	ssyncset.done $0x0  }
0x3b: {  	[sflag:s19] =	ssyncadd.s32 $0xFFFFC000  }
0x3c: {  	s30 =	sadd.s32 $0x0, s17;
	[bflag:$0x0] =	sbarrier.arrive $0xFFFF  }
0x3d: {  	[tilespmem:s3], [sflag:$0x2] =	stream.linear.gather [hbm4b:s30+s3], $0x50, $0x38;
	[tilespmem:$0x1A900] =	vst v63  }
0x3e: {  	_ =	swait.ge [sflag:s19], $0x50  }
0x3f: {  	[sflag:s19] =	ssyncset.done $0x0  }
0x40: {  	s31 =	sadd.s32 $0x0, s16;
	[sflag:s19] =	ssyncadd.s32 $0xFFFFFFB0  }
0x41: {  	[tilespmem:s20], [sflag:$0x2] =	stream.linear.gather [hbm4b:s31+s3], $0x50, $0x38;
	[tilespmem:$0x1A900] =	vst v63  }
0x42: {  	_ =	swait.ge [sflag:s19], $0x50  }
0x43: {  	[sflag:s19] =	ssyncset.done $0x0  }
0x44: {  	[sflag:s19] =	ssyncadd.s32 $0xFFFFFFB0  }
0x45: {  	[tilespmem:s22], [sflag:$0x1] =	stream.indirect.gather [hbm4b:s4+s21], $0x80, s3, s21, $0xb8;
	[tilespmem:$0x1A900] =	vst v63  }
0x46: {  	_ =	swait.ge [sflag:s23], $0x2800  }
0x47: {  	[sflag:s23] =	ssyncset.done $0x0  }
0x48: {  	[sflag:s23] =	ssyncadd.s32 $0xFFFFD800  }
0x49: {  	[spmem:s1] =	stream.indirect.scatter.add.f32 [tilespmem:s22], [sflag:$0x2], $0x80, s20, s21, $0xb8;
	[tilespmem:$0x1A900] =	vst v63  }
0x4a: {  	_ =	swait.ge [sflag:s19], $0x2800  }
0x4b: {  	s25 =	simm.s32 $0xA;
	s26 =	simm.s32 $0x14;
	[sflag:s19] =	ssyncset.done $0x0  }
.LBB2_4:
0x4c: {  	s28 =	sadd.s32 s25, s17  }
0x4d: {  	[sflag:s19] =	ssyncadd.s32 $0xFFFFD800;
	s29 =	smov.u32 s26;
	s30 =	sadd.s32 $0xA, s26  }
0x4e: {  	[tilespmem:s3], [sflag:$0x2] =	stream.linear.gather [hbm4b:s28+s3], $0x50, $0x38;
	[tilespmem:$0x1A900] =	vst v63  }
0x4f: {  	p0 =	sne.s32 s26, $0x4D8;
	_ =	swait.ge [sflag:s19], $0x50  }
0x50: {  	[sflag:s19] =	ssyncset.done $0x0  }
0x51: {  	s26 =	sadd.s32 s25, s16;
	s25 =	smov.u32 s29;
	[sflag:s19] =	ssyncadd.s32 $0xFFFFFFB0  }
0x52: {  	[tilespmem:s20], [sflag:$0x2] =	stream.linear.gather [hbm4b:s26+s3], $0x50, $0x38;
	[tilespmem:$0x1A900] =	vst v63  }
0x53: {  	_ =	swait.ge [sflag:s19], $0x50  }
0x54: {  	[sflag:s19] =	ssyncset.done $0x0  }
0x55: {  	[sflag:s19] =	ssyncadd.s32 $0xFFFFFFB0  }
0x56: {  	[tilespmem:s22], [sflag:$0x1] =	stream.indirect.gather [hbm4b:s4+s21], $0x80, s3, s21, $0xb8;
	[tilespmem:$0x1A900] =	vst v63  }
0x57: {  	_ =	swait.ge [sflag:s23], $0x2800  }
.Ltmp1:
0x58: {  	[sflag:s23] =	ssyncset.done $0x0;
	(pc) =	sbr.rel @p0 .LBB2_4-.Ltmp1, $4  }
0x59: {  	[sflag:s23] =	ssyncadd.s32 $0xFFFFD800  }
0x5a: {  	[spmem:s1] =	stream.indirect.scatter.add.f32 [tilespmem:s22], [sflag:$0x2], $0x80, s20, s21, $0xb8;
	[tilespmem:$0x1A900] =	vst v63  }
0x5b: {  	_ =	swait.ge [sflag:s19], $0x2800  }
0x5c: {  	s26 =	smov.u32 s30;
	[sflag:s19] =	ssyncset.done $0x0  }
0x5d: {  	s26 =	sadd.s32 s25, s17;
	[sflag:s19] =	ssyncadd.s32 $0xFFFFD800  }
0x5e: {  	[tilespmem:s3], [sflag:$0x2] =	stream.linear.gather [hbm4b:s26+s3], $0x50, $0x38;
	[tilespmem:$0x1A900] =	vst v63  }
0x5f: {  	_ =	swait.ge [sflag:s19], $0x50  }
0x60: {  	[sflag:s19] =	ssyncset.done $0x0  }
0x61: {  	s29 =	sadd.s32 s25, s16;
	[sflag:s19] =	ssyncadd.s32 $0xFFFFFFB0  }
0x62: {  	[tilespmem:s20], [sflag:$0x2] =	stream.linear.gather [hbm4b:s29+s3], $0x50, $0x38;
	[tilespmem:$0x1A900] =	vst v63  }
0x63: {  	_ =	swait.ge [sflag:s19], $0x50  }
0x64: {  	[sflag:s19] =	ssyncset.done $0x0  }
0x65: {  	[sflag:s19] =	ssyncadd.s32 $0xFFFFFFB0  }
0x66: {  	[tilespmem:s22], [sflag:$0x1] =	stream.indirect.gather [hbm4b:s4+s21], $0x80, s3, s21, $0xb8;
	[tilespmem:$0x1A900] =	vst v63  }
0x67: {  	_ =	swait.ge [sflag:s23], $0x2800  }
0x68: {  	[sflag:s23] =	ssyncset.done $0x0  }
0x69: {  	[sflag:s23] =	ssyncadd.s32 $0xFFFFD800  }
0x6a: {  	[spmem:s1] =	stream.indirect.scatter.add.f32 [tilespmem:s22], [sflag:$0x2], $0x80, s20, s21, $0xb8;
	[tilespmem:$0x1A900] =	vst v63  }
0x6b: {  	_ =	swait.ge [sflag:s19], $0x2800  }
0x6c: {  	[sflag:s19] =	ssyncset.done $0x0  }
0x6d: {  	s30 =	sshll.u32 s2, $0x6;
	[sflag:s19] =	ssyncadd.s32 $0xFFFFD800  }
0x6e: {  	s31 =	sshrl.u32 s5, $0x3;
	s25 =	sor.u32 $0x1C02, s30;
	[bflag:$0x0] =	sbarrier.arrive $0xFFFF  }
0x6f: {  	[hbm:s10], [sflag:s25] =	dma.local [spmem:s31], $0x800  }
0x70: {  	_ =	swait.ge [sflag:s19], $0x800  }
0x71: {  	[sflag:s19] =	ssyncset.done $0x0  }
0x72: {  	s28 =	sshrl.u32 s6, $0x3;
	[sflag:s19] =	ssyncadd.s32 $0xFFFFF800  }
0x73: {  	[hbm:s11], [sflag:s25] =	dma.local [spmem:s28], $0x800  }
0x74: {  	_ =	swait.ge [sflag:s19], $0x800  }
0x75: {  	[sflag:s19] =	ssyncset.done $0x0  }
0x76: {  	s29 =	sshrl.u32 s7, $0x3;
	[sflag:s19] =	ssyncadd.s32 $0xFFFFF800  }
0x77: {  	[hbm:s12], [sflag:s25] =	dma.local [spmem:s29], $0x800  }
0x78: {  	_ =	swait.ge [sflag:s19], $0x800  }
0x79: {  	[sflag:s19] =	ssyncset.done $0x0  }
0x7a: {  	s30 =	sshrl.u32 s8, $0x3;
	[sflag:s19] =	ssyncadd.s32 $0xFFFFF800  }
0x7b: {  	[hbm:s13], [sflag:s25] =	dma.local [spmem:s30], $0x800  }
0x7c: {  	s24 =	sadd.s32 $0x1, s24;
	_ =	swait.ge [sflag:s19], $0x800  }
0x7d: {  	p0 =	sne.s32 s24, s15;
	[sflag:s19] =	ssyncset.done $0x0  }
.Ltmp2:
0x7e: {  	s31 =	sshrl.u32 s9, $0x3;
	[sflag:s19] =	ssyncadd.s32 $0xFFFFF800;
	(pc) =	sbr.rel @p0 .LBB2_1-.Ltmp2, $4  }
0x7f: {  	[hbm:s14], [sflag:s25] =	dma.local [spmem:s31], $0x800  }
0x80: {  	_ =	swait.ge [sflag:s19], $0x800  }
0x81: {  	[sflag:s19] =	ssyncset.done $0x0  }
0x82: {  	[sflag:s19] =	ssyncadd.s32 $0xFFFFF800  }
0x83: {  	_ =	sfence.sel $0x180000  }
0x84: {  	[bflag:$0x0] =	sbarrier.arrive $0xFFFF  }
0x85: {  	p0 =	sne.s32 s2, $0x0;
	_ =	strace $0x9000004A  }
0x86: {  	s0 =	sadd.s32 @!p0 $0x100000, s0;
	[bflag:$0x2] =	sbarrier.arrive $0xFFFF  }
0x87: {  	[sflag:s0] =	ssyncadd.tile.s32 @!p0 $0x1;
	_ =	shalt  }
.Lfunc_end2:
_tile_overlayer_lowered:
.L_overlay_start_2:
0x88: {  	(tag) =	ssettag $0x2  }
0x89: {  	s0 =	rddreg [dreg:$0x0];
	s2 =	stileid.u32  }
0x8a: {  	s1 =	rddreg [dreg:$0x1];
	p0 =	sne.s32 s2, $0x0  }
0x8b: {  	s3 =	rddreg [dreg:$0x2];
	[bflag:$0x3] =	sbarrier.arrive $0xFFFF;
	s2 =	simm.s32 @!p0 $0x1C02  }
0x8c: {  	[timem:s3], [sflag:s2] =	dma.local @!p0 [hbm:s0], s1  }
0x8d: {  	s0 =	simm.s32 @!p0 $0x2  }
0x8e: {  	_ =	swait.ge @!p0 [sflag:s0], s1  }
0x8f: {  	s1 =	ssub.s32 @!p0 $0x0, s1;
	[sflag:s0] =	ssyncset.done @!p0 $0x0  }
0x90: {  	[sflag:s0] =	ssyncadd.s32 @!p0 s1  }
0x91: {  	[bflag:$0x3] =	sbarrier.arrive $0xFFFF  }
0x92: {  	_ =	shalt  }

// kernel: kernel.16.cloned.1.call-start
scs
__scs_entry_jumppad:
0x0: {  	(pc) =	sbr.rel $0x88, $3  }
0x1: {  	(tag) =	ssettag $0x0;
	lr =	simm.s32 $0x1  }
0x2: {  	[smem:$0x3F98] =	sst lr;
	_ =	strace $0xD0000000  }
0x3: {  	_ = 	snop  }
0x4: {  	_ = 	snop  }
0x5: {  	_ = 	snop  }
0x6: {  	_ = 	snop  }
0x7: {  	_ = 	snop  }
__scs_overlays_trampoline_lowered:
0x8: {  	[smem:$0x3FA7] =	sst s0  }
0x9: {  	[smem:$0x3FA8] =	sst s1  }
0xa: {  	[smem:$0x3FA9] =	sst s2  }
0xb: {  	[smem:$0x3FAA] =	sst s3  }
0xc: {  	[smem:$0x3FAB] =	sst s4  }
0xd: {  	[smem:$0x3FAC] =	sst s5  }
0xe: {  	[smem:$0x3FAD] =	sst s6  }
0xf: {  	[smem:$0x3FAE] =	sst s7  }
0x10: {  	[smem:$0x3FAF] =	sst s8  }
0x11: {  	[smem:$0x3FB0] =	sst s9;
	s0 =	simm.s32 @!p0 $0x0  }
0x12: {  	s1 =	sld [smem:$0x3F96];
	s0 =	simm.s32 @p0 $0x1  }
0x13: {  	[smem:$0x3FB1] =	sst s0;
	s0 =	simm.s32 @!p1 $0x0  }
0x14: {  	s2 =	sld [smem:$0x3F95];
	s0 =	simm.s32 @p1 $0x1  }
0x15: {  	[smem:$0x3FB2] =	sst s0;
	s0 =	simm.s32 @!p2 $0x0  }
0x16: {  	s3 =	sld [smem:$0x3FDB];
	s0 =	simm.s32 @p2 $0x1  }
0x17: {  	s4 =	simm.s32 $0x1BF5;
	[smem:$0x3FB4] =	sst s0  }
0x18: {  	s0 =	sld [smem:$0x3F97];
	_ =	swait.ge [sflag:s4], $0x0  }
0x19: {  	s7 =	sld [smem:$0x3F98]  }
0x1a: {  	s8 =	sadd.s32 $0xFFFFE003, lr  }
0x1b: {  	s9 =	sadd.s32 $0xFFFFFEF7, lr;
	s5 =	simm.s32 $0xFFFFFFFF;
	p2 =	slt.u32 s8, $0xFFFFF086  }
0x1c: {  	p1 =	slt.u32 s9, $0xF7A;
	s5 =	simm.s32 @!p2 $0x0  }
0x1d: {  	s5 =	simm.s32 @p1 $0x1;
	p0 =	seq.s32 s7, s2  }
0x1e: {  	s7 =	smul.u32 @!p0 $0xF7A, s2;
	p2 =	seq.s32 @!p0 s5, $0x0  }
0x1f: {  	s9 =	smul.u32 $0xF7A, s1;
	s8 =	simm.s32 @!p0 $0x1BF5;
	p2 =	por !p2, p0  }
0x20: {  	[sflag:s8] =	ssyncset.s32 @!p0 $0xFFFFF086;
	s6 =	sadd.s32 @!p0 s3, s7;
	s7 =	simm.s32 @!p0 $0x108  }
0x21: {  	s3 =	sadd.s32 s3, s9;
	s6 =	sadd.s32 @!p0 $0x88, s6;
	s7 =	simm.s32 @p2 $0x1082  }
0x22: {  	[simem:s7], [sflag:s8] =	dma.local @!p0 [hbm:s6], $0xF7A  }
0x23: {  	s9 =	sor.u32 $0xD0000000, s2;
	s6 =	simm.s32 $0x108;
	_ =	swait.ge @!p0 [sflag:s8], $0x0  }
0x24: {  	s3 =	sadd.s32 $0x88, s3;
	s6 =	simm.s32 @!p1 $0x1082;
	[sflag:s4] =	ssyncset.s32 $0xFFFFF086  }
0x25: {  	[simem:s6], [sflag:s4] =	dma.local [hbm:s3], $0xF7A  }
0x26: {  	[smem:$0x3F98] =	sst s1;
	(tag) =	ssettag s2;
	_ =	strace s9  }
0x27: {  	s1 =	sld [smem:$0x3FA8]  }
0x28: {  	s2 =	sld [smem:$0x3FA9]  }
0x29: {  	s4 =	sld [smem:$0x3FAB]  }
0x2a: {  	p0 =	seq.s32 s5, $0x0;
	s5 =	sld [smem:$0x3FAC]  }
0x2b: {  	s6 =	sld [smem:$0x3FAD]  }
0x2c: {  	s7 =	sld [smem:$0x3FAE]  }
0x2d: {  	s3 =	simm.s32 $0x108;
	s8 =	sld [smem:$0x3FAF]  }
0x2e: {  	s3 =	simm.s32 @!p0 $0x1082;
	s9 =	sld [smem:$0x3FB0]  }
0x2f: {  	lr =	sadd.s32 s0, s3;
	s0 =	sld [smem:$0x3FA7]  }
0x30: {  	s3 =	sld [smem:$0x3FAA]  }
0x31: {  	[smem:$0x3FB3] =	sst s10  }
0x32: {  	s10 =	sld [smem:$0x3FB1];
	_ =	sdelay $0x3  }
0x33: {  	p0 =	seq.s32 s10, $0x1;
	s10 =	sld [smem:$0x3FB3];
	_ =	sdelay $0x3  }
0x34: {  	[smem:$0x3FB3] =	sst s10  }
0x35: {  	s10 =	sld [smem:$0x3FB2];
	_ =	sdelay $0x3  }
0x36: {  	p1 =	seq.s32 s10, $0x1;
	s10 =	sld [smem:$0x3FB3];
	_ =	sdelay $0x3  }
0x37: {  	[smem:$0x3FB3] =	sst s10  }
0x38: {  	s10 =	sld [smem:$0x3FB4]  }
0x39: {  	_ = 	snop;
	(pc) =	sbr.ind lr, $3  }
0x3a: {  	_ = 	snop  }
0x3b: {  	_ = 	snop  }
0x3c: {  	p2 =	seq.s32 s10, $0x1;
	s10 =	sld [smem:$0x3FB3]  }
0x3d: {  	_ =	shalt  }
0x3e: {  	_ =	shalt  }
0x3f: {  	_ =	shalt  }
0x40: {  	_ =	shalt  }
0x41: {  	_ =	shalt  }
0x42: {  	_ =	shalt  }
0x43: {  	_ =	shalt  }
0x44: {  	_ =	shalt  }
0x45: {  	_ =	shalt  }
0x46: {  	_ =	shalt  }
0x47: {  	_ =	shalt  }
0x48: {  	_ =	shalt  }
0x49: {  	_ =	shalt  }
0x4a: {  	_ =	shalt  }
0x4b: {  	_ =	shalt  }
0x4c: {  	_ =	shalt  }
0x4d: {  	_ =	shalt  }
0x4e: {  	_ =	shalt  }
0x4f: {  	_ =	shalt  }
0x50: {  	_ =	shalt  }
0x51: {  	_ =	shalt  }
0x52: {  	_ =	shalt  }
0x53: {  	_ =	shalt  }
0x54: {  	_ =	shalt  }
0x55: {  	_ =	shalt  }
0x56: {  	_ =	shalt  }
0x57: {  	_ =	shalt  }
0x58: {  	_ =	shalt  }
0x59: {  	_ =	shalt  }
0x5a: {  	_ =	shalt  }
0x5b: {  	_ =	shalt  }
0x5c: {  	_ =	shalt  }
0x5d: {  	_ =	shalt  }
0x5e: {  	_ =	shalt  }
0x5f: {  	_ =	shalt  }
0x60: {  	_ =	shalt  }
0x61: {  	_ =	shalt  }
0x62: {  	_ =	shalt  }
0x63: {  	_ =	shalt  }
0x64: {  	_ =	shalt  }
0x65: {  	_ =	shalt  }
0x66: {  	_ =	shalt  }
0x67: {  	_ =	shalt  }
0x68: {  	_ =	shalt  }
0x69: {  	_ =	shalt  }
0x6a: {  	_ =	shalt  }
0x6b: {  	_ =	shalt  }
0x6c: {  	_ =	shalt  }
0x6d: {  	_ =	shalt  }
0x6e: {  	_ =	shalt  }
0x6f: {  	_ =	shalt  }
0x70: {  	_ =	shalt  }
0x71: {  	_ =	shalt  }
0x72: {  	_ =	shalt  }
0x73: {  	_ =	shalt  }
0x74: {  	_ =	shalt  }
0x75: {  	_ =	shalt  }
0x76: {  	_ =	shalt  }
0x77: {  	_ =	shalt  }
0x78: {  	_ =	shalt  }
0x79: {  	_ =	shalt  }
0x7a: {  	_ =	shalt  }
0x7b: {  	_ =	shalt  }
0x7c: {  	_ =	shalt  }
0x7d: {  	_ =	shalt  }
0x7e: {  	_ =	shalt  }
0x7f: {  	_ =	shalt  }
0x80: {  	_ =	shalt  }
0x81: {  	_ =	shalt  }
0x82: {  	_ =	shalt  }
0x83: {  	_ =	shalt  }
0x84: {  	_ =	shalt  }
0x85: {  	_ =	shalt  }
0x86: {  	_ =	shalt  }
0x87: {  	_ =	shalt  }
.Lfunc_end0:
.L_simem_size_0:
called_computation.2_lowered:
.L_overlay_start_0:
0x88: {  	s2 =	sld [smem:$0x3FD9]  }
0x89: {  	s3 =	sld [smem:$0x3FFE];
	_ =	sdelay $0x1  }
0x8a: {  	s1 =	srdreg.scid  }
0x8b: {  	s0 =	sand.u32 $0x1, s1  }
0x8c: {  	s17 =	sshll.u32 s0, $0xA;
	s2 =	sadd.s32 s3, s2  }
0x8d: {  	s2 =	sadd.s32 s2, s17  }
0x8e: {  	[smem:$0x3FBF] =	sst s2  }
0x8f: {  	_ = 	snop  }
0x90: {  	s2 =	sld [smem:$0x3FC8]  }
0x91: {  	s18 =	sld [smem:$0x3FC7];
	(tm) =	ssettm $0x1  }
0x92: {  	s4 =	sld [smem:$0x3FFB];
	_ =	sdelay $0x3  }
0x93: {  	_ =	strace s4  }
0x94: {  	s4 =	sld [smem:$0x3FFC];
	_ =	sdelay $0x3  }
0x95: {  	_ =	strace s4  }
0x96: {  	s4 =	sld [smem:$0x3FFD];
	_ =	sdelay $0x3  }
0x97: {  	_ =	strace s4  }
0x98: {  	_ =	strace $0x8FFFFFFF  }
0x99: {  	s19 =	sld [smem:$0x3FDB];
	_ =	sdelay $0x1  }
0x9a: {  	s5 =	simm.s32 $_scs_section_size  }
0x9b: {  	s6 =	simm.s32 $_size__tile_overlayer_lowered;
	s7 =	simm.s32 $_tile_overlayer_lowered  }
0x9c: {  	s22 =	simm.s32 $0x1BFF;
	s21 =	sshll.u32 s7, $0x1;
	s4 =	sadd.s32 s5, s19  }
0x9d: {  	s8 =	simm.s32 $0x0;
	s20 =	sshll.u32 s6, $0x1;
	s6 =	sadd.s32 s21, s4  }
0x9e: {  	[timem:s8], [sflag:s22] =	dma.local [hbm:s6], s20  }
0x9f: {  	_ =	swait.ge [sflag:s22], s20  }
0xa0: {  	s5 =	ssub.s32 $0x0, s20;
	[sflag:s22] =	ssyncset.done $0x0  }
0xa1: {  	[sflag:s22] =	ssyncadd.s32 s5;
	_ =	sdelay $0x1  }
0xa2: {  	s23 =	simm.s32 $0x1B8B  }
0xa3: {  	_ =	swait.ge [sflag:s23], $0x1  }
0xa4: {  	[sflag:s23] =	ssyncset.done $0x0  }
0xa5: {  	s25 =	simm.s32 $0x1B8E;
	s24 =	sld [smem:$0x3FFE];
	[sflag:s23] =	ssyncadd.s32 $0xFFFFFFFF  }
0xa6: {  	s26 =	simm.s32 $execute0_lowered;
	[smem:$0x3FD2] =	sst s25  }
0xa7: {  	s6 =	sshll.u32 s26, $0x1;
	_ =	strace $0x8000004C;
	[dreg:$0x1] =	wrdreg $0xFFFFFFFF  }
0xa8: {  	s28 =	simm.s32 $_size_execute0_lowered;
	s4 =	sadd.s32 s4, s6;
	[dreg:$0x0] =	wrdreg $0x0  }
0xa9: {  	s6 =	sshll.u32 s28, $0x1;
	[dreg:$0x2] =	wrdreg s4  }
0xaa: {  	[dreg:$0x3] =	wrdreg s6  }
0xab: {  	[dreg:$0x4] =	wrdreg $0xC0  }
0xac: {  	_ =	task [dreg:s8], $0x5FFFF  }
0xad: {  	[dreg:$0x1] =	wrdreg $0xFFFFFFFF  }
0xae: {  	[dreg:$0x0] =	wrdreg $0x60  }
0xaf: {  	[dreg:$0x2] =	wrdreg s24  }
0xb0: {  	[dreg:$0x3] =	wrdreg s2  }
0xb1: {  	[dreg:$0x4] =	wrdreg s18  }
0xb2: {  	[dreg:$0x5] =	wrdreg $0x69000  }
0xb3: {  	[dreg:$0x6] =	wrdreg $0x9  }
0xb4: {  	_ =	task.clear_ibuf [dreg:s8], $0x7FFFF;
	_ =	strace $0x9000004C  }
0xb5: {  	s29 =	simm.s32 $0x9;
	_ =	strace $0x8000004E  }
0xb6: {  	_ =	swait.ge [sflag:s29], $0x1  }
0xb7: {  	[sflag:s29] =	ssyncadd.s32 $0xFFFFFFFF  }
0xb8: {  	_ =	strace $0x9000004E  }
0xb9: {  	_ =	sfence  }
0xba: {  	s30 =	sld [smem:$0x0];
	_ =	sdelay $0x2  }
0xbb: {  	s31 =	sshll.u32 s1, $0xD;
	s1 =	sshrl.u32 s1, $0x2  }
0xbc: {  	s3 =	sand.u32 $0x4000, s31;
	s1 =	sadd.s32 s1, s30  }
0xbd: {  	s0 =	sor.u32 s3, s0;
	s1 =	sshll.u32 s1, $0x11  }
0xbe: {  	s0 =	sor.u32 s1, s0  }
0xbf: {  	s0 =	sadd.s32 $0x8F2B, s0  }
0xc0: {  	[sflag:s0] =	ssyncadd.remote.s32 $0x1  }
0xc1: {  	_ =	sfence.sel $0xFFFF  }
0xc2: {  	[dreg:$0x0] =	wrdreg $0xFFFFFFFF;
	(pc) =	sbr.abs _section_cstart, $3  }
0xc3: {  	[dreg:$0x1] =	wrdreg $0xFFFFFFFF  }
0xc4: {  	_ =	task.clear_ibuf [dreg:s8], $0x2FFFF;
	_ =	strace $0x9FFFFFFF  }
0xc5: {  	(tm) =	ssettm $0x7FFFFFFF  }
tec
execute0_lowered:
.L_overlay_start_1:
0x0: {  	(tag) =	ssettag $0x1  }
0x1: {  	s5 =	rddreg [dreg:$0x0]  }
0x2: {  	s13 =	rddreg [dreg:$0x1]  }
0x3: {  	s12 =	rddreg [dreg:$0x2]  }
0x4: {  	s2 =	rddreg [dreg:$0x3]  }
0x5: {  	s0 =	rddreg [dreg:$0x4];
	s4 =	srdreg.scid  }
0x6: {  	s3 =	simm.s32 $0x0;
	s1 =	stileid.u32;
	s18 =	simm.s32 $0x100  }
0x7: {  	s19 =	simm.s32 $0x1;
	s20 =	simm.s32 $0x0;
	s7 =	smul.u32 $0x28000, s1  }
0x8: {  	s8 =	sand.u32 $0x1, s4;
	[smem:$0x7FF] =	sst s3;
	s10 =	smul.u32 $0xA000, s1  }
0x9: {  	s4 =	sadd.s32 $0x2C00, s5;
	s11 =	sadd.s32 $0x2AC00, s5;
	s29 =	smul.u32 $0x2710, s1  }
0xa: {  	s6 =	ssub.s32 $0x2, s8;
	_ =	strace $0x8000004D;
	s15 =	smul.u32 $0xA0000, s8  }
0xb: {  	s17 =	smul.u32 $0x27100, s8;
	s9 =	sshrl.u32 s6, $0x1;
	s25 =	sshrl.u32 s7, $0x2  }
0xc: {  	s26 =	sadd.s32 $0x4000, s10;
	s16 =	sadd.s32 $0x8000, s10;
	s14 =	ssub.s32 s6, s9  }
0xd: {  	s5 =	sadd.s32 s25, s2;
	s6 =	sadd.s32 s26, s2;
	s7 =	sadd.s32 s16, s2  }
0xe: {  	s10 =	sadd.s32 s10, s15;
	s9 =	sadd.s32 s15, s26;
	s15 =	sadd.s32 s15, s16  }
0xf: {  	s30 =	sadd.s32 s29, s17;
	s16 =	simm.s32 $0x80;
	s17 =	simm.s32 $0x50  }
0x10: {  	s28 =	sshrl.u32 s10, $0x3;
	s9 =	sshrl.u32 s9, $0x3;
	s15 =	sshrl.u32 s15, $0x3  }
0x11: {  	s31 =	sshrl.u32 s30, $0x3;
	s8 =	sadd.s32 s11, s28;
	s9 =	sadd.s32 s11, s9  }
0x12: {  	s10 =	sadd.s32 s11, s15;
	s11 =	smax.u32 s14, $0x1;
	s12 =	sadd.s32 s31, s12  }
0x13: {  	v0 =	vimm.f32 $0.0e+00;
	s13 =	sadd.s32 s31, s13;
	s14 =	simm.s32 $0x2900;
	s15 =	simm.s32 $0x2  }
.LBB2_1:
0x14: {  	s21 =	simm.s32 $0x0;
	s22 =	simm.s32 $0x200  }
.LBB2_2:
0x15: {  	p0 =	sne.s32 s22, $0xFE00;
	[tilespmem:s21+$0x2970] =	vst v0  }
0x16: {  	[tilespmem:s21+$0x2900] =	vst v0  }
0x17: {  	[tilespmem:s21+$0x2910] =	vst v0  }
.Ltmp0:
0x18: {  	[tilespmem:s21+$0x2920] =	vst v0;
	(pc) =	sbr.rel @p0 .LBB2_2-.Ltmp0, $4  }
0x19: {  	[tilespmem:s21+$0x2930] =	vst v0  }
0x1a: {  	[tilespmem:s21+$0x2940] =	vst v0  }
0x1b: {  	[tilespmem:s21+$0x2950] =	vst v0  }
0x1c: {  	[tilespmem:s21+$0x2960] =	vst v0;
	s21 =	sshra.s32 s22, $0x2;
	s22 =	sadd.s32 $0x200, s22  }
0x1d: {  	[tilespmem:s21+$0x2970] =	vst v0  }
0x1e: {  	[tilespmem:s21+$0x2900] =	vst v0  }
0x1f: {  	[tilespmem:s21+$0x2910] =	vst v0  }
0x20: {  	[tilespmem:s21+$0x2920] =	vst v0  }
0x21: {  	[tilespmem:s21+$0x2930] =	vst v0  }
0x22: {  	[tilespmem:s21+$0x2940] =	vst v0  }
0x23: {  	[tilespmem:s21+$0x2950] =	vst v0  }
0x24: {  	[tilespmem:s21+$0x2960] =	vst v0  }
0x25: {  	[spmem:s5] =	stream.linear.scatter [tilespmem:s14], [sflag:$0x2], $0x4000, $0x38;
	[tilespmem:$0x10900] =	vst v63  }
0x26: {  	_ =	swait.ge [sflag:s15], $0x4000  }
0x27: {  	[sflag:s15] =	ssyncset.done $0x0  }
0x28: {  	[sflag:s15] =	ssyncadd.s32 $0xFFFFC000  }
0x29: {  	[spmem:s6] =	stream.linear.scatter [tilespmem:s14], [sflag:$0x2], $0x4000, $0x38;
	[tilespmem:$0x10900] =	vst v63  }
0x2a: {  	_ =	swait.ge [sflag:s15], $0x4000  }
0x2b: {  	[sflag:s15] =	ssyncset.done $0x0  }
0x2c: {  	[sflag:s15] =	ssyncadd.s32 $0xFFFFC000  }
0x2d: {  	[spmem:s7] =	stream.linear.scatter [tilespmem:s14], [sflag:$0x2], $0x2000, $0x38;
	[tilespmem:$0x10900] =	vst v63  }
0x2e: {  	_ =	swait.ge [sflag:s15], $0x2000  }
0x2f: {  	[sflag:s15] =	ssyncset.done $0x0  }
0x30: {  	[sflag:s15] =	ssyncadd.s32 $0xFFFFE000  }
0x31: {  	s30 =	sadd.s32 $0x0, s13;
	[bflag:$0x0] =	sbarrier.arrive $0xFFFF  }
0x32: {  	[tilespmem:s3], [sflag:$0x2] =	stream.linear.gather [hbm4b:s30+s3], $0x50, $0x38;
	[tilespmem:$0x10900] =	vst v63  }
0x33: {  	_ =	swait.ge [sflag:s15], $0x50  }
0x34: {  	[sflag:s15] =	ssyncset.done $0x0  }
0x35: {  	s31 =	sadd.s32 $0x0, s12;
	[sflag:s15] =	ssyncadd.s32 $0xFFFFFFB0  }
0x36: {  	[tilespmem:s16], [sflag:$0x2] =	stream.linear.gather [hbm4b:s31+s3], $0x50, $0x38;
	[tilespmem:$0x10900] =	vst v63  }
0x37: {  	_ =	swait.ge [sflag:s15], $0x50  }
0x38: {  	[sflag:s15] =	ssyncset.done $0x0  }
0x39: {  	[sflag:s15] =	ssyncadd.s32 $0xFFFFFFB0  }
0x3a: {  	[tilespmem:s18], [sflag:$0x1] =	stream.indirect.gather [hbm4b:s4+s17], $0x80, s3, s17, $0xb8;
	[tilespmem:$0x10900] =	vst v63  }
0x3b: {  	_ =	swait.ge [sflag:s19], $0x2800  }
0x3c: {  	[sflag:s19] =	ssyncset.done $0x0  }
0x3d: {  	[sflag:s19] =	ssyncadd.s32 $0xFFFFD800  }
0x3e: {  	[spmem:s2] =	stream.indirect.scatter.add.f32 [tilespmem:s18], [sflag:$0x2], $0x80, s16, s17, $0xb8;
	[tilespmem:$0x10900] =	vst v63  }
0x3f: {  	_ =	swait.ge [sflag:s15], $0x2800  }
0x40: {  	s21 =	simm.s32 $0xA;
	s22 =	simm.s32 $0x14;
	[sflag:s15] =	ssyncset.done $0x0  }
.LBB2_4:
0x41: {  	s23 =	sadd.s32 s21, s13  }
0x42: {  	[sflag:s15] =	ssyncadd.s32 $0xFFFFD800;
	s24 =	smov.u32 s22;
	s25 =	sadd.s32 $0xA, s22  }
0x43: {  	[tilespmem:s3], [sflag:$0x2] =	stream.linear.gather [hbm4b:s23+s3], $0x50, $0x38;
	[tilespmem:$0x10900] =	vst v63  }
0x44: {  	p0 =	sne.s32 s22, $0x4D8;
	_ =	swait.ge [sflag:s15], $0x50  }
0x45: {  	[sflag:s15] =	ssyncset.done $0x0  }
0x46: {  	s22 =	sadd.s32 s21, s12;
	s21 =	smov.u32 s24;
	[sflag:s15] =	ssyncadd.s32 $0xFFFFFFB0  }
0x47: {  	[tilespmem:s16], [sflag:$0x2] =	stream.linear.gather [hbm4b:s22+s3], $0x50, $0x38;
	[tilespmem:$0x10900] =	vst v63  }
0x48: {  	_ =	swait.ge [sflag:s15], $0x50  }
0x49: {  	[sflag:s15] =	ssyncset.done $0x0  }
0x4a: {  	[sflag:s15] =	ssyncadd.s32 $0xFFFFFFB0  }
0x4b: {  	[tilespmem:s18], [sflag:$0x1] =	stream.indirect.gather [hbm4b:s4+s17], $0x80, s3, s17, $0xb8;
	[tilespmem:$0x10900] =	vst v63  }
0x4c: {  	_ =	swait.ge [sflag:s19], $0x2800  }
.Ltmp1:
0x4d: {  	[sflag:s19] =	ssyncset.done $0x0;
	(pc) =	sbr.rel @p0 .LBB2_4-.Ltmp1, $4  }
0x4e: {  	[sflag:s19] =	ssyncadd.s32 $0xFFFFD800  }
0x4f: {  	[spmem:s2] =	stream.indirect.scatter.add.f32 [tilespmem:s18], [sflag:$0x2], $0x80, s16, s17, $0xb8;
	[tilespmem:$0x10900] =	vst v63  }
0x50: {  	_ =	swait.ge [sflag:s15], $0x2800  }
0x51: {  	s22 =	smov.u32 s25;
	[sflag:s15] =	ssyncset.done $0x0  }
0x52: {  	s22 =	sadd.s32 s21, s13;
	[sflag:s15] =	ssyncadd.s32 $0xFFFFD800  }
0x53: {  	[tilespmem:s3], [sflag:$0x2] =	stream.linear.gather [hbm4b:s22+s3], $0x50, $0x38;
	[tilespmem:$0x10900] =	vst v63  }
0x54: {  	_ =	swait.ge [sflag:s15], $0x50  }
0x55: {  	[sflag:s15] =	ssyncset.done $0x0  }
0x56: {  	s26 =	sadd.s32 s21, s12;
	[sflag:s15] =	ssyncadd.s32 $0xFFFFFFB0  }
0x57: {  	[tilespmem:s16], [sflag:$0x2] =	stream.linear.gather [hbm4b:s26+s3], $0x50, $0x38;
	[tilespmem:$0x10900] =	vst v63  }
0x58: {  	_ =	swait.ge [sflag:s15], $0x50  }
0x59: {  	[sflag:s15] =	ssyncset.done $0x0  }
0x5a: {  	[sflag:s15] =	ssyncadd.s32 $0xFFFFFFB0  }
0x5b: {  	[tilespmem:s18], [sflag:$0x1] =	stream.indirect.gather [hbm4b:s4+s17], $0x80, s3, s17, $0xb8;
	[tilespmem:$0x10900] =	vst v63  }
0x5c: {  	_ =	swait.ge [sflag:s19], $0x2800  }
0x5d: {  	[sflag:s19] =	ssyncset.done $0x0  }
0x5e: {  	[sflag:s19] =	ssyncadd.s32 $0xFFFFD800  }
0x5f: {  	[spmem:s2] =	stream.indirect.scatter.add.f32 [tilespmem:s18], [sflag:$0x2], $0x80, s16, s17, $0xb8;
	[tilespmem:$0x10900] =	vst v63  }
0x60: {  	_ =	swait.ge [sflag:s15], $0x2800  }
0x61: {  	[sflag:s15] =	ssyncset.done $0x0  }
0x62: {  	s28 =	sshll.u32 s1, $0x6;
	[sflag:s15] =	ssyncadd.s32 $0xFFFFD800  }
0x63: {  	s29 =	sshrl.u32 s5, $0x3;
	s21 =	sor.u32 $0x1C02, s28;
	[bflag:$0x0] =	sbarrier.arrive $0xFFFF  }
0x64: {  	[hbm:s8], [sflag:s21] =	dma.local [spmem:s29], $0x800  }
0x65: {  	_ =	swait.ge [sflag:s15], $0x800  }
0x66: {  	[sflag:s15] =	ssyncset.done $0x0  }
0x67: {  	s30 =	sshrl.u32 s6, $0x3;
	[sflag:s15] =	ssyncadd.s32 $0xFFFFF800  }
0x68: {  	[hbm:s9], [sflag:s21] =	dma.local [spmem:s30], $0x800  }
0x69: {  	s20 =	sadd.s32 $0x1, s20;
	_ =	swait.ge [sflag:s15], $0x800  }
0x6a: {  	p0 =	sne.s32 s20, s11;
	[sflag:s15] =	ssyncset.done $0x0  }
.Ltmp2:
0x6b: {  	s31 =	sshrl.u32 s7, $0x3;
	[sflag:s15] =	ssyncadd.s32 $0xFFFFF800;
	(pc) =	sbr.rel @p0 .LBB2_1-.Ltmp2, $4  }
0x6c: {  	[hbm:s10], [sflag:s21] =	dma.local [spmem:s31], $0x400  }
0x6d: {  	_ =	swait.ge [sflag:s15], $0x400  }
0x6e: {  	[sflag:s15] =	ssyncset.done $0x0  }
0x6f: {  	[sflag:s15] =	ssyncadd.s32 $0xFFFFFC00  }
0x70: {  	_ =	sfence.sel $0x180000  }
0x71: {  	[bflag:$0x0] =	sbarrier.arrive $0xFFFF  }
0x72: {  	p0 =	sne.s32 s1, $0x0;
	_ =	strace $0x9000004D  }
0x73: {  	s0 =	sadd.s32 @!p0 $0x100000, s0;
	[bflag:$0x2] =	sbarrier.arrive $0xFFFF  }
0x74: {  	[sflag:s0] =	ssyncadd.tile.s32 @!p0 $0x1;
	_ =	shalt  }
.Lfunc_end2:
_tile_overlayer_lowered:
.L_overlay_start_2:
0x75: {  	(tag) =	ssettag $0x2  }
0x76: {  	s0 =	rddreg [dreg:$0x0];
	s2 =	stileid.u32  }
0x77: {  	s1 =	rddreg [dreg:$0x1];
	p0 =	sne.s32 s2, $0x0  }
0x78: {  	s3 =	rddreg [dreg:$0x2];
	[bflag:$0x3] =	sbarrier.arrive $0xFFFF;
	s2 =	simm.s32 @!p0 $0x1C02  }
0x79: {  	[timem:s3], [sflag:s2] =	dma.local @!p0 [hbm:s0], s1  }
0x7a: {  	s0 =	simm.s32 @!p0 $0x2  }
0x7b: {  	_ =	swait.ge @!p0 [sflag:s0], s1  }
0x7c: {  	s1 =	ssub.s32 @!p0 $0x0, s1;
	[sflag:s0] =	ssyncset.done @!p0 $0x0  }
0x7d: {  	[sflag:s0] =	ssyncadd.s32 @!p0 s1  }
0x7e: {  	[bflag:$0x3] =	sbarrier.arrive $0xFFFF  }
0x7f: {  	_ =	shalt  }

// kernel: kernel.19.cloned.1.call-start
scs
__scs_entry_jumppad:
0x0: {  	(pc) =	sbr.rel $0x88, $3  }
0x1: {  	(tag) =	ssettag $0x0;
	lr =	simm.s32 $0x1  }
0x2: {  	[smem:$0x3F98] =	sst lr;
	_ =	strace $0xD0000000  }
0x3: {  	_ = 	snop  }
0x4: {  	_ = 	snop  }
0x5: {  	_ = 	snop  }
0x6: {  	_ = 	snop  }
0x7: {  	_ = 	snop  }
__scs_overlays_trampoline_lowered:
0x8: {  	[smem:$0x3FA7] =	sst s0  }
0x9: {  	[smem:$0x3FA8] =	sst s1  }
0xa: {  	[smem:$0x3FA9] =	sst s2  }
0xb: {  	[smem:$0x3FAA] =	sst s3  }
0xc: {  	[smem:$0x3FAB] =	sst s4  }
0xd: {  	[smem:$0x3FAC] =	sst s5  }
0xe: {  	[smem:$0x3FAD] =	sst s6  }
0xf: {  	[smem:$0x3FAE] =	sst s7  }
0x10: {  	[smem:$0x3FAF] =	sst s8  }
0x11: {  	[smem:$0x3FB0] =	sst s9;
	s0 =	simm.s32 @!p0 $0x0  }
0x12: {  	s1 =	sld [smem:$0x3F96];
	s0 =	simm.s32 @p0 $0x1  }
0x13: {  	[smem:$0x3FB1] =	sst s0;
	s0 =	simm.s32 @!p1 $0x0  }
0x14: {  	s2 =	sld [smem:$0x3F95];
	s0 =	simm.s32 @p1 $0x1  }
0x15: {  	[smem:$0x3FB2] =	sst s0;
	s0 =	simm.s32 @!p2 $0x0  }
0x16: {  	s3 =	sld [smem:$0x3FDB];
	s0 =	simm.s32 @p2 $0x1  }
0x17: {  	s4 =	simm.s32 $0x1BF5;
	[smem:$0x3FB4] =	sst s0  }
0x18: {  	s0 =	sld [smem:$0x3F97];
	_ =	swait.ge [sflag:s4], $0x0  }
0x19: {  	s7 =	sld [smem:$0x3F98]  }
0x1a: {  	s8 =	sadd.s32 $0xFFFFE003, lr  }
0x1b: {  	s9 =	sadd.s32 $0xFFFFFEF7, lr;
	s5 =	simm.s32 $0xFFFFFFFF;
	p2 =	slt.u32 s8, $0xFFFFF086  }
0x1c: {  	p1 =	slt.u32 s9, $0xF7A;
	s5 =	simm.s32 @!p2 $0x0  }
0x1d: {  	s5 =	simm.s32 @p1 $0x1;
	p0 =	seq.s32 s7, s2  }
0x1e: {  	s7 =	smul.u32 @!p0 $0xF7A, s2;
	p2 =	seq.s32 @!p0 s5, $0x0  }
0x1f: {  	s9 =	smul.u32 $0xF7A, s1;
	s8 =	simm.s32 @!p0 $0x1BF5;
	p2 =	por !p2, p0  }
0x20: {  	[sflag:s8] =	ssyncset.s32 @!p0 $0xFFFFF086;
	s6 =	sadd.s32 @!p0 s3, s7;
	s7 =	simm.s32 @!p0 $0x108  }
0x21: {  	s3 =	sadd.s32 s3, s9;
	s6 =	sadd.s32 @!p0 $0x88, s6;
	s7 =	simm.s32 @p2 $0x1082  }
0x22: {  	[simem:s7], [sflag:s8] =	dma.local @!p0 [hbm:s6], $0xF7A  }
0x23: {  	s9 =	sor.u32 $0xD0000000, s2;
	s6 =	simm.s32 $0x108;
	_ =	swait.ge @!p0 [sflag:s8], $0x0  }
0x24: {  	s3 =	sadd.s32 $0x88, s3;
	s6 =	simm.s32 @!p1 $0x1082;
	[sflag:s4] =	ssyncset.s32 $0xFFFFF086  }
0x25: {  	[simem:s6], [sflag:s4] =	dma.local [hbm:s3], $0xF7A  }
0x26: {  	[smem:$0x3F98] =	sst s1;
	(tag) =	ssettag s2;
	_ =	strace s9  }
0x27: {  	s1 =	sld [smem:$0x3FA8]  }
0x28: {  	s2 =	sld [smem:$0x3FA9]  }
0x29: {  	s4 =	sld [smem:$0x3FAB]  }
0x2a: {  	p0 =	seq.s32 s5, $0x0;
	s5 =	sld [smem:$0x3FAC]  }
0x2b: {  	s6 =	sld [smem:$0x3FAD]  }
0x2c: {  	s7 =	sld [smem:$0x3FAE]  }
0x2d: {  	s3 =	simm.s32 $0x108;
	s8 =	sld [smem:$0x3FAF]  }
0x2e: {  	s3 =	simm.s32 @!p0 $0x1082;
	s9 =	sld [smem:$0x3FB0]  }
0x2f: {  	lr =	sadd.s32 s0, s3;
	s0 =	sld [smem:$0x3FA7]  }
0x30: {  	s3 =	sld [smem:$0x3FAA]  }
0x31: {  	[smem:$0x3FB3] =	sst s10  }
0x32: {  	s10 =	sld [smem:$0x3FB1];
	_ =	sdelay $0x3  }
0x33: {  	p0 =	seq.s32 s10, $0x1;
	s10 =	sld [smem:$0x3FB3];
	_ =	sdelay $0x3  }
0x34: {  	[smem:$0x3FB3] =	sst s10  }
0x35: {  	s10 =	sld [smem:$0x3FB2];
	_ =	sdelay $0x3  }
0x36: {  	p1 =	seq.s32 s10, $0x1;
	s10 =	sld [smem:$0x3FB3];
	_ =	sdelay $0x3  }
0x37: {  	[smem:$0x3FB3] =	sst s10  }
0x38: {  	s10 =	sld [smem:$0x3FB4]  }
0x39: {  	_ = 	snop;
	(pc) =	sbr.ind lr, $3  }
0x3a: {  	_ = 	snop  }
0x3b: {  	_ = 	snop  }
0x3c: {  	p2 =	seq.s32 s10, $0x1;
	s10 =	sld [smem:$0x3FB3]  }
0x3d: {  	_ =	shalt  }
0x3e: {  	_ =	shalt  }
0x3f: {  	_ =	shalt  }
0x40: {  	_ =	shalt  }
0x41: {  	_ =	shalt  }
0x42: {  	_ =	shalt  }
0x43: {  	_ =	shalt  }
0x44: {  	_ =	shalt  }
0x45: {  	_ =	shalt  }
0x46: {  	_ =	shalt  }
0x47: {  	_ =	shalt  }
0x48: {  	_ =	shalt  }
0x49: {  	_ =	shalt  }
0x4a: {  	_ =	shalt  }
0x4b: {  	_ =	shalt  }
0x4c: {  	_ =	shalt  }
0x4d: {  	_ =	shalt  }
0x4e: {  	_ =	shalt  }
0x4f: {  	_ =	shalt  }
0x50: {  	_ =	shalt  }
0x51: {  	_ =	shalt  }
0x52: {  	_ =	shalt  }
0x53: {  	_ =	shalt  }
0x54: {  	_ =	shalt  }
0x55: {  	_ =	shalt  }
0x56: {  	_ =	shalt  }
0x57: {  	_ =	shalt  }
0x58: {  	_ =	shalt  }
0x59: {  	_ =	shalt  }
0x5a: {  	_ =	shalt  }
0x5b: {  	_ =	shalt  }
0x5c: {  	_ =	shalt  }
0x5d: {  	_ =	shalt  }
0x5e: {  	_ =	shalt  }
0x5f: {  	_ =	shalt  }
0x60: {  	_ =	shalt  }
0x61: {  	_ =	shalt  }
0x62: {  	_ =	shalt  }
0x63: {  	_ =	shalt  }
0x64: {  	_ =	shalt  }
0x65: {  	_ =	shalt  }
0x66: {  	_ =	shalt  }
0x67: {  	_ =	shalt  }
0x68: {  	_ =	shalt  }
0x69: {  	_ =	shalt  }
0x6a: {  	_ =	shalt  }
0x6b: {  	_ =	shalt  }
0x6c: {  	_ =	shalt  }
0x6d: {  	_ =	shalt  }
0x6e: {  	_ =	shalt  }
0x6f: {  	_ =	shalt  }
0x70: {  	_ =	shalt  }
0x71: {  	_ =	shalt  }
0x72: {  	_ =	shalt  }
0x73: {  	_ =	shalt  }
0x74: {  	_ =	shalt  }
0x75: {  	_ =	shalt  }
0x76: {  	_ =	shalt  }
0x77: {  	_ =	shalt  }
0x78: {  	_ =	shalt  }
0x79: {  	_ =	shalt  }
0x7a: {  	_ =	shalt  }
0x7b: {  	_ =	shalt  }
0x7c: {  	_ =	shalt  }
0x7d: {  	_ =	shalt  }
0x7e: {  	_ =	shalt  }
0x7f: {  	_ =	shalt  }
0x80: {  	_ =	shalt  }
0x81: {  	_ =	shalt  }
0x82: {  	_ =	shalt  }
0x83: {  	_ =	shalt  }
0x84: {  	_ =	shalt  }
0x85: {  	_ =	shalt  }
0x86: {  	_ =	shalt  }
0x87: {  	_ =	shalt  }
.Lfunc_end0:
.L_simem_size_0:
called_computation.3_lowered:
.L_overlay_start_0:
0x88: {  	s2 =	sld [smem:$0x3FD9]  }
0x89: {  	s3 =	sld [smem:$0x3FFE];
	_ =	sdelay $0x1  }
0x8a: {  	s1 =	srdreg.scid  }
0x8b: {  	s0 =	sand.u32 $0x1, s1  }
0x8c: {  	s17 =	sshll.u32 s0, $0xA;
	s2 =	sadd.s32 s3, s2  }
0x8d: {  	s2 =	sadd.s32 s2, s17  }
0x8e: {  	[smem:$0x3FBF] =	sst s2  }
0x8f: {  	_ = 	snop  }
0x90: {  	s2 =	sld [smem:$0x3FC8]  }
0x91: {  	s18 =	sld [smem:$0x3FC7];
	(tm) =	ssettm $0x1  }
0x92: {  	s4 =	sld [smem:$0x3FFB];
	_ =	sdelay $0x3  }
0x93: {  	_ =	strace s4  }
0x94: {  	s4 =	sld [smem:$0x3FFC];
	_ =	sdelay $0x3  }
0x95: {  	_ =	strace s4  }
0x96: {  	s4 =	sld [smem:$0x3FFD];
	_ =	sdelay $0x3  }
0x97: {  	_ =	strace s4  }
0x98: {  	_ =	strace $0x8FFFFFFF  }
0x99: {  	s19 =	sld [smem:$0x3FDB];
	_ =	sdelay $0x1  }
0x9a: {  	s5 =	simm.s32 $_scs_section_size  }
0x9b: {  	s6 =	simm.s32 $_size__tile_overlayer_lowered;
	s7 =	simm.s32 $_tile_overlayer_lowered  }
0x9c: {  	s22 =	simm.s32 $0x1BFF;
	s21 =	sshll.u32 s7, $0x1;
	s4 =	sadd.s32 s5, s19  }
0x9d: {  	s8 =	simm.s32 $0x0;
	s20 =	sshll.u32 s6, $0x1;
	s6 =	sadd.s32 s21, s4  }
0x9e: {  	[timem:s8], [sflag:s22] =	dma.local [hbm:s6], s20  }
0x9f: {  	_ =	swait.ge [sflag:s22], s20  }
0xa0: {  	s5 =	ssub.s32 $0x0, s20;
	[sflag:s22] =	ssyncset.done $0x0  }
0xa1: {  	[sflag:s22] =	ssyncadd.s32 s5;
	_ =	sdelay $0x1  }
0xa2: {  	s23 =	simm.s32 $0x1B8B  }
0xa3: {  	_ =	swait.ge [sflag:s23], $0x1  }
0xa4: {  	[sflag:s23] =	ssyncset.done $0x0  }
0xa5: {  	s25 =	simm.s32 $0x1B8E;
	s24 =	sld [smem:$0x3FFE];
	[sflag:s23] =	ssyncadd.s32 $0xFFFFFFFF  }
0xa6: {  	s26 =	simm.s32 $execute0_lowered;
	[smem:$0x3FD2] =	sst s25  }
0xa7: {  	s6 =	sshll.u32 s26, $0x1;
	_ =	strace $0x8000004F;
	[dreg:$0x1] =	wrdreg $0xFFFFFFFF  }
0xa8: {  	s28 =	simm.s32 $_size_execute0_lowered;
	s4 =	sadd.s32 s4, s6;
	[dreg:$0x0] =	wrdreg $0x0  }
0xa9: {  	s6 =	sshll.u32 s28, $0x1;
	[dreg:$0x2] =	wrdreg s4  }
0xaa: {  	[dreg:$0x3] =	wrdreg s6  }
0xab: {  	[dreg:$0x4] =	wrdreg $0xC0  }
0xac: {  	_ =	task [dreg:s8], $0x5FFFF  }
0xad: {  	[dreg:$0x1] =	wrdreg $0xFFFFFFFF  }
0xae: {  	[dreg:$0x0] =	wrdreg $0x60  }
0xaf: {  	[dreg:$0x2] =	wrdreg s24  }
0xb0: {  	[dreg:$0x3] =	wrdreg s18  }
0xb1: {  	[dreg:$0x4] =	wrdreg s2  }
0xb2: {  	[dreg:$0x5] =	wrdreg $0x69000  }
0xb3: {  	[dreg:$0x6] =	wrdreg $0x9  }
0xb4: {  	_ =	task.clear_ibuf [dreg:s8], $0x7FFFF;
	_ =	strace $0x9000004F  }
0xb5: {  	s29 =	simm.s32 $0x9;
	_ =	strace $0x80000051  }
0xb6: {  	_ =	swait.ge [sflag:s29], $0x1  }
0xb7: {  	[sflag:s29] =	ssyncadd.s32 $0xFFFFFFFF  }
0xb8: {  	_ =	strace $0x90000051  }
0xb9: {  	_ =	sfence  }
0xba: {  	s30 =	sld [smem:$0x0];
	_ =	sdelay $0x2  }
0xbb: {  	s31 =	sshll.u32 s1, $0xD;
	s1 =	sshrl.u32 s1, $0x2  }
0xbc: {  	s3 =	sand.u32 $0x4000, s31;
	s1 =	sadd.s32 s1, s30  }
0xbd: {  	s0 =	sor.u32 s3, s0;
	s1 =	sshll.u32 s1, $0x11  }
0xbe: {  	s0 =	sor.u32 s1, s0  }
0xbf: {  	s0 =	sadd.s32 $0x8F2B, s0  }
0xc0: {  	[sflag:s0] =	ssyncadd.remote.s32 $0x1  }
0xc1: {  	_ =	sfence.sel $0xFFFF  }
0xc2: {  	[dreg:$0x0] =	wrdreg $0xFFFFFFFF;
	(pc) =	sbr.abs _section_cstart, $3  }
0xc3: {  	[dreg:$0x1] =	wrdreg $0xFFFFFFFF  }
0xc4: {  	_ =	task.clear_ibuf [dreg:s8], $0x2FFFF;
	_ =	strace $0x9FFFFFFF  }
0xc5: {  	(tm) =	ssettm $0x7FFFFFFF  }
tec
execute0_lowered:
.L_overlay_start_1:
0x0: {  	(tag) =	ssettag $0x1  }
0x1: {  	s5 =	rddreg [dreg:$0x0]  }
0x2: {  	s17 =	rddreg [dreg:$0x1]  }
0x3: {  	s16 =	rddreg [dreg:$0x2]  }
0x4: {  	s1 =	rddreg [dreg:$0x3]  }
0x5: {  	s0 =	rddreg [dreg:$0x4];
	s3 =	simm.s32 $0x0;
	s2 =	stileid.u32  }
0x6: {  	s4 =	srdreg.scid;
	s22 =	simm.s32 $0x100;
	s7 =	smul.u32 $0x50000, s2  }
0x7: {  	[smem:$0x7FF] =	sst s3;
	s12 =	sand.u32 $0x1, s4;
	s9 =	smul.u32 $0x14000, s2  }
0x8: {  	s4 =	sadd.s32 $0x2C00, s5;
	s14 =	sadd.s32 $0x16C00, s5;
	s29 =	smul.u32 $0x2710, s2  }
0x9: {  	_ =	strace $0x80000050;
	s6 =	ssub.s32 $0x2, s12;
	s13 =	smul.u32 $0x140000, s12  }
0xa: {  	s25 =	smul.u32 $0x27100, s12;
	s8 =	sshrl.u32 s6, $0x1;
	s23 =	sshrl.u32 s7, $0x2  }
0xb: {  	s10 =	sadd.s32 $0x4000, s9;
	s18 =	sadd.s32 $0x8000, s9;
	s19 =	sadd.s32 $0xC000, s9  }
0xc: {  	s20 =	sadd.s32 $0x10000, s9;
	s15 =	ssub.s32 s6, s8;
	s5 =	sadd.s32 s23, s1  }
0xd: {  	s6 =	sadd.s32 s10, s1;
	s7 =	sadd.s32 s18, s1;
	s8 =	sadd.s32 s19, s1  }
0xe: {  	s11 =	sadd.s32 s9, s13;
	s21 =	sadd.s32 s13, s10;
	s9 =	sadd.s32 s20, s1  }
0xf: {  	s18 =	sadd.s32 s13, s18;
	s28 =	sadd.s32 s13, s19;
	s20 =	sadd.s32 s13, s20  }
0x10: {  	s19 =	sadd.s32 s29, s25;
	s23 =	simm.s32 $0x1;
	s11 =	sshrl.u32 s11, $0x3  }
0x11: {  	s24 =	sshrl.u32 s21, $0x3;
	s26 =	sshrl.u32 s18, $0x3;
	s18 =	sshrl.u32 s28, $0x3  }
0x12: {  	s30 =	sshrl.u32 s20, $0x3;
	s15 =	smax.u32 s15, $0x1;
	s31 =	sshrl.u32 s19, $0x3  }
0x13: {  	s19 =	simm.s32 $0x2;
	s20 =	simm.s32 $0x80;
	s21 =	simm.s32 $0x50  }
0x14: {  	s10 =	sadd.s32 s14, s11;
	s11 =	sadd.s32 s14, s24;
	s12 =	sadd.s32 s14, s26  }
0x15: {  	s13 =	sadd.s32 s14, s18;
	s14 =	sadd.s32 s14, s30;
	s16 =	sadd.s32 s31, s16  }
0x16: {  	v0 =	vimm.f32 $0.0e+00;
	s17 =	sadd.s32 s31, s17;
	s18 =	simm.s32 $0x2900;
	s24 =	simm.s32 $0x0  }
.LBB2_1:
0x17: {  	s25 =	simm.s32 $0x0;
	s26 =	simm.s32 $0x200  }
.LBB2_2:
0x18: {  	p0 =	sne.s32 s26, $0xFE00;
	[tilespmem:s25+$0x2970] =	vst v0  }
0x19: {  	[tilespmem:s25+$0x2900] =	vst v0  }
0x1a: {  	[tilespmem:s25+$0x2910] =	vst v0  }
.Ltmp0:
0x1b: {  	[tilespmem:s25+$0x2920] =	vst v0;
	(pc) =	sbr.rel @p0 .LBB2_2-.Ltmp0, $4  }
0x1c: {  	[tilespmem:s25+$0x2930] =	vst v0  }
0x1d: {  	[tilespmem:s25+$0x2940] =	vst v0  }
0x1e: {  	[tilespmem:s25+$0x2950] =	vst v0  }
0x1f: {  	[tilespmem:s25+$0x2960] =	vst v0;
	s25 =	sshra.s32 s26, $0x2;
	s26 =	sadd.s32 $0x200, s26  }
0x20: {  	[tilespmem:s25+$0x2970] =	vst v0  }
0x21: {  	[tilespmem:s25+$0x2900] =	vst v0  }
0x22: {  	[tilespmem:s25+$0x2910] =	vst v0  }
0x23: {  	[tilespmem:s25+$0x2920] =	vst v0  }
0x24: {  	[tilespmem:s25+$0x2930] =	vst v0  }
0x25: {  	[tilespmem:s25+$0x2940] =	vst v0  }
0x26: {  	[tilespmem:s25+$0x2950] =	vst v0  }
0x27: {  	[tilespmem:s25+$0x2960] =	vst v0  }
0x28: {  	[spmem:s5] =	stream.linear.scatter [tilespmem:s18], [sflag:$0x2], $0x4000, $0x38;
	[tilespmem:$0x1A900] =	vst v63  }
0x29: {  	_ =	swait.ge [sflag:s19], $0x4000  }
0x2a: {  	[sflag:s19] =	ssyncset.done $0x0  }
0x2b: {  	[sflag:s19] =	ssyncadd.s32 $0xFFFFC000  }
0x2c: {  	[spmem:s6] =	stream.linear.scatter [tilespmem:s18], [sflag:$0x2], $0x4000, $0x38;
	[tilespmem:$0x1A900] =	vst v63  }
0x2d: {  	_ =	swait.ge [sflag:s19], $0x4000  }
0x2e: {  	[sflag:s19] =	ssyncset.done $0x0  }
0x2f: {  	[sflag:s19] =	ssyncadd.s32 $0xFFFFC000  }
0x30: {  	[spmem:s7] =	stream.linear.scatter [tilespmem:s18], [sflag:$0x2], $0x4000, $0x38;
	[tilespmem:$0x1A900] =	vst v63  }
0x31: {  	_ =	swait.ge [sflag:s19], $0x4000  }
0x32: {  	[sflag:s19] =	ssyncset.done $0x0  }
0x33: {  	[sflag:s19] =	ssyncadd.s32 $0xFFFFC000  }
0x34: {  	[spmem:s8] =	stream.linear.scatter [tilespmem:s18], [sflag:$0x2], $0x4000, $0x38;
	[tilespmem:$0x1A900] =	vst v63  }
0x35: {  	_ =	swait.ge [sflag:s19], $0x4000  }
0x36: {  	[sflag:s19] =	ssyncset.done $0x0  }
0x37: {  	[sflag:s19] =	ssyncadd.s32 $0xFFFFC000  }
0x38: {  	[spmem:s9] =	stream.linear.scatter [tilespmem:s18], [sflag:$0x2], $0x4000, $0x38;
	[tilespmem:$0x1A900] =	vst v63  }
0x39: {  	_ =	swait.ge [sflag:s19], $0x4000  }
0x3a: {  	[sflag:s19] =	ssyncset.done $0x0  }
0x3b: {  	[sflag:s19] =	ssyncadd.s32 $0xFFFFC000  }
0x3c: {  	s30 =	sadd.s32 $0x0, s17;
	[bflag:$0x0] =	sbarrier.arrive $0xFFFF  }
0x3d: {  	[tilespmem:s3], [sflag:$0x2] =	stream.linear.gather [hbm4b:s30+s3], $0x50, $0x38;
	[tilespmem:$0x1A900] =	vst v63  }
0x3e: {  	_ =	swait.ge [sflag:s19], $0x50  }
0x3f: {  	[sflag:s19] =	ssyncset.done $0x0  }
0x40: {  	s31 =	sadd.s32 $0x0, s16;
	[sflag:s19] =	ssyncadd.s32 $0xFFFFFFB0  }
0x41: {  	[tilespmem:s20], [sflag:$0x2] =	stream.linear.gather [hbm4b:s31+s3], $0x50, $0x38;
	[tilespmem:$0x1A900] =	vst v63  }
0x42: {  	_ =	swait.ge [sflag:s19], $0x50  }
0x43: {  	[sflag:s19] =	ssyncset.done $0x0  }
0x44: {  	[sflag:s19] =	ssyncadd.s32 $0xFFFFFFB0  }
0x45: {  	[tilespmem:s22], [sflag:$0x1] =	stream.indirect.gather [hbm4b:s4+s21], $0x80, s3, s21, $0xb8;
	[tilespmem:$0x1A900] =	vst v63  }
0x46: {  	_ =	swait.ge [sflag:s23], $0x2800  }
0x47: {  	[sflag:s23] =	ssyncset.done $0x0  }
0x48: {  	[sflag:s23] =	ssyncadd.s32 $0xFFFFD800  }
0x49: {  	[spmem:s1] =	stream.indirect.scatter.add.f32 [tilespmem:s22], [sflag:$0x2], $0x80, s20, s21, $0xb8;
	[tilespmem:$0x1A900] =	vst v63  }
0x4a: {  	_ =	swait.ge [sflag:s19], $0x2800  }
0x4b: {  	s25 =	simm.s32 $0xA;
	s26 =	simm.s32 $0x14;
	[sflag:s19] =	ssyncset.done $0x0  }
.LBB2_4:
0x4c: {  	s28 =	sadd.s32 s25, s17  }
0x4d: {  	[sflag:s19] =	ssyncadd.s32 $0xFFFFD800;
	s29 =	smov.u32 s26;
	s30 =	sadd.s32 $0xA, s26  }
0x4e: {  	[tilespmem:s3], [sflag:$0x2] =	stream.linear.gather [hbm4b:s28+s3], $0x50, $0x38;
	[tilespmem:$0x1A900] =	vst v63  }
0x4f: {  	p0 =	sne.s32 s26, $0x4D8;
	_ =	swait.ge [sflag:s19], $0x50  }
0x50: {  	[sflag:s19] =	ssyncset.done $0x0  }
0x51: {  	s26 =	sadd.s32 s25, s16;
	s25 =	smov.u32 s29;
	[sflag:s19] =	ssyncadd.s32 $0xFFFFFFB0  }
0x52: {  	[tilespmem:s20], [sflag:$0x2] =	stream.linear.gather [hbm4b:s26+s3], $0x50, $0x38;
	[tilespmem:$0x1A900] =	vst v63  }
0x53: {  	_ =	swait.ge [sflag:s19], $0x50  }
0x54: {  	[sflag:s19] =	ssyncset.done $0x0  }
0x55: {  	[sflag:s19] =	ssyncadd.s32 $0xFFFFFFB0  }
0x56: {  	[tilespmem:s22], [sflag:$0x1] =	stream.indirect.gather [hbm4b:s4+s21], $0x80, s3, s21, $0xb8;
	[tilespmem:$0x1A900] =	vst v63  }
0x57: {  	_ =	swait.ge [sflag:s23], $0x2800  }
.Ltmp1:
0x58: {  	[sflag:s23] =	ssyncset.done $0x0;
	(pc) =	sbr.rel @p0 .LBB2_4-.Ltmp1, $4  }
0x59: {  	[sflag:s23] =	ssyncadd.s32 $0xFFFFD800  }
0x5a: {  	[spmem:s1] =	stream.indirect.scatter.add.f32 [tilespmem:s22], [sflag:$0x2], $0x80, s20, s21, $0xb8;
	[tilespmem:$0x1A900] =	vst v63  }
0x5b: {  	_ =	swait.ge [sflag:s19], $0x2800  }
0x5c: {  	s26 =	smov.u32 s30;
	[sflag:s19] =	ssyncset.done $0x0  }
0x5d: {  	s26 =	sadd.s32 s25, s17;
	[sflag:s19] =	ssyncadd.s32 $0xFFFFD800  }
0x5e: {  	[tilespmem:s3], [sflag:$0x2] =	stream.linear.gather [hbm4b:s26+s3], $0x50, $0x38;
	[tilespmem:$0x1A900] =	vst v63  }
0x5f: {  	_ =	swait.ge [sflag:s19], $0x50  }
0x60: {  	[sflag:s19] =	ssyncset.done $0x0  }
0x61: {  	s29 =	sadd.s32 s25, s16;
	[sflag:s19] =	ssyncadd.s32 $0xFFFFFFB0  }
0x62: {  	[tilespmem:s20], [sflag:$0x2] =	stream.linear.gather [hbm4b:s29+s3], $0x50, $0x38;
	[tilespmem:$0x1A900] =	vst v63  }
0x63: {  	_ =	swait.ge [sflag:s19], $0x50  }
0x64: {  	[sflag:s19] =	ssyncset.done $0x0  }
0x65: {  	[sflag:s19] =	ssyncadd.s32 $0xFFFFFFB0  }
0x66: {  	[tilespmem:s22], [sflag:$0x1] =	stream.indirect.gather [hbm4b:s4+s21], $0x80, s3, s21, $0xb8;
	[tilespmem:$0x1A900] =	vst v63  }
0x67: {  	_ =	swait.ge [sflag:s23], $0x2800  }
0x68: {  	[sflag:s23] =	ssyncset.done $0x0  }
0x69: {  	[sflag:s23] =	ssyncadd.s32 $0xFFFFD800  }
0x6a: {  	[spmem:s1] =	stream.indirect.scatter.add.f32 [tilespmem:s22], [sflag:$0x2], $0x80, s20, s21, $0xb8;
	[tilespmem:$0x1A900] =	vst v63  }
0x6b: {  	_ =	swait.ge [sflag:s19], $0x2800  }
0x6c: {  	[sflag:s19] =	ssyncset.done $0x0  }
0x6d: {  	s30 =	sshll.u32 s2, $0x6;
	[sflag:s19] =	ssyncadd.s32 $0xFFFFD800  }
0x6e: {  	s31 =	sshrl.u32 s5, $0x3;
	s25 =	sor.u32 $0x1C02, s30;
	[bflag:$0x0] =	sbarrier.arrive $0xFFFF  }
0x6f: {  	[hbm:s10], [sflag:s25] =	dma.local [spmem:s31], $0x800  }
0x70: {  	_ =	swait.ge [sflag:s19], $0x800  }
0x71: {  	[sflag:s19] =	ssyncset.done $0x0  }
0x72: {  	s28 =	sshrl.u32 s6, $0x3;
	[sflag:s19] =	ssyncadd.s32 $0xFFFFF800  }
0x73: {  	[hbm:s11], [sflag:s25] =	dma.local [spmem:s28], $0x800  }
0x74: {  	_ =	swait.ge [sflag:s19], $0x800  }
0x75: {  	[sflag:s19] =	ssyncset.done $0x0  }
0x76: {  	s29 =	sshrl.u32 s7, $0x3;
	[sflag:s19] =	ssyncadd.s32 $0xFFFFF800  }
0x77: {  	[hbm:s12], [sflag:s25] =	dma.local [spmem:s29], $0x800  }
0x78: {  	_ =	swait.ge [sflag:s19], $0x800  }
0x79: {  	[sflag:s19] =	ssyncset.done $0x0  }
0x7a: {  	s30 =	sshrl.u32 s8, $0x3;
	[sflag:s19] =	ssyncadd.s32 $0xFFFFF800  }
0x7b: {  	[hbm:s13], [sflag:s25] =	dma.local [spmem:s30], $0x800  }
0x7c: {  	s24 =	sadd.s32 $0x1, s24;
	_ =	swait.ge [sflag:s19], $0x800  }
0x7d: {  	p0 =	sne.s32 s24, s15;
	[sflag:s19] =	ssyncset.done $0x0  }
.Ltmp2:
0x7e: {  	s31 =	sshrl.u32 s9, $0x3;
	[sflag:s19] =	ssyncadd.s32 $0xFFFFF800;
	(pc) =	sbr.rel @p0 .LBB2_1-.Ltmp2, $4  }
0x7f: {  	[hbm:s14], [sflag:s25] =	dma.local [spmem:s31], $0x800  }
0x80: {  	_ =	swait.ge [sflag:s19], $0x800  }
0x81: {  	[sflag:s19] =	ssyncset.done $0x0  }
0x82: {  	[sflag:s19] =	ssyncadd.s32 $0xFFFFF800  }
0x83: {  	_ =	sfence.sel $0x180000  }
0x84: {  	[bflag:$0x0] =	sbarrier.arrive $0xFFFF  }
0x85: {  	p0 =	sne.s32 s2, $0x0;
	_ =	strace $0x90000050  }
0x86: {  	s0 =	sadd.s32 @!p0 $0x100000, s0;
	[bflag:$0x2] =	sbarrier.arrive $0xFFFF  }
0x87: {  	[sflag:s0] =	ssyncadd.tile.s32 @!p0 $0x1;
	_ =	shalt  }
.Lfunc_end2:
_tile_overlayer_lowered:
.L_overlay_start_2:
0x88: {  	(tag) =	ssettag $0x2  }
0x89: {  	s0 =	rddreg [dreg:$0x0];
	s2 =	stileid.u32  }
0x8a: {  	s1 =	rddreg [dreg:$0x1];
	p0 =	sne.s32 s2, $0x0  }
0x8b: {  	s3 =	rddreg [dreg:$0x2];
	[bflag:$0x3] =	sbarrier.arrive $0xFFFF;
	s2 =	simm.s32 @!p0 $0x1C02  }
0x8c: {  	[timem:s3], [sflag:s2] =	dma.local @!p0 [hbm:s0], s1  }
0x8d: {  	s0 =	simm.s32 @!p0 $0x2  }
0x8e: {  	_ =	swait.ge @!p0 [sflag:s0], s1  }
0x8f: {  	s1 =	ssub.s32 @!p0 $0x0, s1;
	[sflag:s0] =	ssyncset.done @!p0 $0x0  }
0x90: {  	[sflag:s0] =	ssyncadd.s32 @!p0 s1  }
0x91: {  	[bflag:$0x3] =	sbarrier.arrive $0xFFFF  }
0x92: {  	_ =	shalt  }

</sc_bundles>
